<compile_context>
chip_gen: v7x
topology: tpu7x:2x2x1
jax: 0.10.2.dev20260603
libtpu: 0.0.44.dev20260713+nightly
codegen_flags: <defaults>
</compile_context>

<pallas_src>
import functools

import jax
import jax.numpy as jnp
import numpy as np
from jax.experimental import pallas as pl
from jax.experimental.pallas import tpu as pltpu

_CH = 512


def _fps_pallas_body(npoint, n_valid, x_ref, y_ref, z_ref, idx_ref, dists_ref):
    NB, L = x_ref.shape
    lane = jax.lax.broadcasted_iota(jnp.int32, (1, L), 1)
    flat = jax.lax.broadcasted_iota(jnp.int32, (NB, L), 0) * L + \
        jax.lax.broadcasted_iota(jnp.int32, (NB, L), 1)
    valid = flat < n_valid
    dists_ref[...] = jnp.where(valid, jnp.float32(1e10), jnp.float32(-jnp.inf))
    idx_ref[...] = jnp.zeros(idx_ref.shape, jnp.int32)
    ninf = jnp.float32(-jnp.inf)

    def body(i, selv):
        m2 = flat == selv
        lx = jnp.max(jnp.where(m2, x_ref[...], ninf), keepdims=True)
        ly = jnp.max(jnp.where(m2, y_ref[...], ninf), keepdims=True)
        lz = jnp.max(jnp.where(m2, z_ref[...], ninf), keepdims=True)
        dx = x_ref[...] - lx
        dy = y_ref[...] - ly
        dz = z_ref[...] - lz
        d = (dx * dx + dz * dz) + dy * dy
        nd = jnp.minimum(dists_ref[...], d)
        dists_ref[...] = nd
        m = jnp.max(nd, keepdims=True)
        nsel = jnp.min(jnp.where(nd == m, flat, jnp.int32(2 ** 30)), keepdims=True)
        ir = i // L
        ic = i % L
        row = idx_ref[pl.ds(ir, 1), :]
        idx_ref[pl.ds(ir, 1), :] = jnp.where(lane == ic, nsel, row)
        return nsel

    jax.lax.fori_loop(1, npoint, body, jnp.zeros((1, 1), jnp.int32))


def _fps(xyz, npoint):
    N = xyz.shape[0]
    L = 128
    npad = (-N) % L
    xt = jnp.pad(xyz, ((0, npad), (0, 0))).T
    NB = (N + npad) // L
    x8 = xt[0].reshape(NB, L)
    y8 = xt[1].reshape(NB, L)
    z8 = xt[2].reshape(NB, L)
    opad = (-npoint) % L
    OB = (npoint + opad) // L
    out = pl.pallas_call(
        functools.partial(_fps_pallas_body, npoint, N),
        out_shape=jax.ShapeDtypeStruct((OB, L), jnp.int32),
        scratch_shapes=[pltpu.VMEM((NB, L), jnp.float32)],
    )(x8, y8, z8)
    return out.reshape(-1)[:npoint]


def _bq_body(ns, N, r2, ncb, c_ref, cc_ref, xyzT_ref, xx_ref, out_ref,
             keys_ref, cnt_ref):
    CB = 512
    cb = c_ref[0]
    cc = cc_ref[0]
    lane_ns = jax.lax.broadcasted_iota(jnp.int32, (CB, ns), 1)
    col_iota = jax.lax.broadcasted_iota(jnp.int32, (CB, CB), 1)
    sent = jnp.int32(N)
    out_ref[0] = jnp.full((CB, ns), sent, jnp.int32)
    cnt_ref[...] = jnp.zeros((CB, 1), jnp.int32)

    def blk(j, _):
        xb = xyzT_ref[:, pl.ds(j * CB, CB)]
        xxb = xx_ref[:, pl.ds(j * CB, CB)]
        m = jnp.dot(cb, xb, preferred_element_type=jnp.float32)
        d2 = (cc + xxb) - 2.0 * m
        keys_ref[...] = jnp.where(d2 <= r2, col_iota + j * CB, sent)

        def wbody(_c):
            k = keys_ref[...]
            active = cnt_ref[...] < ns
            mb = jnp.min(jnp.where(active, k, sent), axis=1, keepdims=True)
            has = mb < sent
            out_ref[0] = jnp.where((lane_ns == cnt_ref[...]) & has, mb, out_ref[0])
            cnt_ref[...] = cnt_ref[...] + has.astype(jnp.int32)
            keys_ref[...] = jnp.where(k == mb, sent, k)
            return jnp.any(has)

        jax.lax.while_loop(lambda c: c, wbody, jnp.bool_(True))
        return 0

    jax.lax.fori_loop(0, ncb, blk, 0)
    vals = out_ref[0]
    idx = jnp.where(vals < sent, vals, vals[:, 0:1])
    out_ref[0] = jnp.clip(idx, 0, N - 1)


def _ball_query(xyz, centers, radius, nsample):
    S = centers.shape[0]
    N = xyz.shape[0]
    pad = (-S) % _CH
    cpad = jnp.concatenate([centers, jnp.broadcast_to(centers[:1], (pad, 3))], axis=0)
    SCn = (S + pad) // _CH
    c3 = jnp.pad(cpad, ((0, 0), (0, 5))).reshape(SCn, _CH, 8)
    cc = jnp.sum(cpad * cpad, axis=1)
    cc3 = cc.reshape(SCn, _CH, 1)
    npadN = (-N) % _CH
    xx = jnp.sum(xyz * xyz, axis=1)
    xxp = jnp.concatenate([xx, jnp.full((npadN,), 3e12, jnp.float32)])[None, :]
    xyzp = jnp.concatenate([xyz, jnp.full((npadN, 3), 1e6, jnp.float32)], axis=0)
    xyzT8 = jnp.pad(xyzp.T, ((0, 5), (0, 0)))
    Npad = N + npadN
    r2 = float(np.float32(radius * radius))
    out = pl.pallas_call(
        functools.partial(_bq_body, nsample, N, r2, Npad // _CH),
        grid=(SCn,),
        in_specs=[
            pl.BlockSpec((1, _CH, 8), lambda i: (i, 0, 0)),
            pl.BlockSpec((1, _CH, 1), lambda i: (i, 0, 0)),
            pl.BlockSpec((8, Npad), lambda i: (0, 0)),
            pl.BlockSpec((1, Npad), lambda i: (0, 0)),
        ],
        out_specs=pl.BlockSpec((1, _CH, nsample), lambda i: (i, 0, 0)),
        out_shape=jax.ShapeDtypeStruct((SCn, _CH, nsample), jnp.int32),
        scratch_shapes=[pltpu.VMEM((_CH, _CH), jnp.int32),
                        pltpu.VMEM((_CH, 1), jnp.int32)],
    )(c3, cc3, xyzT8, xxp)
    return out.reshape(-1, nsample)[:S]


def _sa_layer(xyz, feats, npoint, radius, nsample, W, gamma, beta):
    xyz_c = jax.lax.stop_gradient(xyz)
    fidx = _fps(xyz_c, npoint)
    new_xyz = jnp.take(xyz, fidx, axis=0)
    gidx = _ball_query(xyz_c, jax.lax.stop_gradient(new_xyz), radius, nsample)
    grouped_xyz = jnp.take(xyz, gidx.reshape(-1), axis=0).reshape(npoint, nsample, 3) - new_xyz[:, None, :]
    fT = feats.T
    grouped_f = jnp.take(fT, gidx.reshape(-1), axis=0).reshape(npoint, nsample, fT.shape[1])
    grouped = jnp.concatenate([grouped_xyz, grouped_f], axis=-1)
    h = grouped @ W.T
    mean = jnp.mean(h, axis=(0, 1))
    var = jnp.var(h, axis=(0, 1))
    h = (h - mean) / jnp.sqrt(var + 1e-5) * gamma + beta
    h = jax.nn.relu(h)
    nf = jnp.max(h, axis=1)
    return new_xyz, nf.T


def kernel(xyz, features, W1, g1, b1, W2, g2, b2, W3, g3, b3, W4, g4, b4):
    params = [(W1, g1, b1), (W2, g2, b2), (W3, g3, b3), (W4, g4, b4)]
    cfgs = [(65526, 0.02, 32), (32768, 0.04, 32), (16384, 0.08, 64), (8192, 0.12, 64)]
    l_xyz = [xyz]
    l_f = [features]
    for (npoint, radius, nsample), (W, g, b) in zip(cfgs, params):
        fn = functools.partial(_sa_layer, npoint=npoint, radius=radius,
                               nsample=nsample, W=W, gamma=g, beta=b)
        nx, nf = jax.vmap(lambda x, f, fn=fn: fn(x, f))(l_xyz[-1], l_f[-1])
        l_xyz.append(nx)
        l_f.append(nf)
    return tuple(l_xyz) + tuple(l_f)

# --- scband reference (transcript-rebuilt; emitter-appended) ---
"""Pipeline reference for scband-pointnet2-encoder-15573551415826 (READ-ONLY COPY).

The authoritative reference and input builder live on the scoring server;
editing this copy changes nothing except your own understanding.
"""

import jax, jax.numpy as jnp
import numpy as np
import functools

CH = 512


def fps(xyz, npoint):
    N = xyz.shape[0]

    def body(i, state):
        dists, idxs = state
        last = xyz[idxs[i - 1]]
        d = jnp.sum((xyz - last) ** 2, axis=-1)
        dists = jnp.minimum(dists, d)
        idxs = idxs.at[i].set(jnp.argmax(dists).astype(jnp.int32))
        return (dists, idxs)

    dists0 = jnp.full((N,), 1e10, jnp.float32)
    idxs0 = jnp.zeros((npoint,), jnp.int32)
    _, idxs = jax.lax.fori_loop(1, npoint, body, (dists0, idxs0))
    return idxs


def ball_query(xyz, centers, radius, nsample):
    S = centers.shape[0]
    N = xyz.shape[0]
    pad = (-S) % CH
    cpad = jnp.concatenate([centers, jnp.broadcast_to(centers[:1], (pad, 3))], axis=0)
    chunks = cpad.reshape(-1, CH, 3)
    xyz_sq = jnp.sum(xyz * xyz, axis=1)
    aN = jnp.arange(N, dtype=jnp.int32)
    r2 = radius * radius

    def per_chunk(c):
        d2 = jnp.sum(c * c, axis=1)[:, None] + xyz_sq[None, :] - 2.0 * (c @ xyz.T)
        key = jnp.where(d2 <= r2, aN, N)
        neg, _ = jax.lax.top_k(-key, nsample)
        vals = -neg
        idx = jnp.where(vals < N, vals, vals[:, :1])
        return jnp.clip(idx, 0, N - 1)

    idx = jax.lax.map(per_chunk, chunks).reshape(-1, nsample)
    return idx[:S]


def sa_single(xyz, feats, npoint, radius, nsample, W, gamma, beta):
    # xyz: [N,3]; feats: [C,N]; mimics PointnetSAModule(use_xyz=True, bn=True, train-mode BN)
    xyz_c = jax.lax.stop_gradient(xyz)
    fidx = fps(xyz_c, npoint)
    new_xyz = jnp.take(xyz, fidx, axis=0)  # [S,3]
    gidx = ball_query(xyz_c, jax.lax.stop_gradient(new_xyz), radius, nsample)  # [S,ns]
    grouped_xyz = jnp.take(xyz, gidx.reshape(-1), axis=0).reshape(npoint, nsample, 3) - new_xyz[:, None, :]
    fT = feats.T  # [N,C]
    grouped_f = jnp.take(fT, gidx.reshape(-1), axis=0).reshape(npoint, nsample, fT.shape[1])
    grouped = jnp.concatenate([grouped_xyz, grouped_f], axis=-1)  # [S,ns,3+C]
    h = grouped @ W.T  # 1x1 conv (bias=False because bn=True)
    mean = jnp.mean(h, axis=(0, 1))
    var = jnp.var(h, axis=(0, 1))
    h = (h - mean) / jnp.sqrt(var + 1e-5) * gamma + beta
    h = jax.nn.relu(h)
    nf = jnp.max(h, axis=1)  # max-pool over nsample
    return new_xyz, nf.T  # [S,3], [Cout,S]


def forward(xyz, features, params):
    cfgs = [(65526, 0.02, 32), (32768, 0.04, 32), (16384, 0.08, 64), (8192, 0.12, 64)]
    l_xyz = [xyz]
    l_f = [features]
    for (npoint, radius, nsample), (W, g, b) in zip(cfgs, params):
        fn = functools.partial(sa_single, npoint=npoint, radius=radius, nsample=nsample, W=W, gamma=g, beta=b)
        nx, nf = jax.vmap(lambda x, f, fn=fn: fn(x, f))(l_xyz[-1], l_f[-1])
        l_xyz.append(nx)
        l_f.append(nf)
    return tuple(l_xyz) + tuple(l_f)


def setup_inputs(seed: int = 0):
    key = jax.random.key(seed)
    ks = jax.random.split(key, 16)
    B, N, C = 1, 65536, 3
    xyz = jax.random.uniform(ks[0], (B, N, 3), jnp.float32)
    features = jax.random.normal(ks[1], (B, C, N), jnp.float32)
    dims = [(6, 64), (67, 128), (131, 256), (259, 256)]
    inp = {"xyz": xyz, "features": features}
    for i, (cin, cout) in enumerate(dims):
        inp["W%d" % (i + 1)] = jax.random.normal(ks[2 + 3 * i], (cout, cin), jnp.float32) * (1.0 / np.sqrt(cin))
        inp["g%d" % (i + 1)] = jnp.ones((cout,), jnp.float32)
        inp["b%d" % (i + 1)] = jnp.zeros((cout,), jnp.float32)
    return inp


def reference(xyz, features, W1, g1, b1, W2, g2, b2, W3, g3, b3, W4, g4, b4):
    params = [(W1, g1, b1), (W2, g2, b2), (W3, g3, b3), (W4, g4, b4)]
    return forward(xyz, features, params)

if __name__ == "__main__":
    import jax
    _d = setup_inputs()
    print(jax.jit(kernel)(*tuple(_d.values())))

</pallas_src>

<mosaic_0001>
module attributes {stable_mosaic.version = 14 : i64} {
  func.func @_fps_pallas_body(%arg0: memref<512x128xf32, #tpu.memory_space<vmem>>, %arg1: memref<512x128xf32, #tpu.memory_space<vmem>>, %arg2: memref<512x128xf32, #tpu.memory_space<vmem>>, %arg3: memref<512x128xi32, #tpu.memory_space<vmem>>, %arg4: memref<512x128xf32, #tpu.memory_space<vmem>>) attributes {dimension_semantics = [], scalar_prefetch = 0 : i64, scratch_operands = 1 : i64, tpu.core_type = #tpu.core_type<tc>} {
    %iota3A = tpu.iota {dimensions = array<i32: 1>} : vector<1x128xi32>
    %iota3A_0 = tpu.iota {dimensions = array<i32: 0>} : vector<512x128xi32>
    %mul3A = arith.constant 128 : i32
    %mul3A_1 = vector.broadcast %mul3A : i32 to vector<512x128xi32>
    %mul3A_2 = arith.muli %iota3A_0, %mul3A_1 : vector<512x128xi32>
    %iota3A_3 = tpu.iota {dimensions = array<i32: 1>} : vector<512x128xi32>
    %add3A = arith.addi %mul3A_2, %iota3A_3 : vector<512x128xi32>
    %lt3A = arith.constant 65536 : i32
    %lt3A_4 = vector.broadcast %lt3A : i32 to vector<512x128xi32>
    %lt3A_5 = arith.cmpi slt, %add3A, %lt3A_4 : vector<512x128xi32>
    %jit3A = arith.constant 1.000000e+10 : f32
    %jit3A_6 = arith.constant 0xFF800000 : f32
    %broadcast_in_dim3A = vector.broadcast %jit3A : f32 to vector<512x128xf32>
    %broadcast_in_dim3A_7 = vector.broadcast %jit3A_6 : f32 to vector<512x128xf32>
    %select_n3A = arith.select %lt3A_5, %broadcast_in_dim3A, %broadcast_in_dim3A_7 : vector<512x128xi1>, vector<512x128xf32>
    %swap3A = arith.constant 0 : index
    %swap3A_8 = arith.constant 0 : index
    %swap3A_9 = vector.load %arg4[%swap3A, %swap3A_8] : memref<512x128xf32, #tpu.memory_space<vmem>>, vector<512x128xf32>
    tpu.vector_store %arg4[%swap3A, %swap3A_8], %select_n3A {strides = array<i32>} : memref<512x128xf32, #tpu.memory_space<vmem>>, vector<512x128xf32>,
    %broadcast_in_dim3A_10 = arith.constant 0 : i32
    %broadcast_in_dim3A_11 = vector.broadcast %broadcast_in_dim3A_10 : i32 to vector<512x128xi32>
    %swap3A_12 = arith.constant 0 : index
    %swap3A_13 = arith.constant 0 : index
    %swap3A_14 = vector.load %arg3[%swap3A_12, %swap3A_13] : memref<512x128xi32, #tpu.memory_space<vmem>>, vector<512x128xi32>
    tpu.vector_store %arg3[%swap3A_12, %swap3A_13], %broadcast_in_dim3A_11 {strides = array<i32>} : memref<512x128xi32, #tpu.memory_space<vmem>>, vector<512x128xi32>,
    %broadcast_in_dim3A_15 = arith.constant 0 : i32
    %broadcast_in_dim3A_16 = vector.broadcast %broadcast_in_dim3A_15 : i32 to vector<1x1xi32>
    %scan3A = arith.constant 0xFF800000 : f32
    %scan3A_17 = arith.constant 1 : i32
    %scan3A_18 = arith.constant 65525 : i32
    %scan3A_19 = arith.addi %scan3A_17, %scan3A_18 : i32
    %scan3A_20 = arith.constant 1 : i32
    %scan3A_21 = scf.for %scan3A_23 = %scan3A_17 to %scan3A_19 step %scan3A_20 iter_args(%scan3A_24 = %broadcast_in_dim3A_16) -> (vector<1x1xi32>)  : i32 {
      %eq3A = vector.broadcast %scan3A_24 : vector<1x1xi32> to vector<512x128xi32>
      %eq3A_25 = arith.cmpi eq, %add3A, %eq3A : vector<512x128xi32>
      %get3A = arith.constant 0 : index
      %get3A_26 = arith.constant 0 : index
      %get3A_27 = vector.load %arg0[%get3A, %get3A_26] : memref<512x128xf32, #tpu.memory_space<vmem>>, vector<512x128xf32>
      %broadcast_in_dim3A_28 = vector.broadcast %scan3A : f32 to vector<512x128xf32>
      %select_n3A_29 = arith.select %eq3A_25, %get3A_27, %broadcast_in_dim3A_28 : vector<512x128xi1>, vector<512x128xf32>
      %reduce_max3A = vector.shape_cast %select_n3A_29 : vector<512x128xf32> to vector<1x512x128xf32>
      %reduce_max3A_30 = arith.constant dense<0xFF800000> : vector<1xf32>
      %reduce_max3A_31 = vector.multi_reduction <maximumf>, %reduce_max3A, %reduce_max3A_30 [1, 2] : vector<1x512x128xf32> to vector<1xf32>
      %reduce_max3A_32 = vector.shape_cast %reduce_max3A_31 : vector<1xf32> to vector<1x1x1xf32>
      %reduce_max3A_33 = vector.extract %reduce_max3A_32[0, 0, 0] : f32 from vector<1x1x1xf32>
      %broadcast_in_dim3A_34 = vector.broadcast %reduce_max3A_33 : f32 to vector<1x1xf32>
      %get3A_35 = arith.constant 0 : index
      %get3A_36 = arith.constant 0 : index
      %get3A_37 = vector.load %arg1[%get3A_35, %get3A_36] : memref<512x128xf32, #tpu.memory_space<vmem>>, vector<512x128xf32>
      %broadcast_in_dim3A_38 = vector.broadcast %scan3A : f32 to vector<512x128xf32>
      %select_n3A_39 = arith.select %eq3A_25, %get3A_37, %broadcast_in_dim3A_38 : vector<512x128xi1>, vector<512x128xf32>
      %reduce_max3A_40 = vector.shape_cast %select_n3A_39 : vector<512x128xf32> to vector<1x512x128xf32>
      %reduce_max3A_41 = arith.constant dense<0xFF800000> : vector<1xf32>
      %reduce_max3A_42 = vector.multi_reduction <maximumf>, %reduce_max3A_40, %reduce_max3A_41 [1, 2] : vector<1x512x128xf32> to vector<1xf32>
      %reduce_max3A_43 = vector.shape_cast %reduce_max3A_42 : vector<1xf32> to vector<1x1x1xf32>
      %reduce_max3A_44 = vector.extract %reduce_max3A_43[0, 0, 0] : f32 from vector<1x1x1xf32>
      %broadcast_in_dim3A_45 = vector.broadcast %reduce_max3A_44 : f32 to vector<1x1xf32>
      %get3A_46 = arith.constant 0 : index
      %get3A_47 = arith.constant 0 : index
      %get3A_48 = vector.load %arg2[%get3A_46, %get3A_47] : memref<512x128xf32, #tpu.memory_space<vmem>>, vector<512x128xf32>
      %broadcast_in_dim3A_49 = vector.broadcast %scan3A : f32 to vector<512x128xf32>
      %select_n3A_50 = arith.select %eq3A_25, %get3A_48, %broadcast_in_dim3A_49 : vector<512x128xi1>, vector<512x128xf32>
      %reduce_max3A_51 = vector.shape_cast %select_n3A_50 : vector<512x128xf32> to vector<1x512x128xf32>
      %reduce_max3A_52 = arith.constant dense<0xFF800000> : vector<1xf32>
      %reduce_max3A_53 = vector.multi_reduction <maximumf>, %reduce_max3A_51, %reduce_max3A_52 [1, 2] : vector<1x512x128xf32> to vector<1xf32>
      %reduce_max3A_54 = vector.shape_cast %reduce_max3A_53 : vector<1xf32> to vector<1x1x1xf32>
      %reduce_max3A_55 = vector.extract %reduce_max3A_54[0, 0, 0] : f32 from vector<1x1x1xf32>
      %broadcast_in_dim3A_56 = vector.broadcast %reduce_max3A_55 : f32 to vector<1x1xf32>
      %get3A_57 = arith.constant 0 : index
      %get3A_58 = arith.constant 0 : index
      %get3A_59 = vector.load %arg0[%get3A_57, %get3A_58] : memref<512x128xf32, #tpu.memory_space<vmem>>, vector<512x128xf32>
      %sub3A = vector.broadcast %broadcast_in_dim3A_34 : vector<1x1xf32> to vector<512x128xf32>
      %sub3A_60 = arith.subf %get3A_59, %sub3A : vector<512x128xf32>
      %get3A_61 = arith.constant 0 : index
      %get3A_62 = arith.constant 0 : index
      %get3A_63 = vector.load %arg1[%get3A_61, %get3A_62] : memref<512x128xf32, #tpu.memory_space<vmem>>, vector<512x128xf32>
      %sub3A_64 = vector.broadcast %broadcast_in_dim3A_45 : vector<1x1xf32> to vector<512x128xf32>
      %sub3A_65 = arith.subf %get3A_63, %sub3A_64 : vector<512x128xf32>
      %get3A_66 = arith.constant 0 : index
      %get3A_67 = arith.constant 0 : index
      %get3A_68 = vector.load %arg2[%get3A_66, %get3A_67] : memref<512x128xf32, #tpu.memory_space<vmem>>, vector<512x128xf32>
      %sub3A_69 = vector.broadcast %broadcast_in_dim3A_56 : vector<1x1xf32> to vector<512x128xf32>
      %sub3A_70 = arith.subf %get3A_68, %sub3A_69 : vector<512x128xf32>
      %mul3A_71 = arith.mulf %sub3A_60, %sub3A_60 : vector<512x128xf32>
      %mul3A_72 = arith.mulf %sub3A_70, %sub3A_70 : vector<512x128xf32>
      %add3A_73 = arith.addf %mul3A_71, %mul3A_72 : vector<512x128xf32>
      %mul3A_74 = arith.mulf %sub3A_65, %sub3A_65 : vector<512x128xf32>
      %add3A_75 = arith.addf %add3A_73, %mul3A_74 : vector<512x128xf32>
      %get3A_76 = arith.constant 0 : index
      %get3A_77 = arith.constant 0 : index
      %get3A_78 = vector.load %arg4[%get3A_76, %get3A_77] : memref<512x128xf32, #tpu.memory_space<vmem>>, vector<512x128xf32>
      %min3A = arith.minimumf %get3A_78, %add3A_75 : vector<512x128xf32>
      %swap3A_79 = arith.constant 0 : index
      %swap3A_80 = arith.constant 0 : index
      %swap3A_81 = vector.load %arg4[%swap3A_79, %swap3A_80] : memref<512x128xf32, #tpu.memory_space<vmem>>, vector<512x128xf32>
      tpu.vector_store %arg4[%swap3A_79, %swap3A_80], %min3A {strides = array<i32>} : memref<512x128xf32, #tpu.memory_space<vmem>>, vector<512x128xf32>,
      %reduce_max3A_82 = vector.shape_cast %min3A : vector<512x128xf32> to vector<1x512x128xf32>
      %reduce_max3A_83 = arith.constant dense<0xFF800000> : vector<1xf32>
      %reduce_max3A_84 = vector.multi_reduction <maximumf>, %reduce_max3A_82, %reduce_max3A_83 [1, 2] : vector<1x512x128xf32> to vector<1xf32>
      %reduce_max3A_85 = vector.shape_cast %reduce_max3A_84 : vector<1xf32> to vector<1x1x1xf32>
      %reduce_max3A_86 = vector.extract %reduce_max3A_85[0, 0, 0] : f32 from vector<1x1x1xf32>
      %broadcast_in_dim3A_87 = vector.broadcast %reduce_max3A_86 : f32 to vector<1x1xf32>
      %eq3A_88 = vector.broadcast %broadcast_in_dim3A_87 : vector<1x1xf32> to vector<512x128xf32>
      %eq3A_89 = arith.cmpf oeq, %min3A, %eq3A_88 : vector<512x128xf32>
      %jit3A_90 = arith.constant 1073741824 : i32
      %broadcast_in_dim3A_91 = vector.broadcast %jit3A_90 : i32 to vector<512x128xi32>
      %select_n3A_92 = arith.select %eq3A_89, %add3A, %broadcast_in_dim3A_91 : vector<512x128xi1>, vector<512x128xi32>
      %reduce_min3A = vector.shape_cast %select_n3A_92 : vector<512x128xi32> to vector<1x512x128xi32>
      %reduce_min3A_93 = arith.constant dense<2147483647> : vector<1xi32>
      %reduce_min3A_94 = vector.multi_reduction <minsi>, %reduce_min3A, %reduce_min3A_93 [1, 2] : vector<1x512x128xi32> to vector<1xi32>
      %reduce_min3A_95 = vector.shape_cast %reduce_min3A_94 : vector<1xi32> to vector<1x1x1xi32>
      %reduce_min3A_96 = vector.extract %reduce_min3A_95[0, 0, 0] : i32 from vector<1x1x1xi32>
      %broadcast_in_dim3A_97 = vector.broadcast %reduce_min3A_96 : i32 to vector<1x1xi32>
      %jit3A_98 = arith.constant 128 : i32
      %div3A = arith.divsi %scan3A_23, %jit3A_98 : i32
      %sign3A = arith.constant 0 : i32
      %sign3A_99 = arith.cmpi sgt, %scan3A_23, %sign3A : i32
      %sign3A_100 = arith.extui %sign3A_99 : i1 to i32
      %sign3A_101 = arith.constant 0 : i32
      %sign3A_102 = arith.cmpi slt, %scan3A_23, %sign3A_101 : i32
      %sign3A_103 = arith.extui %sign3A_102 : i1 to i32
      %sign3A_104 = arith.subi %sign3A_100, %sign3A_103 : i32
      %sign3A_105 = arith.constant 0 : i32
      %sign3A_106 = arith.cmpi sgt, %jit3A_98, %sign3A_105 : i32
      %sign3A_107 = arith.extui %sign3A_106 : i1 to i32
      %sign3A_108 = arith.constant 0 : i32
      %sign3A_109 = arith.cmpi slt, %jit3A_98, %sign3A_108 : i32
      %sign3A_110 = arith.extui %sign3A_109 : i1 to i32
      %sign3A_111 = arith.subi %sign3A_107, %sign3A_110 : i32
      %ne3A = arith.cmpi ne, %sign3A_104, %sign3A_111 : i32
      %rem3A = arith.remsi %scan3A_23, %jit3A_98 : i32
      %ne3A_112 = arith.constant 0 : i32
      %ne3A_113 = arith.cmpi ne, %rem3A, %ne3A_112 : i32
      %and3A = arith.andi %ne3A, %ne3A_113 : i1
      %sub3A_114 = arith.constant 1 : i32
      %sub3A_115 = arith.subi %div3A, %sub3A_114 : i32
      %select_n3A_116 = arith.select %and3A, %sub3A_115, %div3A : i32
      %jit3A_117 = arith.constant 128 : i32
      %eq3A_118 = arith.constant 0 : i32
      %eq3A_119 = arith.cmpi eq, %jit3A_117, %eq3A_118 : i32
      %jit3A_120 = arith.constant 1 : i32
      %select_n3A_121 = arith.select %eq3A_119, %jit3A_120, %jit3A_117 : i32
      %rem3A_122 = arith.remsi %scan3A_23, %select_n3A_121 : i32
      %ne3A_123 = arith.constant 0 : i32
      %ne3A_124 = arith.cmpi ne, %rem3A_122, %ne3A_123 : i32
      %lt3A_125 = arith.constant 0 : i32
      %lt3A_126 = arith.cmpi slt, %rem3A_122, %lt3A_125 : i32
      %lt3A_127 = arith.constant 0 : i32
      %lt3A_128 = arith.cmpi slt, %select_n3A_121, %lt3A_127 : i32
      %ne3A_129 = arith.xori %lt3A_126, %lt3A_128 : i1
      %and3A_130 = arith.andi %ne3A_129, %ne3A_124 : i1
      %add3A_131 = arith.addi %rem3A_122, %select_n3A_121 : i32
      %select_n3A_132 = arith.select %and3A_130, %add3A_131, %rem3A_122 : i32
      %get3A_133 = arith.index_cast %select_n3A_116 : i32 to index
      %get3A_134 = arith.constant 0 : index
      %get3A_135 = vector.load %arg3[%get3A_133, %get3A_134] : memref<512x128xi32, #tpu.memory_space<vmem>>, vector<1x128xi32>
      %eq3A_136 = vector.broadcast %select_n3A_132 : i32 to vector<1x128xi32>
      %eq3A_137 = arith.cmpi eq, %iota3A, %eq3A_136 : vector<1x128xi32>
      %broadcast_in_dim3A_138 = vector.shape_cast %broadcast_in_dim3A_97 : vector<1x1xi32> to vector<1x1xi32>
      %broadcast_in_dim3A_139 = vector.broadcast %broadcast_in_dim3A_138 : vector<1x1xi32> to vector<1x128xi32>
      %select_n3A_140 = arith.select %eq3A_137, %broadcast_in_dim3A_139, %get3A_135 : vector<1x128xi1>, vector<1x128xi32>
      %swap3A_141 = arith.index_cast %select_n3A_116 : i32 to index
      %swap3A_142 = arith.constant 0 : index
      %swap3A_143 = vector.load %arg3[%swap3A_141, %swap3A_142] : memref<512x128xi32, #tpu.memory_space<vmem>>, vector<1x128xi32>
      tpu.vector_store %arg3[%swap3A_141, %swap3A_142], %select_n3A_140 {strides = array<i32>} : memref<512x128xi32, #tpu.memory_space<vmem>>, vector<1x128xi32>,
      scf.yield %broadcast_in_dim3A_97 : vector<1x1xi32>
    }
    %scan3A_22 = arith.constant 65525 : i32
    return
  }
}

module attributes {stable_mosaic.version = 14 : i64} {
  func.func @_bq_body(%arg0: i32, %arg1: memref<1x512x8xf32, #tpu.memory_space<vmem>>, %arg2: memref<1x512x1xf32, #tpu.memory_space<vmem>>, %arg3: memref<8x65536xf32, #tpu.memory_space<vmem>>, %arg4: memref<1x65536xf32, #tpu.memory_space<vmem>>, %arg5: memref<1x512x32xi32, #tpu.memory_space<vmem>>, %arg6: memref<512x512xi32, #tpu.memory_space<vmem>>, %arg7: memref<512x1xi32, #tpu.memory_space<vmem>>) attributes {dimension_semantics = [#tpu.dimension_semantics<arbitrary>], iteration_bounds = array<i64: 128>, scalar_prefetch = 0 : i64, scratch_operands = 2 : i64, tpu.core_type = #tpu.core_type<tc>, window_params = [{transform_indices = @transform_0, window_bounds = array<i64: 1, 512, 8>}, {transform_indices = @transform_1, window_bounds = array<i64: 1, 512, 1>}, {pipeline_mode = #tpu.pipeline_mode<synchronous>, transform_indices = @transform_2, window_bounds = array<i64: 8, 65536>}, {pipeline_mode = #tpu.pipeline_mode<synchronous>, transform_indices = @transform_3, window_bounds = array<i64: 1, 65536>}, {transform_indices = @transform_4, window_bounds = array<i64: 1, 512, 32>}]} {
    %get3A = arith.constant 0 : index
    %get3A_0 = arith.constant 0 : index
    %get3A_1 = arith.constant 0 : index
    %get3A_2 = vector.load %arg1[%get3A, %get3A_0, %get3A_1] : memref<1x512x8xf32, #tpu.memory_space<vmem>>, vector<1x512x8xf32>
    %get3A_3 = vector.shape_cast %get3A_2 : vector<1x512x8xf32> to vector<512x8xf32>
    %get3A_4 = arith.constant 0 : index
    %get3A_5 = arith.constant 0 : index
    %get3A_6 = arith.constant 0 : index
    %get3A_7 = vector.load %arg2[%get3A_4, %get3A_5, %get3A_6] : memref<1x512x1xf32, #tpu.memory_space<vmem>>, vector<1x512x1xf32>
    %get3A_8 = vector.shape_cast %get3A_7 : vector<1x512x1xf32> to vector<512x1xf32>
    %iota3A = tpu.iota {dimensions = array<i32: 1>} : vector<512x32xi32>
    %iota3A_9 = tpu.iota {dimensions = array<i32: 1>} : vector<512x512xi32>
    %broadcast_in_dim3A = arith.constant 65536 : i32
    %broadcast_in_dim3A_10 = vector.broadcast %broadcast_in_dim3A : i32 to vector<512x32xi32>
    %swap3A = arith.constant 0 : index
    %swap3A_11 = arith.constant 0 : index
    %swap3A_12 = arith.constant 0 : index
    %swap3A_13 = vector.load %arg5[%swap3A, %swap3A_11, %swap3A_12] : memref<1x512x32xi32, #tpu.memory_space<vmem>>, vector<1x512x32xi32>
    %swap3A_14 = vector.shape_cast %swap3A_13 : vector<1x512x32xi32> to vector<512x32xi32>
    %swap3A_15 = vector.shape_cast %broadcast_in_dim3A_10 : vector<512x32xi32> to vector<1x512x32xi32>
    tpu.vector_store %arg5[%swap3A, %swap3A_11, %swap3A_12], %swap3A_15 {strides = array<i32>} : memref<1x512x32xi32, #tpu.memory_space<vmem>>, vector<1x512x32xi32>,
    %broadcast_in_dim3A_16 = arith.constant 0 : i32
    %broadcast_in_dim3A_17 = vector.broadcast %broadcast_in_dim3A_16 : i32 to vector<512x1xi32>
    %swap3A_18 = arith.constant 0 : index
    %swap3A_19 = arith.constant 0 : index
    %swap3A_20 = vector.load %arg7[%swap3A_18, %swap3A_19] : memref<512x1xi32, #tpu.memory_space<vmem>>, vector<512x1xi32>
    tpu.vector_store %arg7[%swap3A_18, %swap3A_19], %broadcast_in_dim3A_17 {strides = array<i32>} : memref<512x1xi32, #tpu.memory_space<vmem>>, vector<512x1xi32>,
    %scan3A = arith.constant 65536 : i32
    %scan3A_21 = arith.constant 0 : i32
    %scan3A_22 = arith.constant 128 : i32
    %scan3A_23 = arith.addi %scan3A_21, %scan3A_22 : i32
    %scan3A_24 = arith.constant 1 : i32
    scf.for %scan3A_44 = %scan3A_21 to %scan3A_23 step %scan3A_24  : i32 {
      %mul3A = arith.constant 512 : i32
      %mul3A_45 = arith.muli %scan3A_44, %mul3A : i32
      %get3A_46 = arith.constant 0 : index
      %get3A_47 = arith.index_cast %mul3A_45 : i32 to index
      %get3A_48 = vector.load %arg3[%get3A_46, %get3A_47] : memref<8x65536xf32, #tpu.memory_space<vmem>>, vector<8x512xf32>
      %mul3A_49 = arith.constant 512 : i32
      %mul3A_50 = arith.muli %scan3A_44, %mul3A_49 : i32
      %get3A_51 = arith.constant 0 : index
      %get3A_52 = arith.index_cast %mul3A_50 : i32 to index
      %get3A_53 = vector.load %arg4[%get3A_51, %get3A_52] : memref<1x65536xf32, #tpu.memory_space<vmem>>, vector<1x512xf32>
      %dot_general3A = arith.constant dense<0.000000e+00> : vector<512x512xf32>
      %dot_general3A_54 = tpu.matmul %get3A_3, %get3A_48, %dot_general3A {dimension_numbers = #tpu.dot_dimension_numbers<[1], [0], [0], [1], [0, 0, 1, 1], [], []>, transpose_lhs_hint = false} : vector<512x8xf32>, vector<8x512xf32>, vector<512x512xf32> -> vector<512x512xf32>
      %add3A = vector.broadcast %get3A_8 : vector<512x1xf32> to vector<512x512xf32>
      %add3A_55 = vector.broadcast %get3A_53 : vector<1x512xf32> to vector<512x512xf32>
      %add3A_56 = arith.addf %add3A, %add3A_55 : vector<512x512xf32>
      %mul3A_57 = arith.constant 2.000000e+00 : f32
      %mul3A_58 = vector.broadcast %mul3A_57 : f32 to vector<512x512xf32>
      %mul3A_59 = arith.mulf %mul3A_58, %dot_general3A_54 : vector<512x512xf32>
      %sub3A = arith.subf %add3A_56, %mul3A_59 : vector<512x512xf32>
      %le3A = arith.constant 4.000000e-04 : f32
      %le3A_60 = vector.broadcast %le3A : f32 to vector<512x512xf32>
      %le3A_61 = arith.cmpf ole, %sub3A, %le3A_60 : vector<512x512xf32>
      %mul3A_62 = arith.constant 512 : i32
      %mul3A_63 = arith.muli %scan3A_44, %mul3A_62 : i32
      %add3A_64 = vector.broadcast %mul3A_63 : i32 to vector<512x512xi32>
      %add3A_65 = arith.addi %iota3A_9, %add3A_64 : vector<512x512xi32>
      %broadcast_in_dim3A_66 = vector.broadcast %scan3A : i32 to vector<512x512xi32>
      %select_n3A_67 = arith.select %le3A_61, %add3A_65, %broadcast_in_dim3A_66 : vector<512x512xi1>, vector<512x512xi32>
      %swap3A_68 = arith.constant 0 : index
      %swap3A_69 = arith.constant 0 : index
      %swap3A_70 = vector.load %arg6[%swap3A_68, %swap3A_69] : memref<512x512xi32, #tpu.memory_space<vmem>>, vector<512x512xi32>
      tpu.vector_store %arg6[%swap3A_68, %swap3A_69], %select_n3A_67 {strides = array<i32>} : memref<512x512xi32, #tpu.memory_space<vmem>>, vector<512x512xi32>,
      %while3A = arith.constant true
      %while3A_71 = scf.while (%while3A_72 = %while3A) : (i1) -> i1 {
        scf.condition(%while3A_72) %while3A_72 : i1
      } do {
      ^bb0(%while3A_72: i1):
        %get3A_73 = arith.constant 0 : index
        %get3A_74 = arith.constant 0 : index
        %get3A_75 = vector.load %arg6[%get3A_73, %get3A_74] : memref<512x512xi32, #tpu.memory_space<vmem>>, vector<512x512xi32>
        %get3A_76 = arith.constant 0 : index
        %get3A_77 = arith.constant 0 : index
        %get3A_78 = vector.load %arg7[%get3A_76, %get3A_77] : memref<512x1xi32, #tpu.memory_space<vmem>>, vector<512x1xi32>
        %lt3A_79 = arith.constant 32 : i32
        %lt3A_80 = vector.broadcast %lt3A_79 : i32 to vector<512x1xi32>
        %lt3A_81 = arith.cmpi slt, %get3A_78, %lt3A_80 : vector<512x1xi32>
        %broadcast_in_dim3A_82 = vector.shape_cast %lt3A_81 : vector<512x1xi1> to vector<512x1xi1>
        %broadcast_in_dim3A_83 = vector.broadcast %broadcast_in_dim3A_82 : vector<512x1xi1> to vector<512x512xi1>
        %broadcast_in_dim3A_84 = vector.broadcast %scan3A : i32 to vector<512x512xi32>
        %select_n3A_85 = arith.select %broadcast_in_dim3A_83, %get3A_75, %broadcast_in_dim3A_84 : vector<512x512xi1>, vector<512x512xi32>
        %reduce_min3A = arith.constant dense<2147483647> : vector<512xi32>
        %reduce_min3A_86 = vector.multi_reduction <minsi>, %select_n3A_85, %reduce_min3A [1] : vector<512x512xi32> to vector<512xi32>
        %broadcast_in_dim3A_87 = vector.shape_cast %reduce_min3A_86 : vector<512xi32> to vector<512x1xi32>
        %lt3A_88 = vector.broadcast %scan3A : i32 to vector<512x1xi32>
        %lt3A_89 = arith.cmpi slt, %broadcast_in_dim3A_87, %lt3A_88 : vector<512x1xi32>
        %get3A_90 = arith.constant 0 : index
        %get3A_91 = arith.constant 0 : index
        %get3A_92 = vector.load %arg7[%get3A_90, %get3A_91] : memref<512x1xi32, #tpu.memory_space<vmem>>, vector<512x1xi32>
        %eq3A = vector.broadcast %get3A_92 : vector<512x1xi32> to vector<512x32xi32>
        %eq3A_93 = arith.cmpi eq, %iota3A, %eq3A : vector<512x32xi32>
        %and3A = vector.broadcast %lt3A_89 : vector<512x1xi1> to vector<512x32xi1>
        %and3A_94 = arith.andi %eq3A_93, %and3A : vector<512x32xi1>
        %get3A_95 = arith.constant 0 : index
        %get3A_96 = arith.constant 0 : index
        %get3A_97 = arith.constant 0 : index
        %get3A_98 = vector.load %arg5[%get3A_95, %get3A_96, %get3A_97] : memref<1x512x32xi32, #tpu.memory_space<vmem>>, vector<1x512x32xi32>
        %get3A_99 = vector.shape_cast %get3A_98 : vector<1x512x32xi32> to vector<512x32xi32>
        %broadcast_in_dim3A_100 = vector.shape_cast %broadcast_in_dim3A_87 : vector<512x1xi32> to vector<512x1xi32>
        %broadcast_in_dim3A_101 = vector.broadcast %broadcast_in_dim3A_100 : vector<512x1xi32> to vector<512x32xi32>
        %select_n3A_102 = arith.select %and3A_94, %broadcast_in_dim3A_101, %get3A_99 : vector<512x32xi1>, vector<512x32xi32>
        %swap3A_103 = arith.constant 0 : index
        %swap3A_104 = arith.constant 0 : index
        %swap3A_105 = arith.constant 0 : index
        %swap3A_106 = vector.load %arg5[%swap3A_103, %swap3A_104, %swap3A_105] : memref<1x512x32xi32, #tpu.memory_space<vmem>>, vector<1x512x32xi32>
        %swap3A_107 = vector.shape_cast %swap3A_106 : vector<1x512x32xi32> to vector<512x32xi32>
        %swap3A_108 = vector.shape_cast %select_n3A_102 : vector<512x32xi32> to vector<1x512x32xi32>
        tpu.vector_store %arg5[%swap3A_103, %swap3A_104, %swap3A_105], %swap3A_108 {strides = array<i32>} : memref<1x512x32xi32, #tpu.memory_space<vmem>>, vector<1x512x32xi32>,
        %get3A_109 = arith.constant 0 : index
        %get3A_110 = arith.constant 0 : index
        %get3A_111 = vector.load %arg7[%get3A_109, %get3A_110] : memref<512x1xi32, #tpu.memory_space<vmem>>, vector<512x1xi32>
        %convert_element_type3A = arith.extui %lt3A_89 : vector<512x1xi1> to vector<512x1xi32>
        %add3A_112 = arith.addi %get3A_111, %convert_element_type3A : vector<512x1xi32>
        %swap3A_113 = arith.constant 0 : index
        %swap3A_114 = arith.constant 0 : index
        %swap3A_115 = vector.load %arg7[%swap3A_113, %swap3A_114] : memref<512x1xi32, #tpu.memory_space<vmem>>, vector<512x1xi32>
        tpu.vector_store %arg7[%swap3A_113, %swap3A_114], %add3A_112 {strides = array<i32>} : memref<512x1xi32, #tpu.memory_space<vmem>>, vector<512x1xi32>,
        %eq3A_116 = vector.broadcast %broadcast_in_dim3A_87 : vector<512x1xi32> to vector<512x512xi32>
        %eq3A_117 = arith.cmpi eq, %get3A_75, %eq3A_116 : vector<512x512xi32>
        %broadcast_in_dim3A_118 = vector.broadcast %scan3A : i32 to vector<512x512xi32>
        %select_n3A_119 = arith.select %eq3A_117, %broadcast_in_dim3A_118, %get3A_75 : vector<512x512xi1>, vector<512x512xi32>
        %swap3A_120 = arith.constant 0 : index
        %swap3A_121 = arith.constant 0 : index
        %swap3A_122 = vector.load %arg6[%swap3A_120, %swap3A_121] : memref<512x512xi32, #tpu.memory_space<vmem>>, vector<512x512xi32>
        tpu.vector_store %arg6[%swap3A_120, %swap3A_121], %select_n3A_119 {strides = array<i32>} : memref<512x512xi32, #tpu.memory_space<vmem>>, vector<512x512xi32>,
        %reduce_or3A = arith.constant 1.000000e+00 : f32
        %reduce_or3A_123 = arith.constant 0.000000e+00 : f32
        %reduce_or3A_124 = vector.broadcast %reduce_or3A : f32 to vector<512x1xf32>
        %reduce_or3A_125 = vector.broadcast %reduce_or3A_123 : f32 to vector<512x1xf32>
        %reduce_or3A_126 = arith.select %lt3A_89, %reduce_or3A_124, %reduce_or3A_125 : vector<512x1xi1>, vector<512x1xf32>
        %reduce_or3A_127 = vector.shape_cast %reduce_or3A_126 : vector<512x1xf32> to vector<1x512x1xf32>
        %reduce_or3A_128 = arith.constant dense<0xFF800000> : vector<1xf32>
        %reduce_or3A_129 = vector.multi_reduction <maximumf>, %reduce_or3A_127, %reduce_or3A_128 [1, 2] : vector<1x512x1xf32> to vector<1xf32>
        %reduce_or3A_130 = vector.shape_cast %reduce_or3A_129 : vector<1xf32> to vector<1x1x1xf32>
        %reduce_or3A_131 = vector.extract %reduce_or3A_130[0, 0, 0] : f32 from vector<1x1x1xf32>
        %reduce_or3A_132 = arith.constant 0.000000e+00 : f32
        %reduce_or3A_133 = arith.cmpf ogt, %reduce_or3A_131, %reduce_or3A_132 : f32
        scf.yield %reduce_or3A_133 : i1
      }
    }
    %scan3A_25 = arith.constant 128 : i32
    %get3A_26 = arith.constant 0 : index
    %get3A_27 = arith.constant 0 : index
    %get3A_28 = arith.constant 0 : index
    %get3A_29 = vector.load %arg5[%get3A_26, %get3A_27, %get3A_28] : memref<1x512x32xi32, #tpu.memory_space<vmem>>, vector<1x512x32xi32>
    %get3A_30 = vector.shape_cast %get3A_29 : vector<1x512x32xi32> to vector<512x32xi32>
    %lt3A = arith.constant 65536 : i32
    %lt3A_31 = vector.broadcast %lt3A : i32 to vector<512x32xi32>
    %lt3A_32 = arith.cmpi slt, %get3A_30, %lt3A_31 : vector<512x32xi32>
    %slice3A = vector.extract_strided_slice %get3A_30 {offsets = [0, 0], sizes = [512, 1], strides = [1, 1]} : vector<512x32xi32> to vector<512x1xi32>
    %broadcast_in_dim3A_33 = vector.shape_cast %slice3A : vector<512x1xi32> to vector<512x1xi32>
    %broadcast_in_dim3A_34 = vector.broadcast %broadcast_in_dim3A_33 : vector<512x1xi32> to vector<512x32xi32>
    %select_n3A = arith.select %lt3A_32, %get3A_30, %broadcast_in_dim3A_34 : vector<512x32xi1>, vector<512x32xi32>
    %jit3A = arith.constant 0 : i32
    %jit3A_35 = arith.constant 65535 : i32
    %max3A = vector.broadcast %jit3A : i32 to vector<512x32xi32>
    %max3A_36 = arith.maxsi %max3A, %select_n3A : vector<512x32xi32>
    %min3A = vector.broadcast %jit3A_35 : i32 to vector<512x32xi32>
    %min3A_37 = arith.minsi %min3A, %max3A_36 : vector<512x32xi32>
    %swap3A_38 = arith.constant 0 : index
    %swap3A_39 = arith.constant 0 : index
    %swap3A_40 = arith.constant 0 : index
    %swap3A_41 = vector.load %arg5[%swap3A_38, %swap3A_39, %swap3A_40] : memref<1x512x32xi32, #tpu.memory_space<vmem>>, vector<1x512x32xi32>
    %swap3A_42 = vector.shape_cast %swap3A_41 : vector<1x512x32xi32> to vector<512x32xi32>
    %swap3A_43 = vector.shape_cast %min3A_37 : vector<512x32xi32> to vector<1x512x32xi32>
    tpu.vector_store %arg5[%swap3A_38, %swap3A_39, %swap3A_40], %swap3A_43 {strides = array<i32>} : memref<1x512x32xi32, #tpu.memory_space<vmem>>, vector<1x512x32xi32>,
    return
  }
  func.func @transform_0(%arg0: i32) -> (i32, i32, i32) {
    %c0_i32 = arith.constant 0 : i32
    %c0_i32_0 = arith.constant 0 : i32
    %c0_i32_1 = arith.constant 0 : i32
    return %arg0, %c0_i32, %c0_i32_0 : i32, i32, i32
  }
  func.func @transform_1(%arg0: i32) -> (i32, i32, i32) {
    %c0_i32 = arith.constant 0 : i32
    %c0_i32_0 = arith.constant 0 : i32
    %c0_i32_1 = arith.constant 0 : i32
    return %arg0, %c0_i32, %c0_i32_0 : i32, i32, i32
  }
  func.func @transform_2(%arg0: i32) -> (i32, i32) {
    %c0_i32 = arith.constant 0 : i32
    %c0_i32_0 = arith.constant 0 : i32
    %c0_i32_1 = arith.constant 0 : i32
    return %c0_i32, %c0_i32_0 : i32, i32
  }
  func.func @transform_3(%arg0: i32) -> (i32, i32) {
    %c0_i32 = arith.constant 0 : i32
    %c0_i32_0 = arith.constant 0 : i32
    %c0_i32_1 = arith.constant 0 : i32
    return %c0_i32, %c0_i32_0 : i32, i32
  }
  func.func @transform_4(%arg0: i32) -> (i32, i32, i32) {
    %c0_i32 = arith.constant 0 : i32
    %c0_i32_0 = arith.constant 0 : i32
    %c0_i32_1 = arith.constant 0 : i32
    return %arg0, %c0_i32, %c0_i32_0 : i32, i32, i32
  }
}

module attributes {stable_mosaic.version = 14 : i64} {
  func.func @_fps_pallas_body(%arg0: memref<512x128xf32, #tpu.memory_space<vmem>>, %arg1: memref<512x128xf32, #tpu.memory_space<vmem>>, %arg2: memref<512x128xf32, #tpu.memory_space<vmem>>, %arg3: memref<256x128xi32, #tpu.memory_space<vmem>>, %arg4: memref<512x128xf32, #tpu.memory_space<vmem>>) attributes {dimension_semantics = [], scalar_prefetch = 0 : i64, scratch_operands = 1 : i64, tpu.core_type = #tpu.core_type<tc>} {
    %iota3A = tpu.iota {dimensions = array<i32: 1>} : vector<1x128xi32>
    %iota3A_0 = tpu.iota {dimensions = array<i32: 0>} : vector<512x128xi32>
    %mul3A = arith.constant 128 : i32
    %mul3A_1 = vector.broadcast %mul3A : i32 to vector<512x128xi32>
    %mul3A_2 = arith.muli %iota3A_0, %mul3A_1 : vector<512x128xi32>
    %iota3A_3 = tpu.iota {dimensions = array<i32: 1>} : vector<512x128xi32>
    %add3A = arith.addi %mul3A_2, %iota3A_3 : vector<512x128xi32>
    %lt3A = arith.constant 65526 : i32
    %lt3A_4 = vector.broadcast %lt3A : i32 to vector<512x128xi32>
    %lt3A_5 = arith.cmpi slt, %add3A, %lt3A_4 : vector<512x128xi32>
    %jit3A = arith.constant 1.000000e+10 : f32
    %jit3A_6 = arith.constant 0xFF800000 : f32
    %broadcast_in_dim3A = vector.broadcast %jit3A : f32 to vector<512x128xf32>
    %broadcast_in_dim3A_7 = vector.broadcast %jit3A_6 : f32 to vector<512x128xf32>
    %select_n3A = arith.select %lt3A_5, %broadcast_in_dim3A, %broadcast_in_dim3A_7 : vector<512x128xi1>, vector<512x128xf32>
    %swap3A = arith.constant 0 : index
    %swap3A_8 = arith.constant 0 : index
    %swap3A_9 = vector.load %arg4[%swap3A, %swap3A_8] : memref<512x128xf32, #tpu.memory_space<vmem>>, vector<512x128xf32>
    tpu.vector_store %arg4[%swap3A, %swap3A_8], %select_n3A {strides = array<i32>} : memref<512x128xf32, #tpu.memory_space<vmem>>, vector<512x128xf32>,
    %broadcast_in_dim3A_10 = arith.constant 0 : i32
    %broadcast_in_dim3A_11 = vector.broadcast %broadcast_in_dim3A_10 : i32 to vector<256x128xi32>
    %swap3A_12 = arith.constant 0 : index
    %swap3A_13 = arith.constant 0 : index
    %swap3A_14 = vector.load %arg3[%swap3A_12, %swap3A_13] : memref<256x128xi32, #tpu.memory_space<vmem>>, vector<256x128xi32>
    tpu.vector_store %arg3[%swap3A_12, %swap3A_13], %broadcast_in_dim3A_11 {strides = array<i32>} : memref<256x128xi32, #tpu.memory_space<vmem>>, vector<256x128xi32>,
    %broadcast_in_dim3A_15 = arith.constant 0 : i32
    %broadcast_in_dim3A_16 = vector.broadcast %broadcast_in_dim3A_15 : i32 to vector<1x1xi32>
    %scan3A = arith.constant 0xFF800000 : f32
    %scan3A_17 = arith.constant 1 : i32
    %scan3A_18 = arith.constant 32767 : i32
    %scan3A_19 = arith.addi %scan3A_17, %scan3A_18 : i32
    %scan3A_20 = arith.constant 1 : i32
    %scan3A_21 = scf.for %scan3A_23 = %scan3A_17 to %scan3A_19 step %scan3A_20 iter_args(%scan3A_24 = %broadcast_in_dim3A_16) -> (vector<1x1xi32>)  : i32 {
      %eq3A = vector.broadcast %scan3A_24 : vector<1x1xi32> to vector<512x128xi32>
      %eq3A_25 = arith.cmpi eq, %add3A, %eq3A : vector<512x128xi32>
      %get3A = arith.constant 0 : index
      %get3A_26 = arith.constant 0 : index
      %get3A_27 = vector.load %arg0[%get3A, %get3A_26] : memref<512x128xf32, #tpu.memory_space<vmem>>, vector<512x128xf32>
      %broadcast_in_dim3A_28 = vector.broadcast %scan3A : f32 to vector<512x128xf32>
      %select_n3A_29 = arith.select %eq3A_25, %get3A_27, %broadcast_in_dim3A_28 : vector<512x128xi1>, vector<512x128xf32>
      %reduce_max3A = vector.shape_cast %select_n3A_29 : vector<512x128xf32> to vector<1x512x128xf32>
      %reduce_max3A_30 = arith.constant dense<0xFF800000> : vector<1xf32>
      %reduce_max3A_31 = vector.multi_reduction <maximumf>, %reduce_max3A, %reduce_max3A_30 [1, 2] : vector<1x512x128xf32> to vector<1xf32>
      %reduce_max3A_32 = vector.shape_cast %reduce_max3A_31 : vector<1xf32> to vector<1x1x1xf32>
      %reduce_max3A_33 = vector.extract %reduce_max3A_32[0, 0, 0] : f32 from vector<1x1x1xf32>
      %broadcast_in_dim3A_34 = vector.broadcast %reduce_max3A_33 : f32 to vector<1x1xf32>
      %get3A_35 = arith.constant 0 : index
      %get3A_36 = arith.constant 0 : index
      %get3A_37 = vector.load %arg1[%get3A_35, %get3A_36] : memref<512x128xf32, #tpu.memory_space<vmem>>, vector<512x128xf32>
      %broadcast_in_dim3A_38 = vector.broadcast %scan3A : f32 to vector<512x128xf32>
      %select_n3A_39 = arith.select %eq3A_25, %get3A_37, %broadcast_in_dim3A_38 : vector<512x128xi1>, vector<512x128xf32>
      %reduce_max3A_40 = vector.shape_cast %select_n3A_39 : vector<512x128xf32> to vector<1x512x128xf32>
      %reduce_max3A_41 = arith.constant dense<0xFF800000> : vector<1xf32>
      %reduce_max3A_42 = vector.multi_reduction <maximumf>, %reduce_max3A_40, %reduce_max3A_41 [1, 2] : vector<1x512x128xf32> to vector<1xf32>
      %reduce_max3A_43 = vector.shape_cast %reduce_max3A_42 : vector<1xf32> to vector<1x1x1xf32>
      %reduce_max3A_44 = vector.extract %reduce_max3A_43[0, 0, 0] : f32 from vector<1x1x1xf32>
      %broadcast_in_dim3A_45 = vector.broadcast %reduce_max3A_44 : f32 to vector<1x1xf32>
      %get3A_46 = arith.constant 0 : index
      %get3A_47 = arith.constant 0 : index
      %get3A_48 = vector.load %arg2[%get3A_46, %get3A_47] : memref<512x128xf32, #tpu.memory_space<vmem>>, vector<512x128xf32>
      %broadcast_in_dim3A_49 = vector.broadcast %scan3A : f32 to vector<512x128xf32>
      %select_n3A_50 = arith.select %eq3A_25, %get3A_48, %broadcast_in_dim3A_49 : vector<512x128xi1>, vector<512x128xf32>
      %reduce_max3A_51 = vector.shape_cast %select_n3A_50 : vector<512x128xf32> to vector<1x512x128xf32>
      %reduce_max3A_52 = arith.constant dense<0xFF800000> : vector<1xf32>
      %reduce_max3A_53 = vector.multi_reduction <maximumf>, %reduce_max3A_51, %reduce_max3A_52 [1, 2] : vector<1x512x128xf32> to vector<1xf32>
      %reduce_max3A_54 = vector.shape_cast %reduce_max3A_53 : vector<1xf32> to vector<1x1x1xf32>
      %reduce_max3A_55 = vector.extract %reduce_max3A_54[0, 0, 0] : f32 from vector<1x1x1xf32>
      %broadcast_in_dim3A_56 = vector.broadcast %reduce_max3A_55 : f32 to vector<1x1xf32>
      %get3A_57 = arith.constant 0 : index
      %get3A_58 = arith.constant 0 : index
      %get3A_59 = vector.load %arg0[%get3A_57, %get3A_58] : memref<512x128xf32, #tpu.memory_space<vmem>>, vector<512x128xf32>
      %sub3A = vector.broadcast %broadcast_in_dim3A_34 : vector<1x1xf32> to vector<512x128xf32>
      %sub3A_60 = arith.subf %get3A_59, %sub3A : vector<512x128xf32>
      %get3A_61 = arith.constant 0 : index
      %get3A_62 = arith.constant 0 : index
      %get3A_63 = vector.load %arg1[%get3A_61, %get3A_62] : memref<512x128xf32, #tpu.memory_space<vmem>>, vector<512x128xf32>
      %sub3A_64 = vector.broadcast %broadcast_in_dim3A_45 : vector<1x1xf32> to vector<512x128xf32>
      %sub3A_65 = arith.subf %get3A_63, %sub3A_64 : vector<512x128xf32>
      %get3A_66 = arith.constant 0 : index
      %get3A_67 = arith.constant 0 : index
      %get3A_68 = vector.load %arg2[%get3A_66, %get3A_67] : memref<512x128xf32, #tpu.memory_space<vmem>>, vector<512x128xf32>
      %sub3A_69 = vector.broadcast %broadcast_in_dim3A_56 : vector<1x1xf32> to vector<512x128xf32>
      %sub3A_70 = arith.subf %get3A_68, %sub3A_69 : vector<512x128xf32>
      %mul3A_71 = arith.mulf %sub3A_60, %sub3A_60 : vector<512x128xf32>
      %mul3A_72 = arith.mulf %sub3A_70, %sub3A_70 : vector<512x128xf32>
      %add3A_73 = arith.addf %mul3A_71, %mul3A_72 : vector<512x128xf32>
      %mul3A_74 = arith.mulf %sub3A_65, %sub3A_65 : vector<512x128xf32>
      %add3A_75 = arith.addf %add3A_73, %mul3A_74 : vector<512x128xf32>
      %get3A_76 = arith.constant 0 : index
      %get3A_77 = arith.constant 0 : index
      %get3A_78 = vector.load %arg4[%get3A_76, %get3A_77] : memref<512x128xf32, #tpu.memory_space<vmem>>, vector<512x128xf32>
      %min3A = arith.minimumf %get3A_78, %add3A_75 : vector<512x128xf32>
      %swap3A_79 = arith.constant 0 : index
      %swap3A_80 = arith.constant 0 : index
      %swap3A_81 = vector.load %arg4[%swap3A_79, %swap3A_80] : memref<512x128xf32, #tpu.memory_space<vmem>>, vector<512x128xf32>
      tpu.vector_store %arg4[%swap3A_79, %swap3A_80], %min3A {strides = array<i32>} : memref<512x128xf32, #tpu.memory_space<vmem>>, vector<512x128xf32>,
      %reduce_max3A_82 = vector.shape_cast %min3A : vector<512x128xf32> to vector<1x512x128xf32>
      %reduce_max3A_83 = arith.constant dense<0xFF800000> : vector<1xf32>
      %reduce_max3A_84 = vector.multi_reduction <maximumf>, %reduce_max3A_82, %reduce_max3A_83 [1, 2] : vector<1x512x128xf32> to vector<1xf32>
      %reduce_max3A_85 = vector.shape_cast %reduce_max3A_84 : vector<1xf32> to vector<1x1x1xf32>
      %reduce_max3A_86 = vector.extract %reduce_max3A_85[0, 0, 0] : f32 from vector<1x1x1xf32>
      %broadcast_in_dim3A_87 = vector.broadcast %reduce_max3A_86 : f32 to vector<1x1xf32>
      %eq3A_88 = vector.broadcast %broadcast_in_dim3A_87 : vector<1x1xf32> to vector<512x128xf32>
      %eq3A_89 = arith.cmpf oeq, %min3A, %eq3A_88 : vector<512x128xf32>
      %jit3A_90 = arith.constant 1073741824 : i32
      %broadcast_in_dim3A_91 = vector.broadcast %jit3A_90 : i32 to vector<512x128xi32>
      %select_n3A_92 = arith.select %eq3A_89, %add3A, %broadcast_in_dim3A_91 : vector<512x128xi1>, vector<512x128xi32>
      %reduce_min3A = vector.shape_cast %select_n3A_92 : vector<512x128xi32> to vector<1x512x128xi32>
      %reduce_min3A_93 = arith.constant dense<2147483647> : vector<1xi32>
      %reduce_min3A_94 = vector.multi_reduction <minsi>, %reduce_min3A, %reduce_min3A_93 [1, 2] : vector<1x512x128xi32> to vector<1xi32>
      %reduce_min3A_95 = vector.shape_cast %reduce_min3A_94 : vector<1xi32> to vector<1x1x1xi32>
      %reduce_min3A_96 = vector.extract %reduce_min3A_95[0, 0, 0] : i32 from vector<1x1x1xi32>
      %broadcast_in_dim3A_97 = vector.broadcast %reduce_min3A_96 : i32 to vector<1x1xi32>
      %jit3A_98 = arith.constant 128 : i32
      %div3A = arith.divsi %scan3A_23, %jit3A_98 : i32
      %sign3A = arith.constant 0 : i32
      %sign3A_99 = arith.cmpi sgt, %scan3A_23, %sign3A : i32
      %sign3A_100 = arith.extui %sign3A_99 : i1 to i32
      %sign3A_101 = arith.constant 0 : i32
      %sign3A_102 = arith.cmpi slt, %scan3A_23, %sign3A_101 : i32
      %sign3A_103 = arith.extui %sign3A_102 : i1 to i32
      %sign3A_104 = arith.subi %sign3A_100, %sign3A_103 : i32
      %sign3A_105 = arith.constant 0 : i32
      %sign3A_106 = arith.cmpi sgt, %jit3A_98, %sign3A_105 : i32
      %sign3A_107 = arith.extui %sign3A_106 : i1 to i32
      %sign3A_108 = arith.constant 0 : i32
      %sign3A_109 = arith.cmpi slt, %jit3A_98, %sign3A_108 : i32
      %sign3A_110 = arith.extui %sign3A_109 : i1 to i32
      %sign3A_111 = arith.subi %sign3A_107, %sign3A_110 : i32
      %ne3A = arith.cmpi ne, %sign3A_104, %sign3A_111 : i32
      %rem3A = arith.remsi %scan3A_23, %jit3A_98 : i32
      %ne3A_112 = arith.constant 0 : i32
      %ne3A_113 = arith.cmpi ne, %rem3A, %ne3A_112 : i32
      %and3A = arith.andi %ne3A, %ne3A_113 : i1
      %sub3A_114 = arith.constant 1 : i32
      %sub3A_115 = arith.subi %div3A, %sub3A_114 : i32
      %select_n3A_116 = arith.select %and3A, %sub3A_115, %div3A : i32
      %jit3A_117 = arith.constant 128 : i32
      %eq3A_118 = arith.constant 0 : i32
      %eq3A_119 = arith.cmpi eq, %jit3A_117, %eq3A_118 : i32
      %jit3A_120 = arith.constant 1 : i32
      %select_n3A_121 = arith.select %eq3A_119, %jit3A_120, %jit3A_117 : i32
      %rem3A_122 = arith.remsi %scan3A_23, %select_n3A_121 : i32
      %ne3A_123 = arith.constant 0 : i32
      %ne3A_124 = arith.cmpi ne, %rem3A_122, %ne3A_123 : i32
      %lt3A_125 = arith.constant 0 : i32
      %lt3A_126 = arith.cmpi slt, %rem3A_122, %lt3A_125 : i32
      %lt3A_127 = arith.constant 0 : i32
      %lt3A_128 = arith.cmpi slt, %select_n3A_121, %lt3A_127 : i32
      %ne3A_129 = arith.xori %lt3A_126, %lt3A_128 : i1
      %and3A_130 = arith.andi %ne3A_129, %ne3A_124 : i1
      %add3A_131 = arith.addi %rem3A_122, %select_n3A_121 : i32
      %select_n3A_132 = arith.select %and3A_130, %add3A_131, %rem3A_122 : i32
      %get3A_133 = arith.index_cast %select_n3A_116 : i32 to index
      %get3A_134 = arith.constant 0 : index
      %get3A_135 = vector.load %arg3[%get3A_133, %get3A_134] : memref<256x128xi32, #tpu.memory_space<vmem>>, vector<1x128xi32>
      %eq3A_136 = vector.broadcast %select_n3A_132 : i32 to vector<1x128xi32>
      %eq3A_137 = arith.cmpi eq, %iota3A, %eq3A_136 : vector<1x128xi32>
      %broadcast_in_dim3A_138 = vector.shape_cast %broadcast_in_dim3A_97 : vector<1x1xi32> to vector<1x1xi32>
      %broadcast_in_dim3A_139 = vector.broadcast %broadcast_in_dim3A_138 : vector<1x1xi32> to vector<1x128xi32>
      %select_n3A_140 = arith.select %eq3A_137, %broadcast_in_dim3A_139, %get3A_135 : vector<1x128xi1>, vector<1x128xi32>
      %swap3A_141 = arith.index_cast %select_n3A_116 : i32 to index
      %swap3A_142 = arith.constant 0 : index
      %swap3A_143 = vector.load %arg3[%swap3A_141, %swap3A_142] : memref<256x128xi32, #tpu.memory_space<vmem>>, vector<1x128xi32>
      tpu.vector_store %arg3[%swap3A_141, %swap3A_142], %select_n3A_140 {strides = array<i32>} : memref<256x128xi32, #tpu.memory_space<vmem>>, vector<1x128xi32>,
      scf.yield %broadcast_in_dim3A_97 : vector<1x1xi32>
    }
    %scan3A_22 = arith.constant 32767 : i32
    return
  }
}

module attributes {stable_mosaic.version = 14 : i64} {
  func.func @_bq_body(%arg0: i32, %arg1: memref<1x512x8xf32, #tpu.memory_space<vmem>>, %arg2: memref<1x512x1xf32, #tpu.memory_space<vmem>>, %arg3: memref<8x65536xf32, #tpu.memory_space<vmem>>, %arg4: memref<1x65536xf32, #tpu.memory_space<vmem>>, %arg5: memref<1x512x32xi32, #tpu.memory_space<vmem>>, %arg6: memref<512x512xi32, #tpu.memory_space<vmem>>, %arg7: memref<512x1xi32, #tpu.memory_space<vmem>>) attributes {dimension_semantics = [#tpu.dimension_semantics<arbitrary>], iteration_bounds = array<i64: 64>, scalar_prefetch = 0 : i64, scratch_operands = 2 : i64, tpu.core_type = #tpu.core_type<tc>, window_params = [{transform_indices = @transform_0, window_bounds = array<i64: 1, 512, 8>}, {transform_indices = @transform_1, window_bounds = array<i64: 1, 512, 1>}, {pipeline_mode = #tpu.pipeline_mode<synchronous>, transform_indices = @transform_2, window_bounds = array<i64: 8, 65536>}, {pipeline_mode = #tpu.pipeline_mode<synchronous>, transform_indices = @transform_3, window_bounds = array<i64: 1, 65536>}, {transform_indices = @transform_4, window_bounds = array<i64: 1, 512, 32>}]} {
    %get3A = arith.constant 0 : index
    %get3A_0 = arith.constant 0 : index
    %get3A_1 = arith.constant 0 : index
    %get3A_2 = vector.load %arg1[%get3A, %get3A_0, %get3A_1] : memref<1x512x8xf32, #tpu.memory_space<vmem>>, vector<1x512x8xf32>
    %get3A_3 = vector.shape_cast %get3A_2 : vector<1x512x8xf32> to vector<512x8xf32>
    %get3A_4 = arith.constant 0 : index
    %get3A_5 = arith.constant 0 : index
    %get3A_6 = arith.constant 0 : index
    %get3A_7 = vector.load %arg2[%get3A_4, %get3A_5, %get3A_6] : memref<1x512x1xf32, #tpu.memory_space<vmem>>, vector<1x512x1xf32>
    %get3A_8 = vector.shape_cast %get3A_7 : vector<1x512x1xf32> to vector<512x1xf32>
    %iota3A = tpu.iota {dimensions = array<i32: 1>} : vector<512x32xi32>
    %iota3A_9 = tpu.iota {dimensions = array<i32: 1>} : vector<512x512xi32>
    %broadcast_in_dim3A = arith.constant 65526 : i32
    %broadcast_in_dim3A_10 = vector.broadcast %broadcast_in_dim3A : i32 to vector<512x32xi32>
    %swap3A = arith.constant 0 : index
    %swap3A_11 = arith.constant 0 : index
    %swap3A_12 = arith.constant 0 : index
    %swap3A_13 = vector.load %arg5[%swap3A, %swap3A_11, %swap3A_12] : memref<1x512x32xi32, #tpu.memory_space<vmem>>, vector<1x512x32xi32>
    %swap3A_14 = vector.shape_cast %swap3A_13 : vector<1x512x32xi32> to vector<512x32xi32>
    %swap3A_15 = vector.shape_cast %broadcast_in_dim3A_10 : vector<512x32xi32> to vector<1x512x32xi32>
    tpu.vector_store %arg5[%swap3A, %swap3A_11, %swap3A_12], %swap3A_15 {strides = array<i32>} : memref<1x512x32xi32, #tpu.memory_space<vmem>>, vector<1x512x32xi32>,
    %broadcast_in_dim3A_16 = arith.constant 0 : i32
    %broadcast_in_dim3A_17 = vector.broadcast %broadcast_in_dim3A_16 : i32 to vector<512x1xi32>
    %swap3A_18 = arith.constant 0 : index
    %swap3A_19 = arith.constant 0 : index
    %swap3A_20 = vector.load %arg7[%swap3A_18, %swap3A_19] : memref<512x1xi32, #tpu.memory_space<vmem>>, vector<512x1xi32>
    tpu.vector_store %arg7[%swap3A_18, %swap3A_19], %broadcast_in_dim3A_17 {strides = array<i32>} : memref<512x1xi32, #tpu.memory_space<vmem>>, vector<512x1xi32>,
    %scan3A = arith.constant 65526 : i32
    %scan3A_21 = arith.constant 0 : i32
    %scan3A_22 = arith.constant 128 : i32
    %scan3A_23 = arith.addi %scan3A_21, %scan3A_22 : i32
    %scan3A_24 = arith.constant 1 : i32
    scf.for %scan3A_44 = %scan3A_21 to %scan3A_23 step %scan3A_24  : i32 {
      %mul3A = arith.constant 512 : i32
      %mul3A_45 = arith.muli %scan3A_44, %mul3A : i32
      %get3A_46 = arith.constant 0 : index
      %get3A_47 = arith.index_cast %mul3A_45 : i32 to index
      %get3A_48 = vector.load %arg3[%get3A_46, %get3A_47] : memref<8x65536xf32, #tpu.memory_space<vmem>>, vector<8x512xf32>
      %mul3A_49 = arith.constant 512 : i32
      %mul3A_50 = arith.muli %scan3A_44, %mul3A_49 : i32
      %get3A_51 = arith.constant 0 : index
      %get3A_52 = arith.index_cast %mul3A_50 : i32 to index
      %get3A_53 = vector.load %arg4[%get3A_51, %get3A_52] : memref<1x65536xf32, #tpu.memory_space<vmem>>, vector<1x512xf32>
      %dot_general3A = arith.constant dense<0.000000e+00> : vector<512x512xf32>
      %dot_general3A_54 = tpu.matmul %get3A_3, %get3A_48, %dot_general3A {dimension_numbers = #tpu.dot_dimension_numbers<[1], [0], [0], [1], [0, 0, 1, 1], [], []>, transpose_lhs_hint = false} : vector<512x8xf32>, vector<8x512xf32>, vector<512x512xf32> -> vector<512x512xf32>
      %add3A = vector.broadcast %get3A_8 : vector<512x1xf32> to vector<512x512xf32>
      %add3A_55 = vector.broadcast %get3A_53 : vector<1x512xf32> to vector<512x512xf32>
      %add3A_56 = arith.addf %add3A, %add3A_55 : vector<512x512xf32>
      %mul3A_57 = arith.constant 2.000000e+00 : f32
      %mul3A_58 = vector.broadcast %mul3A_57 : f32 to vector<512x512xf32>
      %mul3A_59 = arith.mulf %mul3A_58, %dot_general3A_54 : vector<512x512xf32>
      %sub3A = arith.subf %add3A_56, %mul3A_59 : vector<512x512xf32>
      %le3A = arith.constant 1.600000e-03 : f32
      %le3A_60 = vector.broadcast %le3A : f32 to vector<512x512xf32>
      %le3A_61 = arith.cmpf ole, %sub3A, %le3A_60 : vector<512x512xf32>
      %mul3A_62 = arith.constant 512 : i32
      %mul3A_63 = arith.muli %scan3A_44, %mul3A_62 : i32
      %add3A_64 = vector.broadcast %mul3A_63 : i32 to vector<512x512xi32>
      %add3A_65 = arith.addi %iota3A_9, %add3A_64 : vector<512x512xi32>
      %broadcast_in_dim3A_66 = vector.broadcast %scan3A : i32 to vector<512x512xi32>
      %select_n3A_67 = arith.select %le3A_61, %add3A_65, %broadcast_in_dim3A_66 : vector<512x512xi1>, vector<512x512xi32>
      %swap3A_68 = arith.constant 0 : index
      %swap3A_69 = arith.constant 0 : index
      %swap3A_70 = vector.load %arg6[%swap3A_68, %swap3A_69] : memref<512x512xi32, #tpu.memory_space<vmem>>, vector<512x512xi32>
      tpu.vector_store %arg6[%swap3A_68, %swap3A_69], %select_n3A_67 {strides = array<i32>} : memref<512x512xi32, #tpu.memory_space<vmem>>, vector<512x512xi32>,
      %while3A = arith.constant true
      %while3A_71 = scf.while (%while3A_72 = %while3A) : (i1) -> i1 {
        scf.condition(%while3A_72) %while3A_72 : i1
      } do {
      ^bb0(%while3A_72: i1):
        %get3A_73 = arith.constant 0 : index
        %get3A_74 = arith.constant 0 : index
        %get3A_75 = vector.load %arg6[%get3A_73, %get3A_74] : memref<512x512xi32, #tpu.memory_space<vmem>>, vector<512x512xi32>
        %get3A_76 = arith.constant 0 : index
        %get3A_77 = arith.constant 0 : index
        %get3A_78 = vector.load %arg7[%get3A_76, %get3A_77] : memref<512x1xi32, #tpu.memory_space<vmem>>, vector<512x1xi32>
        %lt3A_79 = arith.constant 32 : i32
        %lt3A_80 = vector.broadcast %lt3A_79 : i32 to vector<512x1xi32>
        %lt3A_81 = arith.cmpi slt, %get3A_78, %lt3A_80 : vector<512x1xi32>
        %broadcast_in_dim3A_82 = vector.shape_cast %lt3A_81 : vector<512x1xi1> to vector<512x1xi1>
        %broadcast_in_dim3A_83 = vector.broadcast %broadcast_in_dim3A_82 : vector<512x1xi1> to vector<512x512xi1>
        %broadcast_in_dim3A_84 = vector.broadcast %scan3A : i32 to vector<512x512xi32>
        %select_n3A_85 = arith.select %broadcast_in_dim3A_83, %get3A_75, %broadcast_in_dim3A_84 : vector<512x512xi1>, vector<512x512xi32>
        %reduce_min3A = arith.constant dense<2147483647> : vector<512xi32>
        %reduce_min3A_86 = vector.multi_reduction <minsi>, %select_n3A_85, %reduce_min3A [1] : vector<512x512xi32> to vector<512xi32>
        %broadcast_in_dim3A_87 = vector.shape_cast %reduce_min3A_86 : vector<512xi32> to vector<512x1xi32>
        %lt3A_88 = vector.broadcast %scan3A : i32 to vector<512x1xi32>
        %lt3A_89 = arith.cmpi slt, %broadcast_in_dim3A_87, %lt3A_88 : vector<512x1xi32>
        %get3A_90 = arith.constant 0 : index
        %get3A_91 = arith.constant 0 : index
        %get3A_92 = vector.load %arg7[%get3A_90, %get3A_91] : memref<512x1xi32, #tpu.memory_space<vmem>>, vector<512x1xi32>
        %eq3A = vector.broadcast %get3A_92 : vector<512x1xi32> to vector<512x32xi32>
        %eq3A_93 = arith.cmpi eq, %iota3A, %eq3A : vector<512x32xi32>
        %and3A = vector.broadcast %lt3A_89 : vector<512x1xi1> to vector<512x32xi1>
        %and3A_94 = arith.andi %eq3A_93, %and3A : vector<512x32xi1>
        %get3A_95 = arith.constant 0 : index
        %get3A_96 = arith.constant 0 : index
        %get3A_97 = arith.constant 0 : index
        %get3A_98 = vector.load %arg5[%get3A_95, %get3A_96, %get3A_97] : memref<1x512x32xi32, #tpu.memory_space<vmem>>, vector<1x512x32xi32>
        %get3A_99 = vector.shape_cast %get3A_98 : vector<1x512x32xi32> to vector<512x32xi32>
        %broadcast_in_dim3A_100 = vector.shape_cast %broadcast_in_dim3A_87 : vector<512x1xi32> to vector<512x1xi32>
        %broadcast_in_dim3A_101 = vector.broadcast %broadcast_in_dim3A_100 : vector<512x1xi32> to vector<512x32xi32>
        %select_n3A_102 = arith.select %and3A_94, %broadcast_in_dim3A_101, %get3A_99 : vector<512x32xi1>, vector<512x32xi32>
        %swap3A_103 = arith.constant 0 : index
        %swap3A_104 = arith.constant 0 : index
        %swap3A_105 = arith.constant 0 : index
        %swap3A_106 = vector.load %arg5[%swap3A_103, %swap3A_104, %swap3A_105] : memref<1x512x32xi32, #tpu.memory_space<vmem>>, vector<1x512x32xi32>
        %swap3A_107 = vector.shape_cast %swap3A_106 : vector<1x512x32xi32> to vector<512x32xi32>
        %swap3A_108 = vector.shape_cast %select_n3A_102 : vector<512x32xi32> to vector<1x512x32xi32>
        tpu.vector_store %arg5[%swap3A_103, %swap3A_104, %swap3A_105], %swap3A_108 {strides = array<i32>} : memref<1x512x32xi32, #tpu.memory_space<vmem>>, vector<1x512x32xi32>,
        %get3A_109 = arith.constant 0 : index
        %get3A_110 = arith.constant 0 : index
        %get3A_111 = vector.load %arg7[%get3A_109, %get3A_110] : memref<512x1xi32, #tpu.memory_space<vmem>>, vector<512x1xi32>
        %convert_element_type3A = arith.extui %lt3A_89 : vector<512x1xi1> to vector<512x1xi32>
        %add3A_112 = arith.addi %get3A_111, %convert_element_type3A : vector<512x1xi32>
        %swap3A_113 = arith.constant 0 : index
        %swap3A_114 = arith.constant 0 : index
        %swap3A_115 = vector.load %arg7[%swap3A_113, %swap3A_114] : memref<512x1xi32, #tpu.memory_space<vmem>>, vector<512x1xi32>
        tpu.vector_store %arg7[%swap3A_113, %swap3A_114], %add3A_112 {strides = array<i32>} : memref<512x1xi32, #tpu.memory_space<vmem>>, vector<512x1xi32>,
        %eq3A_116 = vector.broadcast %broadcast_in_dim3A_87 : vector<512x1xi32> to vector<512x512xi32>
        %eq3A_117 = arith.cmpi eq, %get3A_75, %eq3A_116 : vector<512x512xi32>
        %broadcast_in_dim3A_118 = vector.broadcast %scan3A : i32 to vector<512x512xi32>
        %select_n3A_119 = arith.select %eq3A_117, %broadcast_in_dim3A_118, %get3A_75 : vector<512x512xi1>, vector<512x512xi32>
        %swap3A_120 = arith.constant 0 : index
        %swap3A_121 = arith.constant 0 : index
        %swap3A_122 = vector.load %arg6[%swap3A_120, %swap3A_121] : memref<512x512xi32, #tpu.memory_space<vmem>>, vector<512x512xi32>
        tpu.vector_store %arg6[%swap3A_120, %swap3A_121], %select_n3A_119 {strides = array<i32>} : memref<512x512xi32, #tpu.memory_space<vmem>>, vector<512x512xi32>,
        %reduce_or3A = arith.constant 1.000000e+00 : f32
        %reduce_or3A_123 = arith.constant 0.000000e+00 : f32
        %reduce_or3A_124 = vector.broadcast %reduce_or3A : f32 to vector<512x1xf32>
        %reduce_or3A_125 = vector.broadcast %reduce_or3A_123 : f32 to vector<512x1xf32>
        %reduce_or3A_126 = arith.select %lt3A_89, %reduce_or3A_124, %reduce_or3A_125 : vector<512x1xi1>, vector<512x1xf32>
        %reduce_or3A_127 = vector.shape_cast %reduce_or3A_126 : vector<512x1xf32> to vector<1x512x1xf32>
        %reduce_or3A_128 = arith.constant dense<0xFF800000> : vector<1xf32>
        %reduce_or3A_129 = vector.multi_reduction <maximumf>, %reduce_or3A_127, %reduce_or3A_128 [1, 2] : vector<1x512x1xf32> to vector<1xf32>
        %reduce_or3A_130 = vector.shape_cast %reduce_or3A_129 : vector<1xf32> to vector<1x1x1xf32>
        %reduce_or3A_131 = vector.extract %reduce_or3A_130[0, 0, 0] : f32 from vector<1x1x1xf32>
        %reduce_or3A_132 = arith.constant 0.000000e+00 : f32
        %reduce_or3A_133 = arith.cmpf ogt, %reduce_or3A_131, %reduce_or3A_132 : f32
        scf.yield %reduce_or3A_133 : i1
      }
    }
    %scan3A_25 = arith.constant 128 : i32
    %get3A_26 = arith.constant 0 : index
    %get3A_27 = arith.constant 0 : index
    %get3A_28 = arith.constant 0 : index
    %get3A_29 = vector.load %arg5[%get3A_26, %get3A_27, %get3A_28] : memref<1x512x32xi32, #tpu.memory_space<vmem>>, vector<1x512x32xi32>
    %get3A_30 = vector.shape_cast %get3A_29 : vector<1x512x32xi32> to vector<512x32xi32>
    %lt3A = arith.constant 65526 : i32
    %lt3A_31 = vector.broadcast %lt3A : i32 to vector<512x32xi32>
    %lt3A_32 = arith.cmpi slt, %get3A_30, %lt3A_31 : vector<512x32xi32>
    %slice3A = vector.extract_strided_slice %get3A_30 {offsets = [0, 0], sizes = [512, 1], strides = [1, 1]} : vector<512x32xi32> to vector<512x1xi32>
    %broadcast_in_dim3A_33 = vector.shape_cast %slice3A : vector<512x1xi32> to vector<512x1xi32>
    %broadcast_in_dim3A_34 = vector.broadcast %broadcast_in_dim3A_33 : vector<512x1xi32> to vector<512x32xi32>
    %select_n3A = arith.select %lt3A_32, %get3A_30, %broadcast_in_dim3A_34 : vector<512x32xi1>, vector<512x32xi32>
    %jit3A = arith.constant 0 : i32
    %jit3A_35 = arith.constant 65525 : i32
    %max3A = vector.broadcast %jit3A : i32 to vector<512x32xi32>
    %max3A_36 = arith.maxsi %max3A, %select_n3A : vector<512x32xi32>
    %min3A = vector.broadcast %jit3A_35 : i32 to vector<512x32xi32>
    %min3A_37 = arith.minsi %min3A, %max3A_36 : vector<512x32xi32>
    %swap3A_38 = arith.constant 0 : index
    %swap3A_39 = arith.constant 0 : index
    %swap3A_40 = arith.constant 0 : index
    %swap3A_41 = vector.load %arg5[%swap3A_38, %swap3A_39, %swap3A_40] : memref<1x512x32xi32, #tpu.memory_space<vmem>>, vector<1x512x32xi32>
    %swap3A_42 = vector.shape_cast %swap3A_41 : vector<1x512x32xi32> to vector<512x32xi32>
    %swap3A_43 = vector.shape_cast %min3A_37 : vector<512x32xi32> to vector<1x512x32xi32>
    tpu.vector_store %arg5[%swap3A_38, %swap3A_39, %swap3A_40], %swap3A_43 {strides = array<i32>} : memref<1x512x32xi32, #tpu.memory_space<vmem>>, vector<1x512x32xi32>,
    return
  }
  func.func @transform_0(%arg0: i32) -> (i32, i32, i32) {
    %c0_i32 = arith.constant 0 : i32
    %c0_i32_0 = arith.constant 0 : i32
    %c0_i32_1 = arith.constant 0 : i32
    return %arg0, %c0_i32, %c0_i32_0 : i32, i32, i32
  }
  func.func @transform_1(%arg0: i32) -> (i32, i32, i32) {
    %c0_i32 = arith.constant 0 : i32
    %c0_i32_0 = arith.constant 0 : i32
    %c0_i32_1 = arith.constant 0 : i32
    return %arg0, %c0_i32, %c0_i32_0 : i32, i32, i32
  }
  func.func @transform_2(%arg0: i32) -> (i32, i32) {
    %c0_i32 = arith.constant 0 : i32
    %c0_i32_0 = arith.constant 0 : i32
    %c0_i32_1 = arith.constant 0 : i32
    return %c0_i32, %c0_i32_0 : i32, i32
  }
  func.func @transform_3(%arg0: i32) -> (i32, i32) {
    %c0_i32 = arith.constant 0 : i32
    %c0_i32_0 = arith.constant 0 : i32
    %c0_i32_1 = arith.constant 0 : i32
    return %c0_i32, %c0_i32_0 : i32, i32
  }
  func.func @transform_4(%arg0: i32) -> (i32, i32, i32) {
    %c0_i32 = arith.constant 0 : i32
    %c0_i32_0 = arith.constant 0 : i32
    %c0_i32_1 = arith.constant 0 : i32
    return %arg0, %c0_i32, %c0_i32_0 : i32, i32, i32
  }
}

module attributes {stable_mosaic.version = 14 : i64} {
  func.func @_fps_pallas_body(%arg0: memref<256x128xf32, #tpu.memory_space<vmem>>, %arg1: memref<256x128xf32, #tpu.memory_space<vmem>>, %arg2: memref<256x128xf32, #tpu.memory_space<vmem>>, %arg3: memref<128x128xi32, #tpu.memory_space<vmem>>, %arg4: memref<256x128xf32, #tpu.memory_space<vmem>>) attributes {dimension_semantics = [], scalar_prefetch = 0 : i64, scratch_operands = 1 : i64, tpu.core_type = #tpu.core_type<tc>} {
    %iota3A = tpu.iota {dimensions = array<i32: 1>} : vector<1x128xi32>
    %iota3A_0 = tpu.iota {dimensions = array<i32: 0>} : vector<256x128xi32>
    %mul3A = arith.constant 128 : i32
    %mul3A_1 = vector.broadcast %mul3A : i32 to vector<256x128xi32>
    %mul3A_2 = arith.muli %iota3A_0, %mul3A_1 : vector<256x128xi32>
    %iota3A_3 = tpu.iota {dimensions = array<i32: 1>} : vector<256x128xi32>
    %add3A = arith.addi %mul3A_2, %iota3A_3 : vector<256x128xi32>
    %lt3A = arith.constant 32768 : i32
    %lt3A_4 = vector.broadcast %lt3A : i32 to vector<256x128xi32>
    %lt3A_5 = arith.cmpi slt, %add3A, %lt3A_4 : vector<256x128xi32>
    %jit3A = arith.constant 1.000000e+10 : f32
    %jit3A_6 = arith.constant 0xFF800000 : f32
    %broadcast_in_dim3A = vector.broadcast %jit3A : f32 to vector<256x128xf32>
    %broadcast_in_dim3A_7 = vector.broadcast %jit3A_6 : f32 to vector<256x128xf32>
    %select_n3A = arith.select %lt3A_5, %broadcast_in_dim3A, %broadcast_in_dim3A_7 : vector<256x128xi1>, vector<256x128xf32>
    %swap3A = arith.constant 0 : index
    %swap3A_8 = arith.constant 0 : index
    %swap3A_9 = vector.load %arg4[%swap3A, %swap3A_8] : memref<256x128xf32, #tpu.memory_space<vmem>>, vector<256x128xf32>
    tpu.vector_store %arg4[%swap3A, %swap3A_8], %select_n3A {strides = array<i32>} : memref<256x128xf32, #tpu.memory_space<vmem>>, vector<256x128xf32>,
    %broadcast_in_dim3A_10 = arith.constant 0 : i32
    %broadcast_in_dim3A_11 = vector.broadcast %broadcast_in_dim3A_10 : i32 to vector<128x128xi32>
    %swap3A_12 = arith.constant 0 : index
    %swap3A_13 = arith.constant 0 : index
    %swap3A_14 = vector.load %arg3[%swap3A_12, %swap3A_13] : memref<128x128xi32, #tpu.memory_space<vmem>>, vector<128x128xi32>
    tpu.vector_store %arg3[%swap3A_12, %swap3A_13], %broadcast_in_dim3A_11 {strides = array<i32>} : memref<128x128xi32, #tpu.memory_space<vmem>>, vector<128x128xi32>,
    %broadcast_in_dim3A_15 = arith.constant 0 : i32
    %broadcast_in_dim3A_16 = vector.broadcast %broadcast_in_dim3A_15 : i32 to vector<1x1xi32>
    %scan3A = arith.constant 0xFF800000 : f32
    %scan3A_17 = arith.constant 1 : i32
    %scan3A_18 = arith.constant 16383 : i32
    %scan3A_19 = arith.addi %scan3A_17, %scan3A_18 : i32
    %scan3A_20 = arith.constant 1 : i32
    %scan3A_21 = scf.for %scan3A_23 = %scan3A_17 to %scan3A_19 step %scan3A_20 iter_args(%scan3A_24 = %broadcast_in_dim3A_16) -> (vector<1x1xi32>)  : i32 {
      %eq3A = vector.broadcast %scan3A_24 : vector<1x1xi32> to vector<256x128xi32>
      %eq3A_25 = arith.cmpi eq, %add3A, %eq3A : vector<256x128xi32>
      %get3A = arith.constant 0 : index
      %get3A_26 = arith.constant 0 : index
      %get3A_27 = vector.load %arg0[%get3A, %get3A_26] : memref<256x128xf32, #tpu.memory_space<vmem>>, vector<256x128xf32>
      %broadcast_in_dim3A_28 = vector.broadcast %scan3A : f32 to vector<256x128xf32>
      %select_n3A_29 = arith.select %eq3A_25, %get3A_27, %broadcast_in_dim3A_28 : vector<256x128xi1>, vector<256x128xf32>
      %reduce_max3A = vector.shape_cast %select_n3A_29 : vector<256x128xf32> to vector<1x256x128xf32>
      %reduce_max3A_30 = arith.constant dense<0xFF800000> : vector<1xf32>
      %reduce_max3A_31 = vector.multi_reduction <maximumf>, %reduce_max3A, %reduce_max3A_30 [1, 2] : vector<1x256x128xf32> to vector<1xf32>
      %reduce_max3A_32 = vector.shape_cast %reduce_max3A_31 : vector<1xf32> to vector<1x1x1xf32>
      %reduce_max3A_33 = vector.extract %reduce_max3A_32[0, 0, 0] : f32 from vector<1x1x1xf32>
      %broadcast_in_dim3A_34 = vector.broadcast %reduce_max3A_33 : f32 to vector<1x1xf32>
      %get3A_35 = arith.constant 0 : index
      %get3A_36 = arith.constant 0 : index
      %get3A_37 = vector.load %arg1[%get3A_35, %get3A_36] : memref<256x128xf32, #tpu.memory_space<vmem>>, vector<256x128xf32>
      %broadcast_in_dim3A_38 = vector.broadcast %scan3A : f32 to vector<256x128xf32>
      %select_n3A_39 = arith.select %eq3A_25, %get3A_37, %broadcast_in_dim3A_38 : vector<256x128xi1>, vector<256x128xf32>
      %reduce_max3A_40 = vector.shape_cast %select_n3A_39 : vector<256x128xf32> to vector<1x256x128xf32>
      %reduce_max3A_41 = arith.constant dense<0xFF800000> : vector<1xf32>
      %reduce_max3A_42 = vector.multi_reduction <maximumf>, %reduce_max3A_40, %reduce_max3A_41 [1, 2] : vector<1x256x128xf32> to vector<1xf32>
      %reduce_max3A_43 = vector.shape_cast %reduce_max3A_42 : vector<1xf32> to vector<1x1x1xf32>
      %reduce_max3A_44 = vector.extract %reduce_max3A_43[0, 0, 0] : f32 from vector<1x1x1xf32>
      %broadcast_in_dim3A_45 = vector.broadcast %reduce_max3A_44 : f32 to vector<1x1xf32>
      %get3A_46 = arith.constant 0 : index
      %get3A_47 = arith.constant 0 : index
      %get3A_48 = vector.load %arg2[%get3A_46, %get3A_47] : memref<256x128xf32, #tpu.memory_space<vmem>>, vector<256x128xf32>
      %broadcast_in_dim3A_49 = vector.broadcast %scan3A : f32 to vector<256x128xf32>
      %select_n3A_50 = arith.select %eq3A_25, %get3A_48, %broadcast_in_dim3A_49 : vector<256x128xi1>, vector<256x128xf32>
      %reduce_max3A_51 = vector.shape_cast %select_n3A_50 : vector<256x128xf32> to vector<1x256x128xf32>
      %reduce_max3A_52 = arith.constant dense<0xFF800000> : vector<1xf32>
      %reduce_max3A_53 = vector.multi_reduction <maximumf>, %reduce_max3A_51, %reduce_max3A_52 [1, 2] : vector<1x256x128xf32> to vector<1xf32>
      %reduce_max3A_54 = vector.shape_cast %reduce_max3A_53 : vector<1xf32> to vector<1x1x1xf32>
      %reduce_max3A_55 = vector.extract %reduce_max3A_54[0, 0, 0] : f32 from vector<1x1x1xf32>
      %broadcast_in_dim3A_56 = vector.broadcast %reduce_max3A_55 : f32 to vector<1x1xf32>
      %get3A_57 = arith.constant 0 : index
      %get3A_58 = arith.constant 0 : index
      %get3A_59 = vector.load %arg0[%get3A_57, %get3A_58] : memref<256x128xf32, #tpu.memory_space<vmem>>, vector<256x128xf32>
      %sub3A = vector.broadcast %broadcast_in_dim3A_34 : vector<1x1xf32> to vector<256x128xf32>
      %sub3A_60 = arith.subf %get3A_59, %sub3A : vector<256x128xf32>
      %get3A_61 = arith.constant 0 : index
      %get3A_62 = arith.constant 0 : index
      %get3A_63 = vector.load %arg1[%get3A_61, %get3A_62] : memref<256x128xf32, #tpu.memory_space<vmem>>, vector<256x128xf32>
      %sub3A_64 = vector.broadcast %broadcast_in_dim3A_45 : vector<1x1xf32> to vector<256x128xf32>
      %sub3A_65 = arith.subf %get3A_63, %sub3A_64 : vector<256x128xf32>
      %get3A_66 = arith.constant 0 : index
      %get3A_67 = arith.constant 0 : index
      %get3A_68 = vector.load %arg2[%get3A_66, %get3A_67] : memref<256x128xf32, #tpu.memory_space<vmem>>, vector<256x128xf32>
      %sub3A_69 = vector.broadcast %broadcast_in_dim3A_56 : vector<1x1xf32> to vector<256x128xf32>
      %sub3A_70 = arith.subf %get3A_68, %sub3A_69 : vector<256x128xf32>
      %mul3A_71 = arith.mulf %sub3A_60, %sub3A_60 : vector<256x128xf32>
      %mul3A_72 = arith.mulf %sub3A_70, %sub3A_70 : vector<256x128xf32>
      %add3A_73 = arith.addf %mul3A_71, %mul3A_72 : vector<256x128xf32>
      %mul3A_74 = arith.mulf %sub3A_65, %sub3A_65 : vector<256x128xf32>
      %add3A_75 = arith.addf %add3A_73, %mul3A_74 : vector<256x128xf32>
      %get3A_76 = arith.constant 0 : index
      %get3A_77 = arith.constant 0 : index
      %get3A_78 = vector.load %arg4[%get3A_76, %get3A_77] : memref<256x128xf32, #tpu.memory_space<vmem>>, vector<256x128xf32>
      %min3A = arith.minimumf %get3A_78, %add3A_75 : vector<256x128xf32>
      %swap3A_79 = arith.constant 0 : index
      %swap3A_80 = arith.constant 0 : index
      %swap3A_81 = vector.load %arg4[%swap3A_79, %swap3A_80] : memref<256x128xf32, #tpu.memory_space<vmem>>, vector<256x128xf32>
      tpu.vector_store %arg4[%swap3A_79, %swap3A_80], %min3A {strides = array<i32>} : memref<256x128xf32, #tpu.memory_space<vmem>>, vector<256x128xf32>,
      %reduce_max3A_82 = vector.shape_cast %min3A : vector<256x128xf32> to vector<1x256x128xf32>
      %reduce_max3A_83 = arith.constant dense<0xFF800000> : vector<1xf32>
      %reduce_max3A_84 = vector.multi_reduction <maximumf>, %reduce_max3A_82, %reduce_max3A_83 [1, 2] : vector<1x256x128xf32> to vector<1xf32>
      %reduce_max3A_85 = vector.shape_cast %reduce_max3A_84 : vector<1xf32> to vector<1x1x1xf32>
      %reduce_max3A_86 = vector.extract %reduce_max3A_85[0, 0, 0] : f32 from vector<1x1x1xf32>
      %broadcast_in_dim3A_87 = vector.broadcast %reduce_max3A_86 : f32 to vector<1x1xf32>
      %eq3A_88 = vector.broadcast %broadcast_in_dim3A_87 : vector<1x1xf32> to vector<256x128xf32>
      %eq3A_89 = arith.cmpf oeq, %min3A, %eq3A_88 : vector<256x128xf32>
      %jit3A_90 = arith.constant 1073741824 : i32
      %broadcast_in_dim3A_91 = vector.broadcast %jit3A_90 : i32 to vector<256x128xi32>
      %select_n3A_92 = arith.select %eq3A_89, %add3A, %broadcast_in_dim3A_91 : vector<256x128xi1>, vector<256x128xi32>
      %reduce_min3A = vector.shape_cast %select_n3A_92 : vector<256x128xi32> to vector<1x256x128xi32>
      %reduce_min3A_93 = arith.constant dense<2147483647> : vector<1xi32>
      %reduce_min3A_94 = vector.multi_reduction <minsi>, %reduce_min3A, %reduce_min3A_93 [1, 2] : vector<1x256x128xi32> to vector<1xi32>
      %reduce_min3A_95 = vector.shape_cast %reduce_min3A_94 : vector<1xi32> to vector<1x1x1xi32>
      %reduce_min3A_96 = vector.extract %reduce_min3A_95[0, 0, 0] : i32 from vector<1x1x1xi32>
      %broadcast_in_dim3A_97 = vector.broadcast %reduce_min3A_96 : i32 to vector<1x1xi32>
      %jit3A_98 = arith.constant 128 : i32
      %div3A = arith.divsi %scan3A_23, %jit3A_98 : i32
      %sign3A = arith.constant 0 : i32
      %sign3A_99 = arith.cmpi sgt, %scan3A_23, %sign3A : i32
      %sign3A_100 = arith.extui %sign3A_99 : i1 to i32
      %sign3A_101 = arith.constant 0 : i32
      %sign3A_102 = arith.cmpi slt, %scan3A_23, %sign3A_101 : i32
      %sign3A_103 = arith.extui %sign3A_102 : i1 to i32
      %sign3A_104 = arith.subi %sign3A_100, %sign3A_103 : i32
      %sign3A_105 = arith.constant 0 : i32
      %sign3A_106 = arith.cmpi sgt, %jit3A_98, %sign3A_105 : i32
      %sign3A_107 = arith.extui %sign3A_106 : i1 to i32
      %sign3A_108 = arith.constant 0 : i32
      %sign3A_109 = arith.cmpi slt, %jit3A_98, %sign3A_108 : i32
      %sign3A_110 = arith.extui %sign3A_109 : i1 to i32
      %sign3A_111 = arith.subi %sign3A_107, %sign3A_110 : i32
      %ne3A = arith.cmpi ne, %sign3A_104, %sign3A_111 : i32
      %rem3A = arith.remsi %scan3A_23, %jit3A_98 : i32
      %ne3A_112 = arith.constant 0 : i32
      %ne3A_113 = arith.cmpi ne, %rem3A, %ne3A_112 : i32
      %and3A = arith.andi %ne3A, %ne3A_113 : i1
      %sub3A_114 = arith.constant 1 : i32
      %sub3A_115 = arith.subi %div3A, %sub3A_114 : i32
      %select_n3A_116 = arith.select %and3A, %sub3A_115, %div3A : i32
      %jit3A_117 = arith.constant 128 : i32
      %eq3A_118 = arith.constant 0 : i32
      %eq3A_119 = arith.cmpi eq, %jit3A_117, %eq3A_118 : i32
      %jit3A_120 = arith.constant 1 : i32
      %select_n3A_121 = arith.select %eq3A_119, %jit3A_120, %jit3A_117 : i32
      %rem3A_122 = arith.remsi %scan3A_23, %select_n3A_121 : i32
      %ne3A_123 = arith.constant 0 : i32
      %ne3A_124 = arith.cmpi ne, %rem3A_122, %ne3A_123 : i32
      %lt3A_125 = arith.constant 0 : i32
      %lt3A_126 = arith.cmpi slt, %rem3A_122, %lt3A_125 : i32
      %lt3A_127 = arith.constant 0 : i32
      %lt3A_128 = arith.cmpi slt, %select_n3A_121, %lt3A_127 : i32
      %ne3A_129 = arith.xori %lt3A_126, %lt3A_128 : i1
      %and3A_130 = arith.andi %ne3A_129, %ne3A_124 : i1
      %add3A_131 = arith.addi %rem3A_122, %select_n3A_121 : i32
      %select_n3A_132 = arith.select %and3A_130, %add3A_131, %rem3A_122 : i32
      %get3A_133 = arith.index_cast %select_n3A_116 : i32 to index
      %get3A_134 = arith.constant 0 : index
      %get3A_135 = vector.load %arg3[%get3A_133, %get3A_134] : memref<128x128xi32, #tpu.memory_space<vmem>>, vector<1x128xi32>
      %eq3A_136 = vector.broadcast %select_n3A_132 : i32 to vector<1x128xi32>
      %eq3A_137 = arith.cmpi eq, %iota3A, %eq3A_136 : vector<1x128xi32>
      %broadcast_in_dim3A_138 = vector.shape_cast %broadcast_in_dim3A_97 : vector<1x1xi32> to vector<1x1xi32>
      %broadcast_in_dim3A_139 = vector.broadcast %broadcast_in_dim3A_138 : vector<1x1xi32> to vector<1x128xi32>
      %select_n3A_140 = arith.select %eq3A_137, %broadcast_in_dim3A_139, %get3A_135 : vector<1x128xi1>, vector<1x128xi32>
      %swap3A_141 = arith.index_cast %select_n3A_116 : i32 to index
      %swap3A_142 = arith.constant 0 : index
      %swap3A_143 = vector.load %arg3[%swap3A_141, %swap3A_142] : memref<128x128xi32, #tpu.memory_space<vmem>>, vector<1x128xi32>
      tpu.vector_store %arg3[%swap3A_141, %swap3A_142], %select_n3A_140 {strides = array<i32>} : memref<128x128xi32, #tpu.memory_space<vmem>>, vector<1x128xi32>,
      scf.yield %broadcast_in_dim3A_97 : vector<1x1xi32>
    }
    %scan3A_22 = arith.constant 16383 : i32
    return
  }
}

module attributes {stable_mosaic.version = 14 : i64} {
  func.func @_fps_pallas_body(%arg0: memref<128x128xf32, #tpu.memory_space<vmem>>, %arg1: memref<128x128xf32, #tpu.memory_space<vmem>>, %arg2: memref<128x128xf32, #tpu.memory_space<vmem>>, %arg3: memref<64x128xi32, #tpu.memory_space<vmem>>, %arg4: memref<128x128xf32, #tpu.memory_space<vmem>>) attributes {dimension_semantics = [], scalar_prefetch = 0 : i64, scratch_operands = 1 : i64, tpu.core_type = #tpu.core_type<tc>} {
    %iota3A = tpu.iota {dimensions = array<i32: 1>} : vector<1x128xi32>
    %iota3A_0 = tpu.iota {dimensions = array<i32: 0>} : vector<128x128xi32>
    %mul3A = arith.constant 128 : i32
    %mul3A_1 = vector.broadcast %mul3A : i32 to vector<128x128xi32>
    %mul3A_2 = arith.muli %iota3A_0, %mul3A_1 : vector<128x128xi32>
    %iota3A_3 = tpu.iota {dimensions = array<i32: 1>} : vector<128x128xi32>
    %add3A = arith.addi %mul3A_2, %iota3A_3 : vector<128x128xi32>
    %lt3A = arith.constant 16384 : i32
    %lt3A_4 = vector.broadcast %lt3A : i32 to vector<128x128xi32>
    %lt3A_5 = arith.cmpi slt, %add3A, %lt3A_4 : vector<128x128xi32>
    %jit3A = arith.constant 1.000000e+10 : f32
    %jit3A_6 = arith.constant 0xFF800000 : f32
    %broadcast_in_dim3A = vector.broadcast %jit3A : f32 to vector<128x128xf32>
    %broadcast_in_dim3A_7 = vector.broadcast %jit3A_6 : f32 to vector<128x128xf32>
    %select_n3A = arith.select %lt3A_5, %broadcast_in_dim3A, %broadcast_in_dim3A_7 : vector<128x128xi1>, vector<128x128xf32>
    %swap3A = arith.constant 0 : index
    %swap3A_8 = arith.constant 0 : index
    %swap3A_9 = vector.load %arg4[%swap3A, %swap3A_8] : memref<128x128xf32, #tpu.memory_space<vmem>>, vector<128x128xf32>
    tpu.vector_store %arg4[%swap3A, %swap3A_8], %select_n3A {strides = array<i32>} : memref<128x128xf32, #tpu.memory_space<vmem>>, vector<128x128xf32>,
    %broadcast_in_dim3A_10 = arith.constant 0 : i32
    %broadcast_in_dim3A_11 = vector.broadcast %broadcast_in_dim3A_10 : i32 to vector<64x128xi32>
    %swap3A_12 = arith.constant 0 : index
    %swap3A_13 = arith.constant 0 : index
    %swap3A_14 = vector.load %arg3[%swap3A_12, %swap3A_13] : memref<64x128xi32, #tpu.memory_space<vmem>>, vector<64x128xi32>
    tpu.vector_store %arg3[%swap3A_12, %swap3A_13], %broadcast_in_dim3A_11 {strides = array<i32>} : memref<64x128xi32, #tpu.memory_space<vmem>>, vector<64x128xi32>,
    %broadcast_in_dim3A_15 = arith.constant 0 : i32
    %broadcast_in_dim3A_16 = vector.broadcast %broadcast_in_dim3A_15 : i32 to vector<1x1xi32>
    %scan3A = arith.constant 0xFF800000 : f32
    %scan3A_17 = arith.constant 1 : i32
    %scan3A_18 = arith.constant 8191 : i32
    %scan3A_19 = arith.addi %scan3A_17, %scan3A_18 : i32
    %scan3A_20 = arith.constant 1 : i32
    %scan3A_21 = scf.for %scan3A_23 = %scan3A_17 to %scan3A_19 step %scan3A_20 iter_args(%scan3A_24 = %broadcast_in_dim3A_16) -> (vector<1x1xi32>)  : i32 {
      %eq3A = vector.broadcast %scan3A_24 : vector<1x1xi32> to vector<128x128xi32>
      %eq3A_25 = arith.cmpi eq, %add3A, %eq3A : vector<128x128xi32>
      %get3A = arith.constant 0 : index
      %get3A_26 = arith.constant 0 : index
      %get3A_27 = vector.load %arg0[%get3A, %get3A_26] : memref<128x128xf32, #tpu.memory_space<vmem>>, vector<128x128xf32>
      %broadcast_in_dim3A_28 = vector.broadcast %scan3A : f32 to vector<128x128xf32>
      %select_n3A_29 = arith.select %eq3A_25, %get3A_27, %broadcast_in_dim3A_28 : vector<128x128xi1>, vector<128x128xf32>
      %reduce_max3A = vector.shape_cast %select_n3A_29 : vector<128x128xf32> to vector<1x128x128xf32>
      %reduce_max3A_30 = arith.constant dense<0xFF800000> : vector<1xf32>
      %reduce_max3A_31 = vector.multi_reduction <maximumf>, %reduce_max3A, %reduce_max3A_30 [1, 2] : vector<1x128x128xf32> to vector<1xf32>
      %reduce_max3A_32 = vector.shape_cast %reduce_max3A_31 : vector<1xf32> to vector<1x1x1xf32>
      %reduce_max3A_33 = vector.extract %reduce_max3A_32[0, 0, 0] : f32 from vector<1x1x1xf32>
      %broadcast_in_dim3A_34 = vector.broadcast %reduce_max3A_33 : f32 to vector<1x1xf32>
      %get3A_35 = arith.constant 0 : index
      %get3A_36 = arith.constant 0 : index
      %get3A_37 = vector.load %arg1[%get3A_35, %get3A_36] : memref<128x128xf32, #tpu.memory_space<vmem>>, vector<128x128xf32>
      %broadcast_in_dim3A_38 = vector.broadcast %scan3A : f32 to vector<128x128xf32>
      %select_n3A_39 = arith.select %eq3A_25, %get3A_37, %broadcast_in_dim3A_38 : vector<128x128xi1>, vector<128x128xf32>
      %reduce_max3A_40 = vector.shape_cast %select_n3A_39 : vector<128x128xf32> to vector<1x128x128xf32>
      %reduce_max3A_41 = arith.constant dense<0xFF800000> : vector<1xf32>
      %reduce_max3A_42 = vector.multi_reduction <maximumf>, %reduce_max3A_40, %reduce_max3A_41 [1, 2] : vector<1x128x128xf32> to vector<1xf32>
      %reduce_max3A_43 = vector.shape_cast %reduce_max3A_42 : vector<1xf32> to vector<1x1x1xf32>
      %reduce_max3A_44 = vector.extract %reduce_max3A_43[0, 0, 0] : f32 from vector<1x1x1xf32>
      %broadcast_in_dim3A_45 = vector.broadcast %reduce_max3A_44 : f32 to vector<1x1xf32>
      %get3A_46 = arith.constant 0 : index
      %get3A_47 = arith.constant 0 : index
      %get3A_48 = vector.load %arg2[%get3A_46, %get3A_47] : memref<128x128xf32, #tpu.memory_space<vmem>>, vector<128x128xf32>
      %broadcast_in_dim3A_49 = vector.broadcast %scan3A : f32 to vector<128x128xf32>
      %select_n3A_50 = arith.select %eq3A_25, %get3A_48, %broadcast_in_dim3A_49 : vector<128x128xi1>, vector<128x128xf32>
      %reduce_max3A_51 = vector.shape_cast %select_n3A_50 : vector<128x128xf32> to vector<1x128x128xf32>
      %reduce_max3A_52 = arith.constant dense<0xFF800000> : vector<1xf32>
      %reduce_max3A_53 = vector.multi_reduction <maximumf>, %reduce_max3A_51, %reduce_max3A_52 [1, 2] : vector<1x128x128xf32> to vector<1xf32>
      %reduce_max3A_54 = vector.shape_cast %reduce_max3A_53 : vector<1xf32> to vector<1x1x1xf32>
      %reduce_max3A_55 = vector.extract %reduce_max3A_54[0, 0, 0] : f32 from vector<1x1x1xf32>
      %broadcast_in_dim3A_56 = vector.broadcast %reduce_max3A_55 : f32 to vector<1x1xf32>
      %get3A_57 = arith.constant 0 : index
      %get3A_58 = arith.constant 0 : index
      %get3A_59 = vector.load %arg0[%get3A_57, %get3A_58] : memref<128x128xf32, #tpu.memory_space<vmem>>, vector<128x128xf32>
      %sub3A = vector.broadcast %broadcast_in_dim3A_34 : vector<1x1xf32> to vector<128x128xf32>
      %sub3A_60 = arith.subf %get3A_59, %sub3A : vector<128x128xf32>
      %get3A_61 = arith.constant 0 : index
      %get3A_62 = arith.constant 0 : index
      %get3A_63 = vector.load %arg1[%get3A_61, %get3A_62] : memref<128x128xf32, #tpu.memory_space<vmem>>, vector<128x128xf32>
      %sub3A_64 = vector.broadcast %broadcast_in_dim3A_45 : vector<1x1xf32> to vector<128x128xf32>
      %sub3A_65 = arith.subf %get3A_63, %sub3A_64 : vector<128x128xf32>
      %get3A_66 = arith.constant 0 : index
      %get3A_67 = arith.constant 0 : index
      %get3A_68 = vector.load %arg2[%get3A_66, %get3A_67] : memref<128x128xf32, #tpu.memory_space<vmem>>, vector<128x128xf32>
      %sub3A_69 = vector.broadcast %broadcast_in_dim3A_56 : vector<1x1xf32> to vector<128x128xf32>
      %sub3A_70 = arith.subf %get3A_68, %sub3A_69 : vector<128x128xf32>
      %mul3A_71 = arith.mulf %sub3A_60, %sub3A_60 : vector<128x128xf32>
      %mul3A_72 = arith.mulf %sub3A_70, %sub3A_70 : vector<128x128xf32>
      %add3A_73 = arith.addf %mul3A_71, %mul3A_72 : vector<128x128xf32>
      %mul3A_74 = arith.mulf %sub3A_65, %sub3A_65 : vector<128x128xf32>
      %add3A_75 = arith.addf %add3A_73, %mul3A_74 : vector<128x128xf32>
      %get3A_76 = arith.constant 0 : index
      %get3A_77 = arith.constant 0 : index
      %get3A_78 = vector.load %arg4[%get3A_76, %get3A_77] : memref<128x128xf32, #tpu.memory_space<vmem>>, vector<128x128xf32>
      %min3A = arith.minimumf %get3A_78, %add3A_75 : vector<128x128xf32>
      %swap3A_79 = arith.constant 0 : index
      %swap3A_80 = arith.constant 0 : index
      %swap3A_81 = vector.load %arg4[%swap3A_79, %swap3A_80] : memref<128x128xf32, #tpu.memory_space<vmem>>, vector<128x128xf32>
      tpu.vector_store %arg4[%swap3A_79, %swap3A_80], %min3A {strides = array<i32>} : memref<128x128xf32, #tpu.memory_space<vmem>>, vector<128x128xf32>,
      %reduce_max3A_82 = vector.shape_cast %min3A : vector<128x128xf32> to vector<1x128x128xf32>
      %reduce_max3A_83 = arith.constant dense<0xFF800000> : vector<1xf32>
      %reduce_max3A_84 = vector.multi_reduction <maximumf>, %reduce_max3A_82, %reduce_max3A_83 [1, 2] : vector<1x128x128xf32> to vector<1xf32>
      %reduce_max3A_85 = vector.shape_cast %reduce_max3A_84 : vector<1xf32> to vector<1x1x1xf32>
      %reduce_max3A_86 = vector.extract %reduce_max3A_85[0, 0, 0] : f32 from vector<1x1x1xf32>
      %broadcast_in_dim3A_87 = vector.broadcast %reduce_max3A_86 : f32 to vector<1x1xf32>
      %eq3A_88 = vector.broadcast %broadcast_in_dim3A_87 : vector<1x1xf32> to vector<128x128xf32>
      %eq3A_89 = arith.cmpf oeq, %min3A, %eq3A_88 : vector<128x128xf32>
      %jit3A_90 = arith.constant 1073741824 : i32
      %broadcast_in_dim3A_91 = vector.broadcast %jit3A_90 : i32 to vector<128x128xi32>
      %select_n3A_92 = arith.select %eq3A_89, %add3A, %broadcast_in_dim3A_91 : vector<128x128xi1>, vector<128x128xi32>
      %reduce_min3A = vector.shape_cast %select_n3A_92 : vector<128x128xi32> to vector<1x128x128xi32>
      %reduce_min3A_93 = arith.constant dense<2147483647> : vector<1xi32>
      %reduce_min3A_94 = vector.multi_reduction <minsi>, %reduce_min3A, %reduce_min3A_93 [1, 2] : vector<1x128x128xi32> to vector<1xi32>
      %reduce_min3A_95 = vector.shape_cast %reduce_min3A_94 : vector<1xi32> to vector<1x1x1xi32>
      %reduce_min3A_96 = vector.extract %reduce_min3A_95[0, 0, 0] : i32 from vector<1x1x1xi32>
      %broadcast_in_dim3A_97 = vector.broadcast %reduce_min3A_96 : i32 to vector<1x1xi32>
      %jit3A_98 = arith.constant 128 : i32
      %div3A = arith.divsi %scan3A_23, %jit3A_98 : i32
      %sign3A = arith.constant 0 : i32
      %sign3A_99 = arith.cmpi sgt, %scan3A_23, %sign3A : i32
      %sign3A_100 = arith.extui %sign3A_99 : i1 to i32
      %sign3A_101 = arith.constant 0 : i32
      %sign3A_102 = arith.cmpi slt, %scan3A_23, %sign3A_101 : i32
      %sign3A_103 = arith.extui %sign3A_102 : i1 to i32
      %sign3A_104 = arith.subi %sign3A_100, %sign3A_103 : i32
      %sign3A_105 = arith.constant 0 : i32
      %sign3A_106 = arith.cmpi sgt, %jit3A_98, %sign3A_105 : i32
      %sign3A_107 = arith.extui %sign3A_106 : i1 to i32
      %sign3A_108 = arith.constant 0 : i32
      %sign3A_109 = arith.cmpi slt, %jit3A_98, %sign3A_108 : i32
      %sign3A_110 = arith.extui %sign3A_109 : i1 to i32
      %sign3A_111 = arith.subi %sign3A_107, %sign3A_110 : i32
      %ne3A = arith.cmpi ne, %sign3A_104, %sign3A_111 : i32
      %rem3A = arith.remsi %scan3A_23, %jit3A_98 : i32
      %ne3A_112 = arith.constant 0 : i32
      %ne3A_113 = arith.cmpi ne, %rem3A, %ne3A_112 : i32
      %and3A = arith.andi %ne3A, %ne3A_113 : i1
      %sub3A_114 = arith.constant 1 : i32
      %sub3A_115 = arith.subi %div3A, %sub3A_114 : i32
      %select_n3A_116 = arith.select %and3A, %sub3A_115, %div3A : i32
      %jit3A_117 = arith.constant 128 : i32
      %eq3A_118 = arith.constant 0 : i32
      %eq3A_119 = arith.cmpi eq, %jit3A_117, %eq3A_118 : i32
      %jit3A_120 = arith.constant 1 : i32
      %select_n3A_121 = arith.select %eq3A_119, %jit3A_120, %jit3A_117 : i32
      %rem3A_122 = arith.remsi %scan3A_23, %select_n3A_121 : i32
      %ne3A_123 = arith.constant 0 : i32
      %ne3A_124 = arith.cmpi ne, %rem3A_122, %ne3A_123 : i32
      %lt3A_125 = arith.constant 0 : i32
      %lt3A_126 = arith.cmpi slt, %rem3A_122, %lt3A_125 : i32
      %lt3A_127 = arith.constant 0 : i32
      %lt3A_128 = arith.cmpi slt, %select_n3A_121, %lt3A_127 : i32
      %ne3A_129 = arith.xori %lt3A_126, %lt3A_128 : i1
      %and3A_130 = arith.andi %ne3A_129, %ne3A_124 : i1
      %add3A_131 = arith.addi %rem3A_122, %select_n3A_121 : i32
      %select_n3A_132 = arith.select %and3A_130, %add3A_131, %rem3A_122 : i32
      %get3A_133 = arith.index_cast %select_n3A_116 : i32 to index
      %get3A_134 = arith.constant 0 : index
      %get3A_135 = vector.load %arg3[%get3A_133, %get3A_134] : memref<64x128xi32, #tpu.memory_space<vmem>>, vector<1x128xi32>
      %eq3A_136 = vector.broadcast %select_n3A_132 : i32 to vector<1x128xi32>
      %eq3A_137 = arith.cmpi eq, %iota3A, %eq3A_136 : vector<1x128xi32>
      %broadcast_in_dim3A_138 = vector.shape_cast %broadcast_in_dim3A_97 : vector<1x1xi32> to vector<1x1xi32>
      %broadcast_in_dim3A_139 = vector.broadcast %broadcast_in_dim3A_138 : vector<1x1xi32> to vector<1x128xi32>
      %select_n3A_140 = arith.select %eq3A_137, %broadcast_in_dim3A_139, %get3A_135 : vector<1x128xi1>, vector<1x128xi32>
      %swap3A_141 = arith.index_cast %select_n3A_116 : i32 to index
      %swap3A_142 = arith.constant 0 : index
      %swap3A_143 = vector.load %arg3[%swap3A_141, %swap3A_142] : memref<64x128xi32, #tpu.memory_space<vmem>>, vector<1x128xi32>
      tpu.vector_store %arg3[%swap3A_141, %swap3A_142], %select_n3A_140 {strides = array<i32>} : memref<64x128xi32, #tpu.memory_space<vmem>>, vector<1x128xi32>,
      scf.yield %broadcast_in_dim3A_97 : vector<1x1xi32>
    }
    %scan3A_22 = arith.constant 8191 : i32
    return
  }
}

module attributes {stable_mosaic.version = 14 : i64} {
  func.func @_bq_body(%arg0: i32, %arg1: memref<1x512x8xf32, #tpu.memory_space<vmem>>, %arg2: memref<1x512x1xf32, #tpu.memory_space<vmem>>, %arg3: memref<8x32768xf32, #tpu.memory_space<vmem>>, %arg4: memref<1x32768xf32, #tpu.memory_space<vmem>>, %arg5: memref<1x512x64xi32, #tpu.memory_space<vmem>>, %arg6: memref<512x512xi32, #tpu.memory_space<vmem>>, %arg7: memref<512x1xi32, #tpu.memory_space<vmem>>) attributes {dimension_semantics = [#tpu.dimension_semantics<arbitrary>], iteration_bounds = array<i64: 32>, scalar_prefetch = 0 : i64, scratch_operands = 2 : i64, tpu.core_type = #tpu.core_type<tc>, window_params = [{transform_indices = @transform_0, window_bounds = array<i64: 1, 512, 8>}, {transform_indices = @transform_1, window_bounds = array<i64: 1, 512, 1>}, {pipeline_mode = #tpu.pipeline_mode<synchronous>, transform_indices = @transform_2, window_bounds = array<i64: 8, 32768>}, {pipeline_mode = #tpu.pipeline_mode<synchronous>, transform_indices = @transform_3, window_bounds = array<i64: 1, 32768>}, {transform_indices = @transform_4, window_bounds = array<i64: 1, 512, 64>}]} {
    %get3A = arith.constant 0 : index
    %get3A_0 = arith.constant 0 : index
    %get3A_1 = arith.constant 0 : index
    %get3A_2 = vector.load %arg1[%get3A, %get3A_0, %get3A_1] : memref<1x512x8xf32, #tpu.memory_space<vmem>>, vector<1x512x8xf32>
    %get3A_3 = vector.shape_cast %get3A_2 : vector<1x512x8xf32> to vector<512x8xf32>
    %get3A_4 = arith.constant 0 : index
    %get3A_5 = arith.constant 0 : index
    %get3A_6 = arith.constant 0 : index
    %get3A_7 = vector.load %arg2[%get3A_4, %get3A_5, %get3A_6] : memref<1x512x1xf32, #tpu.memory_space<vmem>>, vector<1x512x1xf32>
    %get3A_8 = vector.shape_cast %get3A_7 : vector<1x512x1xf32> to vector<512x1xf32>
    %iota3A = tpu.iota {dimensions = array<i32: 1>} : vector<512x64xi32>
    %iota3A_9 = tpu.iota {dimensions = array<i32: 1>} : vector<512x512xi32>
    %broadcast_in_dim3A = arith.constant 32768 : i32
    %broadcast_in_dim3A_10 = vector.broadcast %broadcast_in_dim3A : i32 to vector<512x64xi32>
    %swap3A = arith.constant 0 : index
    %swap3A_11 = arith.constant 0 : index
    %swap3A_12 = arith.constant 0 : index
    %swap3A_13 = vector.load %arg5[%swap3A, %swap3A_11, %swap3A_12] : memref<1x512x64xi32, #tpu.memory_space<vmem>>, vector<1x512x64xi32>
    %swap3A_14 = vector.shape_cast %swap3A_13 : vector<1x512x64xi32> to vector<512x64xi32>
    %swap3A_15 = vector.shape_cast %broadcast_in_dim3A_10 : vector<512x64xi32> to vector<1x512x64xi32>
    tpu.vector_store %arg5[%swap3A, %swap3A_11, %swap3A_12], %swap3A_15 {strides = array<i32>} : memref<1x512x64xi32, #tpu.memory_space<vmem>>, vector<1x512x64xi32>,
    %broadcast_in_dim3A_16 = arith.constant 0 : i32
    %broadcast_in_dim3A_17 = vector.broadcast %broadcast_in_dim3A_16 : i32 to vector<512x1xi32>
    %swap3A_18 = arith.constant 0 : index
    %swap3A_19 = arith.constant 0 : index
    %swap3A_20 = vector.load %arg7[%swap3A_18, %swap3A_19] : memref<512x1xi32, #tpu.memory_space<vmem>>, vector<512x1xi32>
    tpu.vector_store %arg7[%swap3A_18, %swap3A_19], %broadcast_in_dim3A_17 {strides = array<i32>} : memref<512x1xi32, #tpu.memory_space<vmem>>, vector<512x1xi32>,
    %scan3A = arith.constant 32768 : i32
    %scan3A_21 = arith.constant 0 : i32
    %scan3A_22 = arith.constant 64 : i32
    %scan3A_23 = arith.addi %scan3A_21, %scan3A_22 : i32
    %scan3A_24 = arith.constant 1 : i32
    scf.for %scan3A_44 = %scan3A_21 to %scan3A_23 step %scan3A_24  : i32 {
      %mul3A = arith.constant 512 : i32
      %mul3A_45 = arith.muli %scan3A_44, %mul3A : i32
      %get3A_46 = arith.constant 0 : index
      %get3A_47 = arith.index_cast %mul3A_45 : i32 to index
      %get3A_48 = vector.load %arg3[%get3A_46, %get3A_47] : memref<8x32768xf32, #tpu.memory_space<vmem>>, vector<8x512xf32>
      %mul3A_49 = arith.constant 512 : i32
      %mul3A_50 = arith.muli %scan3A_44, %mul3A_49 : i32
      %get3A_51 = arith.constant 0 : index
      %get3A_52 = arith.index_cast %mul3A_50 : i32 to index
      %get3A_53 = vector.load %arg4[%get3A_51, %get3A_52] : memref<1x32768xf32, #tpu.memory_space<vmem>>, vector<1x512xf32>
      %dot_general3A = arith.constant dense<0.000000e+00> : vector<512x512xf32>
      %dot_general3A_54 = tpu.matmul %get3A_3, %get3A_48, %dot_general3A {dimension_numbers = #tpu.dot_dimension_numbers<[1], [0], [0], [1], [0, 0, 1, 1], [], []>, transpose_lhs_hint = false} : vector<512x8xf32>, vector<8x512xf32>, vector<512x512xf32> -> vector<512x512xf32>
      %add3A = vector.broadcast %get3A_8 : vector<512x1xf32> to vector<512x512xf32>
      %add3A_55 = vector.broadcast %get3A_53 : vector<1x512xf32> to vector<512x512xf32>
      %add3A_56 = arith.addf %add3A, %add3A_55 : vector<512x512xf32>
      %mul3A_57 = arith.constant 2.000000e+00 : f32
      %mul3A_58 = vector.broadcast %mul3A_57 : f32 to vector<512x512xf32>
      %mul3A_59 = arith.mulf %mul3A_58, %dot_general3A_54 : vector<512x512xf32>
      %sub3A = arith.subf %add3A_56, %mul3A_59 : vector<512x512xf32>
      %le3A = arith.constant 6.400000e-03 : f32
      %le3A_60 = vector.broadcast %le3A : f32 to vector<512x512xf32>
      %le3A_61 = arith.cmpf ole, %sub3A, %le3A_60 : vector<512x512xf32>
      %mul3A_62 = arith.constant 512 : i32
      %mul3A_63 = arith.muli %scan3A_44, %mul3A_62 : i32
      %add3A_64 = vector.broadcast %mul3A_63 : i32 to vector<512x512xi32>
      %add3A_65 = arith.addi %iota3A_9, %add3A_64 : vector<512x512xi32>
      %broadcast_in_dim3A_66 = vector.broadcast %scan3A : i32 to vector<512x512xi32>
      %select_n3A_67 = arith.select %le3A_61, %add3A_65, %broadcast_in_dim3A_66 : vector<512x512xi1>, vector<512x512xi32>
      %swap3A_68 = arith.constant 0 : index
      %swap3A_69 = arith.constant 0 : index
      %swap3A_70 = vector.load %arg6[%swap3A_68, %swap3A_69] : memref<512x512xi32, #tpu.memory_space<vmem>>, vector<512x512xi32>
      tpu.vector_store %arg6[%swap3A_68, %swap3A_69], %select_n3A_67 {strides = array<i32>} : memref<512x512xi32, #tpu.memory_space<vmem>>, vector<512x512xi32>,
      %while3A = arith.constant true
      %while3A_71 = scf.while (%while3A_72 = %while3A) : (i1) -> i1 {
        scf.condition(%while3A_72) %while3A_72 : i1
      } do {
      ^bb0(%while3A_72: i1):
        %get3A_73 = arith.constant 0 : index
        %get3A_74 = arith.constant 0 : index
        %get3A_75 = vector.load %arg6[%get3A_73, %get3A_74] : memref<512x512xi32, #tpu.memory_space<vmem>>, vector<512x512xi32>
        %get3A_76 = arith.constant 0 : index
        %get3A_77 = arith.constant 0 : index
        %get3A_78 = vector.load %arg7[%get3A_76, %get3A_77] : memref<512x1xi32, #tpu.memory_space<vmem>>, vector<512x1xi32>
        %lt3A_79 = arith.constant 64 : i32
        %lt3A_80 = vector.broadcast %lt3A_79 : i32 to vector<512x1xi32>
        %lt3A_81 = arith.cmpi slt, %get3A_78, %lt3A_80 : vector<512x1xi32>
        %broadcast_in_dim3A_82 = vector.shape_cast %lt3A_81 : vector<512x1xi1> to vector<512x1xi1>
        %broadcast_in_dim3A_83 = vector.broadcast %broadcast_in_dim3A_82 : vector<512x1xi1> to vector<512x512xi1>
        %broadcast_in_dim3A_84 = vector.broadcast %scan3A : i32 to vector<512x512xi32>
        %select_n3A_85 = arith.select %broadcast_in_dim3A_83, %get3A_75, %broadcast_in_dim3A_84 : vector<512x512xi1>, vector<512x512xi32>
        %reduce_min3A = arith.constant dense<2147483647> : vector<512xi32>
        %reduce_min3A_86 = vector.multi_reduction <minsi>, %select_n3A_85, %reduce_min3A [1] : vector<512x512xi32> to vector<512xi32>
        %broadcast_in_dim3A_87 = vector.shape_cast %reduce_min3A_86 : vector<512xi32> to vector<512x1xi32>
        %lt3A_88 = vector.broadcast %scan3A : i32 to vector<512x1xi32>
        %lt3A_89 = arith.cmpi slt, %broadcast_in_dim3A_87, %lt3A_88 : vector<512x1xi32>
        %get3A_90 = arith.constant 0 : index
        %get3A_91 = arith.constant 0 : index
        %get3A_92 = vector.load %arg7[%get3A_90, %get3A_91] : memref<512x1xi32, #tpu.memory_space<vmem>>, vector<512x1xi32>
        %eq3A = vector.broadcast %get3A_92 : vector<512x1xi32> to vector<512x64xi32>
        %eq3A_93 = arith.cmpi eq, %iota3A, %eq3A : vector<512x64xi32>
        %and3A = vector.broadcast %lt3A_89 : vector<512x1xi1> to vector<512x64xi1>
        %and3A_94 = arith.andi %eq3A_93, %and3A : vector<512x64xi1>
        %get3A_95 = arith.constant 0 : index
        %get3A_96 = arith.constant 0 : index
        %get3A_97 = arith.constant 0 : index
        %get3A_98 = vector.load %arg5[%get3A_95, %get3A_96, %get3A_97] : memref<1x512x64xi32, #tpu.memory_space<vmem>>, vector<1x512x64xi32>
        %get3A_99 = vector.shape_cast %get3A_98 : vector<1x512x64xi32> to vector<512x64xi32>
        %broadcast_in_dim3A_100 = vector.shape_cast %broadcast_in_dim3A_87 : vector<512x1xi32> to vector<512x1xi32>
        %broadcast_in_dim3A_101 = vector.broadcast %broadcast_in_dim3A_100 : vector<512x1xi32> to vector<512x64xi32>
        %select_n3A_102 = arith.select %and3A_94, %broadcast_in_dim3A_101, %get3A_99 : vector<512x64xi1>, vector<512x64xi32>
        %swap3A_103 = arith.constant 0 : index
        %swap3A_104 = arith.constant 0 : index
        %swap3A_105 = arith.constant 0 : index
        %swap3A_106 = vector.load %arg5[%swap3A_103, %swap3A_104, %swap3A_105] : memref<1x512x64xi32, #tpu.memory_space<vmem>>, vector<1x512x64xi32>
        %swap3A_107 = vector.shape_cast %swap3A_106 : vector<1x512x64xi32> to vector<512x64xi32>
        %swap3A_108 = vector.shape_cast %select_n3A_102 : vector<512x64xi32> to vector<1x512x64xi32>
        tpu.vector_store %arg5[%swap3A_103, %swap3A_104, %swap3A_105], %swap3A_108 {strides = array<i32>} : memref<1x512x64xi32, #tpu.memory_space<vmem>>, vector<1x512x64xi32>,
        %get3A_109 = arith.constant 0 : index
        %get3A_110 = arith.constant 0 : index
        %get3A_111 = vector.load %arg7[%get3A_109, %get3A_110] : memref<512x1xi32, #tpu.memory_space<vmem>>, vector<512x1xi32>
        %convert_element_type3A = arith.extui %lt3A_89 : vector<512x1xi1> to vector<512x1xi32>
        %add3A_112 = arith.addi %get3A_111, %convert_element_type3A : vector<512x1xi32>
        %swap3A_113 = arith.constant 0 : index
        %swap3A_114 = arith.constant 0 : index
        %swap3A_115 = vector.load %arg7[%swap3A_113, %swap3A_114] : memref<512x1xi32, #tpu.memory_space<vmem>>, vector<512x1xi32>
        tpu.vector_store %arg7[%swap3A_113, %swap3A_114], %add3A_112 {strides = array<i32>} : memref<512x1xi32, #tpu.memory_space<vmem>>, vector<512x1xi32>,
        %eq3A_116 = vector.broadcast %broadcast_in_dim3A_87 : vector<512x1xi32> to vector<512x512xi32>
        %eq3A_117 = arith.cmpi eq, %get3A_75, %eq3A_116 : vector<512x512xi32>
        %broadcast_in_dim3A_118 = vector.broadcast %scan3A : i32 to vector<512x512xi32>
        %select_n3A_119 = arith.select %eq3A_117, %broadcast_in_dim3A_118, %get3A_75 : vector<512x512xi1>, vector<512x512xi32>
        %swap3A_120 = arith.constant 0 : index
        %swap3A_121 = arith.constant 0 : index
        %swap3A_122 = vector.load %arg6[%swap3A_120, %swap3A_121] : memref<512x512xi32, #tpu.memory_space<vmem>>, vector<512x512xi32>
        tpu.vector_store %arg6[%swap3A_120, %swap3A_121], %select_n3A_119 {strides = array<i32>} : memref<512x512xi32, #tpu.memory_space<vmem>>, vector<512x512xi32>,
        %reduce_or3A = arith.constant 1.000000e+00 : f32
        %reduce_or3A_123 = arith.constant 0.000000e+00 : f32
        %reduce_or3A_124 = vector.broadcast %reduce_or3A : f32 to vector<512x1xf32>
        %reduce_or3A_125 = vector.broadcast %reduce_or3A_123 : f32 to vector<512x1xf32>
        %reduce_or3A_126 = arith.select %lt3A_89, %reduce_or3A_124, %reduce_or3A_125 : vector<512x1xi1>, vector<512x1xf32>
        %reduce_or3A_127 = vector.shape_cast %reduce_or3A_126 : vector<512x1xf32> to vector<1x512x1xf32>
        %reduce_or3A_128 = arith.constant dense<0xFF800000> : vector<1xf32>
        %reduce_or3A_129 = vector.multi_reduction <maximumf>, %reduce_or3A_127, %reduce_or3A_128 [1, 2] : vector<1x512x1xf32> to vector<1xf32>
        %reduce_or3A_130 = vector.shape_cast %reduce_or3A_129 : vector<1xf32> to vector<1x1x1xf32>
        %reduce_or3A_131 = vector.extract %reduce_or3A_130[0, 0, 0] : f32 from vector<1x1x1xf32>
        %reduce_or3A_132 = arith.constant 0.000000e+00 : f32
        %reduce_or3A_133 = arith.cmpf ogt, %reduce_or3A_131, %reduce_or3A_132 : f32
        scf.yield %reduce_or3A_133 : i1
      }
    }
    %scan3A_25 = arith.constant 64 : i32
    %get3A_26 = arith.constant 0 : index
    %get3A_27 = arith.constant 0 : index
    %get3A_28 = arith.constant 0 : index
    %get3A_29 = vector.load %arg5[%get3A_26, %get3A_27, %get3A_28] : memref<1x512x64xi32, #tpu.memory_space<vmem>>, vector<1x512x64xi32>
    %get3A_30 = vector.shape_cast %get3A_29 : vector<1x512x64xi32> to vector<512x64xi32>
    %lt3A = arith.constant 32768 : i32
    %lt3A_31 = vector.broadcast %lt3A : i32 to vector<512x64xi32>
    %lt3A_32 = arith.cmpi slt, %get3A_30, %lt3A_31 : vector<512x64xi32>
    %slice3A = vector.extract_strided_slice %get3A_30 {offsets = [0, 0], sizes = [512, 1], strides = [1, 1]} : vector<512x64xi32> to vector<512x1xi32>
    %broadcast_in_dim3A_33 = vector.shape_cast %slice3A : vector<512x1xi32> to vector<512x1xi32>
    %broadcast_in_dim3A_34 = vector.broadcast %broadcast_in_dim3A_33 : vector<512x1xi32> to vector<512x64xi32>
    %select_n3A = arith.select %lt3A_32, %get3A_30, %broadcast_in_dim3A_34 : vector<512x64xi1>, vector<512x64xi32>
    %jit3A = arith.constant 0 : i32
    %jit3A_35 = arith.constant 32767 : i32
    %max3A = vector.broadcast %jit3A : i32 to vector<512x64xi32>
    %max3A_36 = arith.maxsi %max3A, %select_n3A : vector<512x64xi32>
    %min3A = vector.broadcast %jit3A_35 : i32 to vector<512x64xi32>
    %min3A_37 = arith.minsi %min3A, %max3A_36 : vector<512x64xi32>
    %swap3A_38 = arith.constant 0 : index
    %swap3A_39 = arith.constant 0 : index
    %swap3A_40 = arith.constant 0 : index
    %swap3A_41 = vector.load %arg5[%swap3A_38, %swap3A_39, %swap3A_40] : memref<1x512x64xi32, #tpu.memory_space<vmem>>, vector<1x512x64xi32>
    %swap3A_42 = vector.shape_cast %swap3A_41 : vector<1x512x64xi32> to vector<512x64xi32>
    %swap3A_43 = vector.shape_cast %min3A_37 : vector<512x64xi32> to vector<1x512x64xi32>
    tpu.vector_store %arg5[%swap3A_38, %swap3A_39, %swap3A_40], %swap3A_43 {strides = array<i32>} : memref<1x512x64xi32, #tpu.memory_space<vmem>>, vector<1x512x64xi32>,
    return
  }
  func.func @transform_0(%arg0: i32) -> (i32, i32, i32) {
    %c0_i32 = arith.constant 0 : i32
    %c0_i32_0 = arith.constant 0 : i32
    %c0_i32_1 = arith.constant 0 : i32
    return %arg0, %c0_i32, %c0_i32_0 : i32, i32, i32
  }
  func.func @transform_1(%arg0: i32) -> (i32, i32, i32) {
    %c0_i32 = arith.constant 0 : i32
    %c0_i32_0 = arith.constant 0 : i32
    %c0_i32_1 = arith.constant 0 : i32
    return %arg0, %c0_i32, %c0_i32_0 : i32, i32, i32
  }
  func.func @transform_2(%arg0: i32) -> (i32, i32) {
    %c0_i32 = arith.constant 0 : i32
    %c0_i32_0 = arith.constant 0 : i32
    %c0_i32_1 = arith.constant 0 : i32
    return %c0_i32, %c0_i32_0 : i32, i32
  }
  func.func @transform_3(%arg0: i32) -> (i32, i32) {
    %c0_i32 = arith.constant 0 : i32
    %c0_i32_0 = arith.constant 0 : i32
    %c0_i32_1 = arith.constant 0 : i32
    return %c0_i32, %c0_i32_0 : i32, i32
  }
  func.func @transform_4(%arg0: i32) -> (i32, i32, i32) {
    %c0_i32 = arith.constant 0 : i32
    %c0_i32_0 = arith.constant 0 : i32
    %c0_i32_1 = arith.constant 0 : i32
    return %arg0, %c0_i32, %c0_i32_0 : i32, i32, i32
  }
}

module attributes {stable_mosaic.version = 14 : i64} {
  func.func @_bq_body(%arg0: i32, %arg1: memref<1x512x8xf32, #tpu.memory_space<vmem>>, %arg2: memref<1x512x1xf32, #tpu.memory_space<vmem>>, %arg3: memref<8x16384xf32, #tpu.memory_space<vmem>>, %arg4: memref<1x16384xf32, #tpu.memory_space<vmem>>, %arg5: memref<1x512x64xi32, #tpu.memory_space<vmem>>, %arg6: memref<512x512xi32, #tpu.memory_space<vmem>>, %arg7: memref<512x1xi32, #tpu.memory_space<vmem>>) attributes {dimension_semantics = [#tpu.dimension_semantics<arbitrary>], iteration_bounds = array<i64: 16>, scalar_prefetch = 0 : i64, scratch_operands = 2 : i64, tpu.core_type = #tpu.core_type<tc>, window_params = [{transform_indices = @transform_0, window_bounds = array<i64: 1, 512, 8>}, {transform_indices = @transform_1, window_bounds = array<i64: 1, 512, 1>}, {pipeline_mode = #tpu.pipeline_mode<synchronous>, transform_indices = @transform_2, window_bounds = array<i64: 8, 16384>}, {pipeline_mode = #tpu.pipeline_mode<synchronous>, transform_indices = @transform_3, window_bounds = array<i64: 1, 16384>}, {transform_indices = @transform_4, window_bounds = array<i64: 1, 512, 64>}]} {
    %get3A = arith.constant 0 : index
    %get3A_0 = arith.constant 0 : index
    %get3A_1 = arith.constant 0 : index
    %get3A_2 = vector.load %arg1[%get3A, %get3A_0, %get3A_1] : memref<1x512x8xf32, #tpu.memory_space<vmem>>, vector<1x512x8xf32>
    %get3A_3 = vector.shape_cast %get3A_2 : vector<1x512x8xf32> to vector<512x8xf32>
    %get3A_4 = arith.constant 0 : index
    %get3A_5 = arith.constant 0 : index
    %get3A_6 = arith.constant 0 : index
    %get3A_7 = vector.load %arg2[%get3A_4, %get3A_5, %get3A_6] : memref<1x512x1xf32, #tpu.memory_space<vmem>>, vector<1x512x1xf32>
    %get3A_8 = vector.shape_cast %get3A_7 : vector<1x512x1xf32> to vector<512x1xf32>
    %iota3A = tpu.iota {dimensions = array<i32: 1>} : vector<512x64xi32>
    %iota3A_9 = tpu.iota {dimensions = array<i32: 1>} : vector<512x512xi32>
    %broadcast_in_dim3A = arith.constant 16384 : i32
    %broadcast_in_dim3A_10 = vector.broadcast %broadcast_in_dim3A : i32 to vector<512x64xi32>
    %swap3A = arith.constant 0 : index
    %swap3A_11 = arith.constant 0 : index
    %swap3A_12 = arith.constant 0 : index
    %swap3A_13 = vector.load %arg5[%swap3A, %swap3A_11, %swap3A_12] : memref<1x512x64xi32, #tpu.memory_space<vmem>>, vector<1x512x64xi32>
    %swap3A_14 = vector.shape_cast %swap3A_13 : vector<1x512x64xi32> to vector<512x64xi32>
    %swap3A_15 = vector.shape_cast %broadcast_in_dim3A_10 : vector<512x64xi32> to vector<1x512x64xi32>
    tpu.vector_store %arg5[%swap3A, %swap3A_11, %swap3A_12], %swap3A_15 {strides = array<i32>} : memref<1x512x64xi32, #tpu.memory_space<vmem>>, vector<1x512x64xi32>,
    %broadcast_in_dim3A_16 = arith.constant 0 : i32
    %broadcast_in_dim3A_17 = vector.broadcast %broadcast_in_dim3A_16 : i32 to vector<512x1xi32>
    %swap3A_18 = arith.constant 0 : index
    %swap3A_19 = arith.constant 0 : index
    %swap3A_20 = vector.load %arg7[%swap3A_18, %swap3A_19] : memref<512x1xi32, #tpu.memory_space<vmem>>, vector<512x1xi32>
    tpu.vector_store %arg7[%swap3A_18, %swap3A_19], %broadcast_in_dim3A_17 {strides = array<i32>} : memref<512x1xi32, #tpu.memory_space<vmem>>, vector<512x1xi32>,
    %scan3A = arith.constant 16384 : i32
    %scan3A_21 = arith.constant 0 : i32
    %scan3A_22 = arith.constant 32 : i32
    %scan3A_23 = arith.addi %scan3A_21, %scan3A_22 : i32
    %scan3A_24 = arith.constant 1 : i32
    scf.for %scan3A_44 = %scan3A_21 to %scan3A_23 step %scan3A_24  : i32 {
      %mul3A = arith.constant 512 : i32
      %mul3A_45 = arith.muli %scan3A_44, %mul3A : i32
      %get3A_46 = arith.constant 0 : index
      %get3A_47 = arith.index_cast %mul3A_45 : i32 to index
      %get3A_48 = vector.load %arg3[%get3A_46, %get3A_47] : memref<8x16384xf32, #tpu.memory_space<vmem>>, vector<8x512xf32>
      %mul3A_49 = arith.constant 512 : i32
      %mul3A_50 = arith.muli %scan3A_44, %mul3A_49 : i32
      %get3A_51 = arith.constant 0 : index
      %get3A_52 = arith.index_cast %mul3A_50 : i32 to index
      %get3A_53 = vector.load %arg4[%get3A_51, %get3A_52] : memref<1x16384xf32, #tpu.memory_space<vmem>>, vector<1x512xf32>
      %dot_general3A = arith.constant dense<0.000000e+00> : vector<512x512xf32>
      %dot_general3A_54 = tpu.matmul %get3A_3, %get3A_48, %dot_general3A {dimension_numbers = #tpu.dot_dimension_numbers<[1], [0], [0], [1], [0, 0, 1, 1], [], []>, transpose_lhs_hint = false} : vector<512x8xf32>, vector<8x512xf32>, vector<512x512xf32> -> vector<512x512xf32>
      %add3A = vector.broadcast %get3A_8 : vector<512x1xf32> to vector<512x512xf32>
      %add3A_55 = vector.broadcast %get3A_53 : vector<1x512xf32> to vector<512x512xf32>
      %add3A_56 = arith.addf %add3A, %add3A_55 : vector<512x512xf32>
      %mul3A_57 = arith.constant 2.000000e+00 : f32
      %mul3A_58 = vector.broadcast %mul3A_57 : f32 to vector<512x512xf32>
      %mul3A_59 = arith.mulf %mul3A_58, %dot_general3A_54 : vector<512x512xf32>
      %sub3A = arith.subf %add3A_56, %mul3A_59 : vector<512x512xf32>
      %le3A = arith.constant 1.440000e-02 : f32
      %le3A_60 = vector.broadcast %le3A : f32 to vector<512x512xf32>
      %le3A_61 = arith.cmpf ole, %sub3A, %le3A_60 : vector<512x512xf32>
      %mul3A_62 = arith.constant 512 : i32
      %mul3A_63 = arith.muli %scan3A_44, %mul3A_62 : i32
      %add3A_64 = vector.broadcast %mul3A_63 : i32 to vector<512x512xi32>
      %add3A_65 = arith.addi %iota3A_9, %add3A_64 : vector<512x512xi32>
      %broadcast_in_dim3A_66 = vector.broadcast %scan3A : i32 to vector<512x512xi32>
      %select_n3A_67 = arith.select %le3A_61, %add3A_65, %broadcast_in_dim3A_66 : vector<512x512xi1>, vector<512x512xi32>
      %swap3A_68 = arith.constant 0 : index
      %swap3A_69 = arith.constant 0 : index
      %swap3A_70 = vector.load %arg6[%swap3A_68, %swap3A_69] : memref<512x512xi32, #tpu.memory_space<vmem>>, vector<512x512xi32>
      tpu.vector_store %arg6[%swap3A_68, %swap3A_69], %select_n3A_67 {strides = array<i32>} : memref<512x512xi32, #tpu.memory_space<vmem>>, vector<512x512xi32>,
      %while3A = arith.constant true
      %while3A_71 = scf.while (%while3A_72 = %while3A) : (i1) -> i1 {
        scf.condition(%while3A_72) %while3A_72 : i1
      } do {
      ^bb0(%while3A_72: i1):
        %get3A_73 = arith.constant 0 : index
        %get3A_74 = arith.constant 0 : index
        %get3A_75 = vector.load %arg6[%get3A_73, %get3A_74] : memref<512x512xi32, #tpu.memory_space<vmem>>, vector<512x512xi32>
        %get3A_76 = arith.constant 0 : index
        %get3A_77 = arith.constant 0 : index
        %get3A_78 = vector.load %arg7[%get3A_76, %get3A_77] : memref<512x1xi32, #tpu.memory_space<vmem>>, vector<512x1xi32>
        %lt3A_79 = arith.constant 64 : i32
        %lt3A_80 = vector.broadcast %lt3A_79 : i32 to vector<512x1xi32>
        %lt3A_81 = arith.cmpi slt, %get3A_78, %lt3A_80 : vector<512x1xi32>
        %broadcast_in_dim3A_82 = vector.shape_cast %lt3A_81 : vector<512x1xi1> to vector<512x1xi1>
        %broadcast_in_dim3A_83 = vector.broadcast %broadcast_in_dim3A_82 : vector<512x1xi1> to vector<512x512xi1>
        %broadcast_in_dim3A_84 = vector.broadcast %scan3A : i32 to vector<512x512xi32>
        %select_n3A_85 = arith.select %broadcast_in_dim3A_83, %get3A_75, %broadcast_in_dim3A_84 : vector<512x512xi1>, vector<512x512xi32>
        %reduce_min3A = arith.constant dense<2147483647> : vector<512xi32>
        %reduce_min3A_86 = vector.multi_reduction <minsi>, %select_n3A_85, %reduce_min3A [1] : vector<512x512xi32> to vector<512xi32>
        %broadcast_in_dim3A_87 = vector.shape_cast %reduce_min3A_86 : vector<512xi32> to vector<512x1xi32>
        %lt3A_88 = vector.broadcast %scan3A : i32 to vector<512x1xi32>
        %lt3A_89 = arith.cmpi slt, %broadcast_in_dim3A_87, %lt3A_88 : vector<512x1xi32>
        %get3A_90 = arith.constant 0 : index
        %get3A_91 = arith.constant 0 : index
        %get3A_92 = vector.load %arg7[%get3A_90, %get3A_91] : memref<512x1xi32, #tpu.memory_space<vmem>>, vector<512x1xi32>
        %eq3A = vector.broadcast %get3A_92 : vector<512x1xi32> to vector<512x64xi32>
        %eq3A_93 = arith.cmpi eq, %iota3A, %eq3A : vector<512x64xi32>
        %and3A = vector.broadcast %lt3A_89 : vector<512x1xi1> to vector<512x64xi1>
        %and3A_94 = arith.andi %eq3A_93, %and3A : vector<512x64xi1>
        %get3A_95 = arith.constant 0 : index
        %get3A_96 = arith.constant 0 : index
        %get3A_97 = arith.constant 0 : index
        %get3A_98 = vector.load %arg5[%get3A_95, %get3A_96, %get3A_97] : memref<1x512x64xi32, #tpu.memory_space<vmem>>, vector<1x512x64xi32>
        %get3A_99 = vector.shape_cast %get3A_98 : vector<1x512x64xi32> to vector<512x64xi32>
        %broadcast_in_dim3A_100 = vector.shape_cast %broadcast_in_dim3A_87 : vector<512x1xi32> to vector<512x1xi32>
        %broadcast_in_dim3A_101 = vector.broadcast %broadcast_in_dim3A_100 : vector<512x1xi32> to vector<512x64xi32>
        %select_n3A_102 = arith.select %and3A_94, %broadcast_in_dim3A_101, %get3A_99 : vector<512x64xi1>, vector<512x64xi32>
        %swap3A_103 = arith.constant 0 : index
        %swap3A_104 = arith.constant 0 : index
        %swap3A_105 = arith.constant 0 : index
        %swap3A_106 = vector.load %arg5[%swap3A_103, %swap3A_104, %swap3A_105] : memref<1x512x64xi32, #tpu.memory_space<vmem>>, vector<1x512x64xi32>
        %swap3A_107 = vector.shape_cast %swap3A_106 : vector<1x512x64xi32> to vector<512x64xi32>
        %swap3A_108 = vector.shape_cast %select_n3A_102 : vector<512x64xi32> to vector<1x512x64xi32>
        tpu.vector_store %arg5[%swap3A_103, %swap3A_104, %swap3A_105], %swap3A_108 {strides = array<i32>} : memref<1x512x64xi32, #tpu.memory_space<vmem>>, vector<1x512x64xi32>,
        %get3A_109 = arith.constant 0 : index
        %get3A_110 = arith.constant 0 : index
        %get3A_111 = vector.load %arg7[%get3A_109, %get3A_110] : memref<512x1xi32, #tpu.memory_space<vmem>>, vector<512x1xi32>
        %convert_element_type3A = arith.extui %lt3A_89 : vector<512x1xi1> to vector<512x1xi32>
        %add3A_112 = arith.addi %get3A_111, %convert_element_type3A : vector<512x1xi32>
        %swap3A_113 = arith.constant 0 : index
        %swap3A_114 = arith.constant 0 : index
        %swap3A_115 = vector.load %arg7[%swap3A_113, %swap3A_114] : memref<512x1xi32, #tpu.memory_space<vmem>>, vector<512x1xi32>
        tpu.vector_store %arg7[%swap3A_113, %swap3A_114], %add3A_112 {strides = array<i32>} : memref<512x1xi32, #tpu.memory_space<vmem>>, vector<512x1xi32>,
        %eq3A_116 = vector.broadcast %broadcast_in_dim3A_87 : vector<512x1xi32> to vector<512x512xi32>
        %eq3A_117 = arith.cmpi eq, %get3A_75, %eq3A_116 : vector<512x512xi32>
        %broadcast_in_dim3A_118 = vector.broadcast %scan3A : i32 to vector<512x512xi32>
        %select_n3A_119 = arith.select %eq3A_117, %broadcast_in_dim3A_118, %get3A_75 : vector<512x512xi1>, vector<512x512xi32>
        %swap3A_120 = arith.constant 0 : index
        %swap3A_121 = arith.constant 0 : index
        %swap3A_122 = vector.load %arg6[%swap3A_120, %swap3A_121] : memref<512x512xi32, #tpu.memory_space<vmem>>, vector<512x512xi32>
        tpu.vector_store %arg6[%swap3A_120, %swap3A_121], %select_n3A_119 {strides = array<i32>} : memref<512x512xi32, #tpu.memory_space<vmem>>, vector<512x512xi32>,
        %reduce_or3A = arith.constant 1.000000e+00 : f32
        %reduce_or3A_123 = arith.constant 0.000000e+00 : f32
        %reduce_or3A_124 = vector.broadcast %reduce_or3A : f32 to vector<512x1xf32>
        %reduce_or3A_125 = vector.broadcast %reduce_or3A_123 : f32 to vector<512x1xf32>
        %reduce_or3A_126 = arith.select %lt3A_89, %reduce_or3A_124, %reduce_or3A_125 : vector<512x1xi1>, vector<512x1xf32>
        %reduce_or3A_127 = vector.shape_cast %reduce_or3A_126 : vector<512x1xf32> to vector<1x512x1xf32>
        %reduce_or3A_128 = arith.constant dense<0xFF800000> : vector<1xf32>
        %reduce_or3A_129 = vector.multi_reduction <maximumf>, %reduce_or3A_127, %reduce_or3A_128 [1, 2] : vector<1x512x1xf32> to vector<1xf32>
        %reduce_or3A_130 = vector.shape_cast %reduce_or3A_129 : vector<1xf32> to vector<1x1x1xf32>
        %reduce_or3A_131 = vector.extract %reduce_or3A_130[0, 0, 0] : f32 from vector<1x1x1xf32>
        %reduce_or3A_132 = arith.constant 0.000000e+00 : f32
        %reduce_or3A_133 = arith.cmpf ogt, %reduce_or3A_131, %reduce_or3A_132 : f32
        scf.yield %reduce_or3A_133 : i1
      }
    }
    %scan3A_25 = arith.constant 32 : i32
    %get3A_26 = arith.constant 0 : index
    %get3A_27 = arith.constant 0 : index
    %get3A_28 = arith.constant 0 : index
    %get3A_29 = vector.load %arg5[%get3A_26, %get3A_27, %get3A_28] : memref<1x512x64xi32, #tpu.memory_space<vmem>>, vector<1x512x64xi32>
    %get3A_30 = vector.shape_cast %get3A_29 : vector<1x512x64xi32> to vector<512x64xi32>
    %lt3A = arith.constant 16384 : i32
    %lt3A_31 = vector.broadcast %lt3A : i32 to vector<512x64xi32>
    %lt3A_32 = arith.cmpi slt, %get3A_30, %lt3A_31 : vector<512x64xi32>
    %slice3A = vector.extract_strided_slice %get3A_30 {offsets = [0, 0], sizes = [512, 1], strides = [1, 1]} : vector<512x64xi32> to vector<512x1xi32>
    %broadcast_in_dim3A_33 = vector.shape_cast %slice3A : vector<512x1xi32> to vector<512x1xi32>
    %broadcast_in_dim3A_34 = vector.broadcast %broadcast_in_dim3A_33 : vector<512x1xi32> to vector<512x64xi32>
    %select_n3A = arith.select %lt3A_32, %get3A_30, %broadcast_in_dim3A_34 : vector<512x64xi1>, vector<512x64xi32>
    %jit3A = arith.constant 0 : i32
    %jit3A_35 = arith.constant 16383 : i32
    %max3A = vector.broadcast %jit3A : i32 to vector<512x64xi32>
    %max3A_36 = arith.maxsi %max3A, %select_n3A : vector<512x64xi32>
    %min3A = vector.broadcast %jit3A_35 : i32 to vector<512x64xi32>
    %min3A_37 = arith.minsi %min3A, %max3A_36 : vector<512x64xi32>
    %swap3A_38 = arith.constant 0 : index
    %swap3A_39 = arith.constant 0 : index
    %swap3A_40 = arith.constant 0 : index
    %swap3A_41 = vector.load %arg5[%swap3A_38, %swap3A_39, %swap3A_40] : memref<1x512x64xi32, #tpu.memory_space<vmem>>, vector<1x512x64xi32>
    %swap3A_42 = vector.shape_cast %swap3A_41 : vector<1x512x64xi32> to vector<512x64xi32>
    %swap3A_43 = vector.shape_cast %min3A_37 : vector<512x64xi32> to vector<1x512x64xi32>
    tpu.vector_store %arg5[%swap3A_38, %swap3A_39, %swap3A_40], %swap3A_43 {strides = array<i32>} : memref<1x512x64xi32, #tpu.memory_space<vmem>>, vector<1x512x64xi32>,
    return
  }
  func.func @transform_0(%arg0: i32) -> (i32, i32, i32) {
    %c0_i32 = arith.constant 0 : i32
    %c0_i32_0 = arith.constant 0 : i32
    %c0_i32_1 = arith.constant 0 : i32
    return %arg0, %c0_i32, %c0_i32_0 : i32, i32, i32
  }
  func.func @transform_1(%arg0: i32) -> (i32, i32, i32) {
    %c0_i32 = arith.constant 0 : i32
    %c0_i32_0 = arith.constant 0 : i32
    %c0_i32_1 = arith.constant 0 : i32
    return %arg0, %c0_i32, %c0_i32_0 : i32, i32, i32
  }
  func.func @transform_2(%arg0: i32) -> (i32, i32) {
    %c0_i32 = arith.constant 0 : i32
    %c0_i32_0 = arith.constant 0 : i32
    %c0_i32_1 = arith.constant 0 : i32
    return %c0_i32, %c0_i32_0 : i32, i32
  }
  func.func @transform_3(%arg0: i32) -> (i32, i32) {
    %c0_i32 = arith.constant 0 : i32
    %c0_i32_0 = arith.constant 0 : i32
    %c0_i32_1 = arith.constant 0 : i32
    return %c0_i32, %c0_i32_0 : i32, i32
  }
  func.func @transform_4(%arg0: i32) -> (i32, i32, i32) {
    %c0_i32 = arith.constant 0 : i32
    %c0_i32_0 = arith.constant 0 : i32
    %c0_i32_1 = arith.constant 0 : i32
    return %arg0, %c0_i32, %c0_i32_0 : i32, i32, i32
  }
}

</mosaic_0001>

<sc_bundles>
// kernel: gather_offload_async_start.1
scs
__scs_entry_jumppad:
0x0: {  	(pc) =	sbr.rel $0x88, $3  }
0x1: {  	(tag) =	ssettag $0x0;
	lr =	simm.s32 $0x1  }
0x2: {  	[smem:$0x3F93] =	sst lr;
	_ =	strace $0xD0000000  }
0x3: {  	_ = 	snop  }
0x4: {  	_ = 	snop  }
0x5: {  	_ = 	snop  }
0x6: {  	_ = 	snop  }
0x7: {  	_ = 	snop  }
__scs_overlays_trampoline_lowered:
0x8: {  	[smem:$0x3FA2] =	sst s0  }
0x9: {  	[smem:$0x3FA3] =	sst s1  }
0xa: {  	[smem:$0x3FA4] =	sst s2  }
0xb: {  	[smem:$0x3FA5] =	sst s3  }
0xc: {  	[smem:$0x3FA6] =	sst s4  }
0xd: {  	[smem:$0x3FA7] =	sst s5  }
0xe: {  	[smem:$0x3FA8] =	sst s6  }
0xf: {  	[smem:$0x3FA9] =	sst s7  }
0x10: {  	[smem:$0x3FAA] =	sst s8  }
0x11: {  	[smem:$0x3FAB] =	sst s9;
	s0 =	simm.s32 @!p0 $0x0  }
0x12: {  	s1 =	sld [smem:$0x3F91];
	s0 =	simm.s32 @p0 $0x1  }
0x13: {  	[smem:$0x3FAC] =	sst s0;
	s0 =	simm.s32 @!p1 $0x0  }
0x14: {  	s2 =	sld [smem:$0x3F90];
	s0 =	simm.s32 @p1 $0x1  }
0x15: {  	[smem:$0x3FAD] =	sst s0;
	s0 =	simm.s32 @!p2 $0x0  }
0x16: {  	s3 =	sld [smem:$0x3FDB];
	s0 =	simm.s32 @p2 $0x1  }
0x17: {  	s4 =	simm.s32 $0x1BF5;
	[smem:$0x3FAF] =	sst s0  }
0x18: {  	s0 =	sld [smem:$0x3F92];
	_ =	swait.ge [sflag:s4], $0x0  }
0x19: {  	s7 =	sld [smem:$0x3F93]  }
0x1a: {  	s8 =	sadd.s32 $0xFFFFE003, lr  }
0x1b: {  	s9 =	sadd.s32 $0xFFFFFEF7, lr;
	s5 =	simm.s32 $0xFFFFFFFF;
	p2 =	slt.u32 s8, $0xFFFFF086  }
0x1c: {  	p1 =	slt.u32 s9, $0xF7A;
	s5 =	simm.s32 @!p2 $0x0  }
0x1d: {  	s5 =	simm.s32 @p1 $0x1;
	p0 =	seq.s32 s7, s2  }
0x1e: {  	s7 =	smul.u32 @!p0 $0xF7A, s2;
	p2 =	seq.s32 @!p0 s5, $0x0  }
0x1f: {  	s9 =	smul.u32 $0xF7A, s1;
	s8 =	simm.s32 @!p0 $0x1BF5;
	p2 =	por !p2, p0  }
0x20: {  	[sflag:s8] =	ssyncset.s32 @!p0 $0xFFFFF086;
	s6 =	sadd.s32 @!p0 s3, s7;
	s7 =	simm.s32 @!p0 $0x108  }
0x21: {  	s3 =	sadd.s32 s3, s9;
	s6 =	sadd.s32 @!p0 $0x88, s6;
	s7 =	simm.s32 @p2 $0x1082  }
0x22: {  	[simem:s7], [sflag:s8] =	dma.local @!p0 [hbm:s6], $0xF7A  }
0x23: {  	s9 =	sor.u32 $0xD0000000, s2;
	s6 =	simm.s32 $0x108;
	_ =	swait.ge @!p0 [sflag:s8], $0x0  }
0x24: {  	s3 =	sadd.s32 $0x88, s3;
	s6 =	simm.s32 @!p1 $0x1082;
	[sflag:s4] =	ssyncset.s32 $0xFFFFF086  }
0x25: {  	[simem:s6], [sflag:s4] =	dma.local [hbm:s3], $0xF7A  }
0x26: {  	[smem:$0x3F93] =	sst s1;
	(tag) =	ssettag s2;
	_ =	strace s9  }
0x27: {  	s1 =	sld [smem:$0x3FA3]  }
0x28: {  	s2 =	sld [smem:$0x3FA4]  }
0x29: {  	s4 =	sld [smem:$0x3FA6]  }
0x2a: {  	p0 =	seq.s32 s5, $0x0;
	s5 =	sld [smem:$0x3FA7]  }
0x2b: {  	s6 =	sld [smem:$0x3FA8]  }
0x2c: {  	s7 =	sld [smem:$0x3FA9]  }
0x2d: {  	s3 =	simm.s32 $0x108;
	s8 =	sld [smem:$0x3FAA]  }
0x2e: {  	s3 =	simm.s32 @!p0 $0x1082;
	s9 =	sld [smem:$0x3FAB]  }
0x2f: {  	lr =	sadd.s32 s0, s3;
	s0 =	sld [smem:$0x3FA2]  }
0x30: {  	s3 =	sld [smem:$0x3FA5]  }
0x31: {  	[smem:$0x3FAE] =	sst s10  }
0x32: {  	s10 =	sld [smem:$0x3FAC];
	_ =	sdelay $0x3  }
0x33: {  	p0 =	seq.s32 s10, $0x1;
	s10 =	sld [smem:$0x3FAE];
	_ =	sdelay $0x3  }
0x34: {  	[smem:$0x3FAE] =	sst s10  }
0x35: {  	s10 =	sld [smem:$0x3FAD];
	_ =	sdelay $0x3  }
0x36: {  	p1 =	seq.s32 s10, $0x1;
	s10 =	sld [smem:$0x3FAE];
	_ =	sdelay $0x3  }
0x37: {  	[smem:$0x3FAE] =	sst s10  }
0x38: {  	s10 =	sld [smem:$0x3FAF]  }
0x39: {  	_ = 	snop;
	(pc) =	sbr.ind lr, $3  }
0x3a: {  	_ = 	snop  }
0x3b: {  	_ = 	snop  }
0x3c: {  	p2 =	seq.s32 s10, $0x1;
	s10 =	sld [smem:$0x3FAE]  }
0x3d: {  	_ =	shalt  }
0x3e: {  	_ =	shalt  }
0x3f: {  	_ =	shalt  }
0x40: {  	_ =	shalt  }
0x41: {  	_ =	shalt  }
0x42: {  	_ =	shalt  }
0x43: {  	_ =	shalt  }
0x44: {  	_ =	shalt  }
0x45: {  	_ =	shalt  }
0x46: {  	_ =	shalt  }
0x47: {  	_ =	shalt  }
0x48: {  	_ =	shalt  }
0x49: {  	_ =	shalt  }
0x4a: {  	_ =	shalt  }
0x4b: {  	_ =	shalt  }
0x4c: {  	_ =	shalt  }
0x4d: {  	_ =	shalt  }
0x4e: {  	_ =	shalt  }
0x4f: {  	_ =	shalt  }
0x50: {  	_ =	shalt  }
0x51: {  	_ =	shalt  }
0x52: {  	_ =	shalt  }
0x53: {  	_ =	shalt  }
0x54: {  	_ =	shalt  }
0x55: {  	_ =	shalt  }
0x56: {  	_ =	shalt  }
0x57: {  	_ =	shalt  }
0x58: {  	_ =	shalt  }
0x59: {  	_ =	shalt  }
0x5a: {  	_ =	shalt  }
0x5b: {  	_ =	shalt  }
0x5c: {  	_ =	shalt  }
0x5d: {  	_ =	shalt  }
0x5e: {  	_ =	shalt  }
0x5f: {  	_ =	shalt  }
0x60: {  	_ =	shalt  }
0x61: {  	_ =	shalt  }
0x62: {  	_ =	shalt  }
0x63: {  	_ =	shalt  }
0x64: {  	_ =	shalt  }
0x65: {  	_ =	shalt  }
0x66: {  	_ =	shalt  }
0x67: {  	_ =	shalt  }
0x68: {  	_ =	shalt  }
0x69: {  	_ =	shalt  }
0x6a: {  	_ =	shalt  }
0x6b: {  	_ =	shalt  }
0x6c: {  	_ =	shalt  }
0x6d: {  	_ =	shalt  }
0x6e: {  	_ =	shalt  }
0x6f: {  	_ =	shalt  }
0x70: {  	_ =	shalt  }
0x71: {  	_ =	shalt  }
0x72: {  	_ =	shalt  }
0x73: {  	_ =	shalt  }
0x74: {  	_ =	shalt  }
0x75: {  	_ =	shalt  }
0x76: {  	_ =	shalt  }
0x77: {  	_ =	shalt  }
0x78: {  	_ =	shalt  }
0x79: {  	_ =	shalt  }
0x7a: {  	_ =	shalt  }
0x7b: {  	_ =	shalt  }
0x7c: {  	_ =	shalt  }
0x7d: {  	_ =	shalt  }
0x7e: {  	_ =	shalt  }
0x7f: {  	_ =	shalt  }
0x80: {  	_ =	shalt  }
0x81: {  	_ =	shalt  }
0x82: {  	_ =	shalt  }
0x83: {  	_ =	shalt  }
0x84: {  	_ =	shalt  }
0x85: {  	_ =	shalt  }
0x86: {  	_ =	shalt  }
0x87: {  	_ =	shalt  }
.Lfunc_end0:
.L_simem_size_0:
called_computation.4_lowered:
.L_overlay_start_0:
0x88: {  	s2 =	sld [smem:$0x3FD9]  }
0x89: {  	s3 =	sld [smem:$0x3FFE];
	_ =	sdelay $0x1  }
0x8a: {  	s1 =	srdreg.scid  }
0x8b: {  	s0 =	sand.u32 $0x1, s1  }
0x8c: {  	s13 =	sshll.u32 s0, $0xA;
	s2 =	sadd.s32 s3, s2  }
0x8d: {  	s2 =	sadd.s32 s2, s13  }
0x8e: {  	[smem:$0x3FBA] =	sst s2  }
0x8f: {  	_ = 	snop  }
0x90: {  	s2 =	sld [smem:$0x3FD0];
	_ =	sdelay $0x3  }
0x91: {  	s4 =	simm.s32 $0xB;
	s5 =	simm.s32 $0x10;
	s14 =	sadd.s32 $0x1, s2  }
0x92: {  	[smem:s5], [sflag:s4] =	dma.local [hbm:s14], $0x1  }
0x93: {  	_ =	swait.eq [sflag:s4], $0x1  }
0x94: {  	[sflag:s4] =	ssyncset.done $0x0  }
0x95: {  	[sflag:s4] =	ssyncadd.s32 $0xFFFFFFFF  }
0x96: {  	s15 =	sld [smem:$0x10]  }
0x97: {  	[smem:s5], [sflag:s4] =	dma.local [hbm:s2], $0x1  }
0x98: {  	_ =	swait.eq [sflag:s4], $0x1  }
0x99: {  	[sflag:s4] =	ssyncset.done $0x0  }
0x9a: {  	[sflag:s4] =	ssyncadd.s32 $0xFFFFFFFF  }
0x9b: {  	s16 =	sld [smem:$0x14];
	(tm) =	ssettm $0x1  }
0x9c: {  	s17 =	sld [smem:$0x3FFB];
	_ =	sdelay $0x3  }
0x9d: {  	_ =	strace s17  }
0x9e: {  	s4 =	sld [smem:$0x3FFC];
	_ =	sdelay $0x3  }
0x9f: {  	_ =	strace s4  }
0xa0: {  	s4 =	sld [smem:$0x3FFD];
	_ =	sdelay $0x3  }
0xa1: {  	_ =	strace s4  }
0xa2: {  	_ =	strace $0x8FFFFFFF  }
0xa3: {  	s18 =	sld [smem:$0x3FDB];
	_ =	sdelay $0x1  }
0xa4: {  	s19 =	simm.s32 $_scs_section_size  }
0xa5: {  	s6 =	simm.s32 $_size__tile_overlayer_lowered;
	s7 =	simm.s32 $_tile_overlayer_lowered  }
0xa6: {  	s22 =	simm.s32 $0x1BFF;
	s21 =	sshll.u32 s7, $0x1;
	s4 =	sadd.s32 s19, s18  }
0xa7: {  	s8 =	simm.s32 $0x0;
	s20 =	sshll.u32 s6, $0x1;
	s6 =	sadd.s32 s21, s4  }
0xa8: {  	[timem:s8], [sflag:s22] =	dma.local [hbm:s6], s20  }
0xa9: {  	_ =	swait.ge [sflag:s22], s20  }
0xaa: {  	s5 =	ssub.s32 $0x0, s20;
	[sflag:s22] =	ssyncset.done $0x0  }
0xab: {  	[sflag:s22] =	ssyncadd.s32 s5;
	_ =	sdelay $0x1  }
0xac: {  	s23 =	simm.s32 $0x1B8B  }
0xad: {  	_ =	swait.ge [sflag:s23], $0x1  }
0xae: {  	[sflag:s23] =	ssyncset.done $0x0  }
0xaf: {  	s25 =	simm.s32 $0x1B8E;
	s24 =	sld [smem:$0x3FFE];
	[sflag:s23] =	ssyncadd.s32 $0xFFFFFFFF  }
0xb0: {  	s26 =	simm.s32 $execute0_lowered;
	[smem:$0x3FD2] =	sst s25  }
0xb1: {  	s6 =	sshll.u32 s26, $0x1;
	_ =	strace $0x80000049;
	[dreg:$0x1] =	wrdreg $0xFFFFFFFF  }
0xb2: {  	s28 =	simm.s32 $_size_execute0_lowered;
	s4 =	sadd.s32 s4, s6;
	[dreg:$0x0] =	wrdreg $0x0  }
0xb3: {  	s6 =	sshll.u32 s28, $0x1;
	[dreg:$0x2] =	wrdreg s4  }
0xb4: {  	[dreg:$0x3] =	wrdreg s6  }
0xb5: {  	[dreg:$0x4] =	wrdreg $0xC0  }
0xb6: {  	_ =	task [dreg:s8], $0x5FFFF  }
0xb7: {  	[dreg:$0x1] =	wrdreg $0xFFFFFFFF  }
0xb8: {  	[dreg:$0x0] =	wrdreg $0x60  }
0xb9: {  	[dreg:$0x2] =	wrdreg s15  }
0xba: {  	[dreg:$0x3] =	wrdreg s16  }
0xbb: {  	[dreg:$0x4] =	wrdreg s24  }
0xbc: {  	[dreg:$0x5] =	wrdreg $0x9  }
0xbd: {  	_ =	task.clear_ibuf [dreg:s8], $0x6FFFF;
	_ =	strace $0x90000049  }
0xbe: {  	s29 =	simm.s32 $0x9;
	_ =	strace $0x8000004B  }
0xbf: {  	_ =	swait.ge [sflag:s29], $0x1  }
0xc0: {  	[sflag:s29] =	ssyncadd.s32 $0xFFFFFFFF  }
0xc1: {  	_ =	strace $0x9000004B  }
0xc2: {  	_ =	sfence  }
0xc3: {  	s30 =	sld [smem:$0x0];
	_ =	sdelay $0x2  }
0xc4: {  	s31 =	sshll.u32 s1, $0xD;
	s1 =	sshrl.u32 s1, $0x2  }
0xc5: {  	s3 =	sand.u32 $0x4000, s31;
	s1 =	sadd.s32 s1, s30  }
0xc6: {  	s0 =	sor.u32 s3, s0;
	s1 =	sshll.u32 s1, $0x11  }
0xc7: {  	s0 =	sor.u32 s1, s0  }
0xc8: {  	s0 =	sadd.s32 $0x8F2B, s0  }
0xc9: {  	[sflag:s0] =	ssyncadd.remote.s32 $0x1  }
0xca: {  	_ =	sfence.sel $0xFFFF  }
0xcb: {  	[dreg:$0x0] =	wrdreg $0xFFFFFFFF;
	(pc) =	sbr.abs _section_cstart, $3  }
0xcc: {  	[dreg:$0x1] =	wrdreg $0xFFFFFFFF  }
0xcd: {  	_ =	task.clear_ibuf [dreg:s8], $0x2FFFF;
	_ =	strace $0x9FFFFFFF  }
0xce: {  	(tm) =	ssettm $0x7FFFFFFF  }
0xcf: {  	_ =	shalt  }
tec
execute0_lowered:
.L_overlay_start_1:
0x0: {  	(tag) =	ssettag $0x1  }
0x1: {  	s2 =	rddreg [dreg:$0x0]  }
0x2: {  	s3 =	rddreg [dreg:$0x1]  }
0x3: {  	s7 =	rddreg [dreg:$0x2]  }
0x4: {  	s0 =	rddreg [dreg:$0x3];
	s1 =	srdreg.scid;
	_ =	strace $0x8000004A  }
0x5: {  	s4 =	simm.s32 $0x1;
	s9 =	simm.s32 $0x3;
	s5 =	sshll.u32 s1, $0x4  }
.Ltmp0:
0x6: {  	s1 =	stileid.u32;
	s5 =	sand.u32 $0x10, s5;
	(pc) =	sbr.rel .LBB2_1-.Ltmp0, $4  }
0x7: {  	s11 =	simm.s32 $0x0;
	p0 =	por $0x0, $0x0;
	s6 =	sor.u32 s1, s5  }
0x8: {  	[sflag:s4] =	ssyncpa.u1 $0x0;
	s5 =	simm.s32 $0x2;
	s6 =	sshll.u32 s6, $0x9  }
0x9: {  	s7 =	sadd.s32 $0x8E00, s7;
	[sflag:s5] =	ssyncpa.u1 $0x0;
	s8 =	sadd.s32 $0x200, s6  }
0xa: {  	v0 =	vimm.s32 $0x0;
	vm0 =	vmmov $0xff;
	vm1 =	vcmask $0x3F20;
	[sflag:s9] =	ssyncpa.u1 $0x0;
	s10 =	smov.u32 s6;
	s9 =	simm.s32 $0x0  }
.LBB2_7:
0xb: {  	p1 =	slt.u32 s9, $0x2;
	s11 =	sadd.s32 $0x100, s10  }
0xc: {  	s13 =	smov.u32 s6;
	s9 =	sadd.s32 $0x1, s9;
	p2 =	slt.s32 s11, s8  }
0xd: {  	s13 =	smov.u32 @p2 s11;
	p2 =	sne.s32 s9, $0x4  }
.Ltmp1:
0xe: {  	_ = 	snop;
	(pc) =	sbr.rel @!p2 .LBB2_8-.Ltmp1, $4  }
0xf: {  	s12 =	simm.s32 @!p1 $0x3  }
0x10: {  	_ =	swait.ge @!p1 [sflag:s12], $0x8000  }
0x11: {  	p0 =	por !p0, !p0;
	[sflag:s12] =	ssyncset.done @!p1 $0x0  }
0x12: {  	s11 =	smov.u32 s10;
	s10 =	smov.u32 s13;
	[sflag:s12] =	ssyncadd.s32 @!p1 $0xFFFF8000  }
.LBB2_1:
0x13: {  	p1 =	sgt.u32 s9, $0x1  }
0x14: {  	s12 =	sshll.u32 @!p1 s9, $0x8;
	s13 =	sshrl.u32 @!p1 s10, $0x3  }
0x15: {  	s14 =	sand.u32 @!p1 $0x7, s10;
	s12 =	sxor.u32 @!p1 $0x100, s12;
	s13 =	sadd.s32 @!p1 s3, s13  }
0x16: {  	[tilespmem:s12], [sflag:$0x2] =	stream.linear.gather @!p1 [hbm4b:s13+s14], $0x100, $0x38;
	[tilespmem:$0x10200] =	vst v63  }
0x17: {  	p1 =	seq.s32 s9, $0x0  }
0x18: {  	p2 =	seq.s32 @!p1 s9, $0x3  }
0x19: {  	p1 =	por p1, p2  }
.Ltmp2:
0x1a: {  	_ = 	snop;
	(pc) =	sbr.rel @p1 .LBB2_7-.Ltmp2, $1  }
0x1b: {  	_ =	sdelay $0x3  }
0x1c: {  	s12 =	simm.s32 $0x1  }
0x1d: {  	_ =	swait.ge [sflag:s5], $0x100;
	s12 =	simm.s32 @!p0 $0x0  }
0x1e: {  	[sflag:s5] =	ssyncset.done $0x0;
	s14 =	sshll.u32 s12, $0x8  }
0x1f: {  	[sflag:s5] =	ssyncadd.s32 $0xFFFFFF00;
	s13 =	sadd.s32 $0x0, s14  }
0x20: {  	v1 =	vld.msk [tilespmem:s13+$0x0 ss:$0x1], $0xffff;
	_ =	sdelay $0x4  }
0x21: {  	v2 =	vshll.u32 v1, $0x7  }
0x22: {  	vm2 =	veq.s32 v1, $0x80000000;
	v1 =	vand.u32 $0x3FFF80, v2  }
0x23: {  	v2 =	vsel vm2, $0xFFFFFFFF, v0;
	v1 =	vsel vm2, $0xFFFFFF80, v1  }
0x24: {  	v2 =	vshll.u32 v2, $0x16;
	v3 =	vand.u32 $0xFFFFFC00, v1  }
0x25: {  	v1 =	vand.u32 $0x380, v1;
	v2 =	vadd.s32 v2, v3  }
0x26: {  	v1 =	vor.u32 v1, v2  }
0x27: {  	v1 =	vshrl.u32 v1, $0x3;
	_ =	sdelay $0x2  }
0x28: {  	s12 =	sshll.u32 s12, $0xF  }
0x29: {  	s12 =	sor.u32 $0x200, s12  }
0x2a: {  	[tilespmem:s12], [sflag:$0x1] =	stream.indirect_vreg.gather [hbm:s2], $0x80, v1, vm0, $0x38;
	[tilespmem:$0x10200] =	vst v63  }
0x2b: {  	s15 =	sadd.s32 $0x10, s14;
	s13 =	sadd.s32 $0x400, s12  }
0x2c: {  	[tilespmem:s13], [sflag:$0x1] =	stream.indirect_vreg.gather [hbm:s2], $0x80, v1, vm1, $0x38;
	[tilespmem:$0x10200] =	vst v63  }
0x2d: {  	s16 =	simm.s32 $0x80;
	v1 =	vld.msk [tilespmem:s15+$0x0 ss:$0x1], $0xffff;
	s15 =	smov.u32 s12  }
.LBB2_3:
0x2e: {  	p1 =	sne.s32 s16, $0x3C0;
	_ =	sdelay $0x4  }
0x2f: {  	v2 =	vshll.u32 v1, $0x7  }
0x30: {  	vm2 =	veq.s32 v1, $0x80000000;
	v1 =	vand.u32 $0x3FFF80, v2  }
0x31: {  	v2 =	vsel vm2, $0xFFFFFFFF, v0;
	v1 =	vsel vm2, $0xFFFFFF80, v1  }
0x32: {  	v2 =	vshll.u32 v2, $0x16;
	v3 =	vand.u32 $0xFFFFFC00, v1  }
0x33: {  	v1 =	vand.u32 $0x380, v1;
	v2 =	vadd.s32 v2, v3  }
0x34: {  	v1 =	vor.u32 v1, v2  }
0x35: {  	v1 =	vshrl.u32 v1, $0x3;
	_ =	sdelay $0x3  }
.Ltmp3:
0x36: {  	s17 =	sshra.s32 s16, $0x2;
	s15 =	sadd.s32 $0x800, s15;
	(pc) =	sbr.rel @p1 .LBB2_3-.Ltmp3, $4  }
0x37: {  	[tilespmem:s15], [sflag:$0x1] =	stream.indirect_vreg.gather [hbm:s2], $0x80, v1, vm0, $0x38;
	[tilespmem:$0x10200] =	vst v63  }
0x38: {  	s17 =	sadd.s32 s17, s14;
	s18 =	sadd.s32 $0x400, s15  }
0x39: {  	[tilespmem:s18], [sflag:$0x1] =	stream.indirect_vreg.gather [hbm:s2], $0x80, v1, vm1, $0x38;
	[tilespmem:$0x10200] =	vst v63  }
0x3a: {  	s16 =	sadd.s32 $0x40, s16;
	v1 =	vld.msk [tilespmem:s17+$0x0 ss:$0x1], $0xffff  }
0x3b: {  	_ =	sdelay $0x3  }
0x3c: {  	v2 =	vshll.u32 v1, $0x7  }
0x3d: {  	vm2 =	veq.s32 v1, $0x80000000;
	v1 =	vand.u32 $0x3FFF80, v2  }
0x3e: {  	v2 =	vsel vm2, $0xFFFFFFFF, v0;
	v1 =	vsel vm2, $0xFFFFFF80, v1  }
0x3f: {  	v2 =	vshll.u32 v2, $0x16;
	v3 =	vand.u32 $0xFFFFFC00, v1  }
0x40: {  	v1 =	vand.u32 $0x380, v1;
	v2 =	vadd.s32 v2, v3  }
0x41: {  	v1 =	vor.u32 v1, v2  }
0x42: {  	v1 =	vshrl.u32 v1, $0x3;
	_ =	sdelay $0x3  }
0x43: {  	s14 =	sadd.s32 $0x800, s15  }
0x44: {  	[tilespmem:s14], [sflag:$0x1] =	stream.indirect_vreg.gather [hbm:s2], $0x80, v1, vm0, $0x38;
	[tilespmem:$0x10200] =	vst v63  }
0x45: {  	s14 =	sadd.s32 $0x400, s14  }
0x46: {  	[tilespmem:s14], [sflag:$0x1] =	stream.indirect_vreg.gather [hbm:s2], $0x80, v1, vm1, $0x38;
	[tilespmem:$0x10200] =	vst v63  }
0x47: {  	s11 =	sshll.u32 s11, $0x4;
	_ =	swait.ge [sflag:s4], $0x8000  }
0x48: {  	s11 =	sadd.s32 s11, s7;
	[sflag:s4] =	ssyncset.done $0x0  }
0x49: {  	s15 =	sadd.s32 $0x0, s11;
	s14 =	simm.s32 $0x80;
	[sflag:s4] =	ssyncadd.s32 $0xFFFF8000  }
.LBB2_5:
0x4a: {  	[hbm:s15] =	stream.linear.scatter [tilespmem:s12], [sflag:$0x3], $0x400, $0x38;
	[tilespmem:$0x10200] =	vst v63  }
0x4b: {  	s15 =	smov.u32 s14;
	s12 =	smov.u32 s13;
	p1 =	sne.s32 s14, $0xF80  }
.Ltmp4:
0x4c: {  	s14 =	sadd.s32 $0x80, s14;
	(pc) =	sbr.rel @p1 .LBB2_5-.Ltmp4, $2  }
0x4d: {  	_ =	sdelay $0x2  }
0x4e: {  	s13 =	sadd.s32 $0x400, s13;
	s15 =	sadd.s32 s15, s11  }
.Ltmp5:
0x4f: {  	(pc) =	sbr.rel .LBB2_7-.Ltmp5, $2  }
0x50: {  	_ =	sdelay $0x2  }
0x51: {  	[hbm:s15] =	stream.linear.scatter [tilespmem:s12], [sflag:$0x3], $0x400, $0x38;
	[tilespmem:$0x10200] =	vst v63  }
.LBB2_8:
0x52: {  	_ =	sfence.sel $0x180000  }
0x53: {  	s2 =	simm.s32 $0x2;
	[bflag:$0x0] =	sbarrier.arrive $0xFFFF  }
0x54: {  	s30 =	simm.s32 $0x3;
	[sflag:s2] =	ssyncpa.u1 $0x1  }
0x55: {  	s31 =	simm.s32 $0x1;
	[sflag:s30] =	ssyncpa.u1 $0x1  }
0x56: {  	[sflag:s31] =	ssyncpa.u1 $0x1  }
0x57: {  	p0 =	sne.s32 s1, $0x0;
	_ =	strace $0x9000004A  }
0x58: {  	s0 =	sadd.s32 @!p0 $0x100000, s0;
	[bflag:$0x2] =	sbarrier.arrive $0xFFFF  }
0x59: {  	[sflag:s0] =	ssyncadd.tile.s32 @!p0 $0x1;
	_ =	shalt  }
.Lfunc_end2:
_tile_overlayer_lowered:
.L_overlay_start_2:
0x5a: {  	(tag) =	ssettag $0x2  }
0x5b: {  	s0 =	rddreg [dreg:$0x0];
	s2 =	stileid.u32  }
0x5c: {  	s1 =	rddreg [dreg:$0x1];
	p0 =	sne.s32 s2, $0x0  }
0x5d: {  	s3 =	rddreg [dreg:$0x2];
	[bflag:$0x3] =	sbarrier.arrive $0xFFFF;
	s2 =	simm.s32 @!p0 $0x1C01  }
0x5e: {  	[timem:s3], [sflag:s2] =	dma.local @!p0 [hbm:s0], s1  }
0x5f: {  	s0 =	simm.s32 @!p0 $0x1  }
0x60: {  	_ =	swait.ge @!p0 [sflag:s0], s1  }
0x61: {  	s1 =	ssub.s32 @!p0 $0x0, s1;
	[sflag:s0] =	ssyncset.done @!p0 $0x0  }
0x62: {  	[sflag:s0] =	ssyncadd.s32 @!p0 s1  }
0x63: {  	[bflag:$0x3] =	sbarrier.arrive $0xFFFF  }
0x64: {  	_ =	shalt  }

// kernel: gather_offload_async_start.2
scs
__scs_entry_jumppad:
0x0: {  	(pc) =	sbr.rel $0x88, $3  }
0x1: {  	(tag) =	ssettag $0x0;
	lr =	simm.s32 $0x1  }
0x2: {  	[smem:$0x3F93] =	sst lr;
	_ =	strace $0xD0000000  }
0x3: {  	_ = 	snop  }
0x4: {  	_ = 	snop  }
0x5: {  	_ = 	snop  }
0x6: {  	_ = 	snop  }
0x7: {  	_ = 	snop  }
__scs_overlays_trampoline_lowered:
0x8: {  	[smem:$0x3FA2] =	sst s0  }
0x9: {  	[smem:$0x3FA3] =	sst s1  }
0xa: {  	[smem:$0x3FA4] =	sst s2  }
0xb: {  	[smem:$0x3FA5] =	sst s3  }
0xc: {  	[smem:$0x3FA6] =	sst s4  }
0xd: {  	[smem:$0x3FA7] =	sst s5  }
0xe: {  	[smem:$0x3FA8] =	sst s6  }
0xf: {  	[smem:$0x3FA9] =	sst s7  }
0x10: {  	[smem:$0x3FAA] =	sst s8  }
0x11: {  	[smem:$0x3FAB] =	sst s9;
	s0 =	simm.s32 @!p0 $0x0  }
0x12: {  	s1 =	sld [smem:$0x3F91];
	s0 =	simm.s32 @p0 $0x1  }
0x13: {  	[smem:$0x3FAC] =	sst s0;
	s0 =	simm.s32 @!p1 $0x0  }
0x14: {  	s2 =	sld [smem:$0x3F90];
	s0 =	simm.s32 @p1 $0x1  }
0x15: {  	[smem:$0x3FAD] =	sst s0;
	s0 =	simm.s32 @!p2 $0x0  }
0x16: {  	s3 =	sld [smem:$0x3FDB];
	s0 =	simm.s32 @p2 $0x1  }
0x17: {  	s4 =	simm.s32 $0x1BF5;
	[smem:$0x3FAF] =	sst s0  }
0x18: {  	s0 =	sld [smem:$0x3F92];
	_ =	swait.ge [sflag:s4], $0x0  }
0x19: {  	s7 =	sld [smem:$0x3F93]  }
0x1a: {  	s8 =	sadd.s32 $0xFFFFE003, lr  }
0x1b: {  	s9 =	sadd.s32 $0xFFFFFEF7, lr;
	s5 =	simm.s32 $0xFFFFFFFF;
	p2 =	slt.u32 s8, $0xFFFFF086  }
0x1c: {  	p1 =	slt.u32 s9, $0xF7A;
	s5 =	simm.s32 @!p2 $0x0  }
0x1d: {  	s5 =	simm.s32 @p1 $0x1;
	p0 =	seq.s32 s7, s2  }
0x1e: {  	s7 =	smul.u32 @!p0 $0xF7A, s2;
	p2 =	seq.s32 @!p0 s5, $0x0  }
0x1f: {  	s9 =	smul.u32 $0xF7A, s1;
	s8 =	simm.s32 @!p0 $0x1BF5;
	p2 =	por !p2, p0  }
0x20: {  	[sflag:s8] =	ssyncset.s32 @!p0 $0xFFFFF086;
	s6 =	sadd.s32 @!p0 s3, s7;
	s7 =	simm.s32 @!p0 $0x108  }
0x21: {  	s3 =	sadd.s32 s3, s9;
	s6 =	sadd.s32 @!p0 $0x88, s6;
	s7 =	simm.s32 @p2 $0x1082  }
0x22: {  	[simem:s7], [sflag:s8] =	dma.local @!p0 [hbm:s6], $0xF7A  }
0x23: {  	s9 =	sor.u32 $0xD0000000, s2;
	s6 =	simm.s32 $0x108;
	_ =	swait.ge @!p0 [sflag:s8], $0x0  }
0x24: {  	s3 =	sadd.s32 $0x88, s3;
	s6 =	simm.s32 @!p1 $0x1082;
	[sflag:s4] =	ssyncset.s32 $0xFFFFF086  }
0x25: {  	[simem:s6], [sflag:s4] =	dma.local [hbm:s3], $0xF7A  }
0x26: {  	[smem:$0x3F93] =	sst s1;
	(tag) =	ssettag s2;
	_ =	strace s9  }
0x27: {  	s1 =	sld [smem:$0x3FA3]  }
0x28: {  	s2 =	sld [smem:$0x3FA4]  }
0x29: {  	s4 =	sld [smem:$0x3FA6]  }
0x2a: {  	p0 =	seq.s32 s5, $0x0;
	s5 =	sld [smem:$0x3FA7]  }
0x2b: {  	s6 =	sld [smem:$0x3FA8]  }
0x2c: {  	s7 =	sld [smem:$0x3FA9]  }
0x2d: {  	s3 =	simm.s32 $0x108;
	s8 =	sld [smem:$0x3FAA]  }
0x2e: {  	s3 =	simm.s32 @!p0 $0x1082;
	s9 =	sld [smem:$0x3FAB]  }
0x2f: {  	lr =	sadd.s32 s0, s3;
	s0 =	sld [smem:$0x3FA2]  }
0x30: {  	s3 =	sld [smem:$0x3FA5]  }
0x31: {  	[smem:$0x3FAE] =	sst s10  }
0x32: {  	s10 =	sld [smem:$0x3FAC];
	_ =	sdelay $0x3  }
0x33: {  	p0 =	seq.s32 s10, $0x1;
	s10 =	sld [smem:$0x3FAE];
	_ =	sdelay $0x3  }
0x34: {  	[smem:$0x3FAE] =	sst s10  }
0x35: {  	s10 =	sld [smem:$0x3FAD];
	_ =	sdelay $0x3  }
0x36: {  	p1 =	seq.s32 s10, $0x1;
	s10 =	sld [smem:$0x3FAE];
	_ =	sdelay $0x3  }
0x37: {  	[smem:$0x3FAE] =	sst s10  }
0x38: {  	s10 =	sld [smem:$0x3FAF]  }
0x39: {  	_ = 	snop;
	(pc) =	sbr.ind lr, $3  }
0x3a: {  	_ = 	snop  }
0x3b: {  	_ = 	snop  }
0x3c: {  	p2 =	seq.s32 s10, $0x1;
	s10 =	sld [smem:$0x3FAE]  }
0x3d: {  	_ =	shalt  }
0x3e: {  	_ =	shalt  }
0x3f: {  	_ =	shalt  }
0x40: {  	_ =	shalt  }
0x41: {  	_ =	shalt  }
0x42: {  	_ =	shalt  }
0x43: {  	_ =	shalt  }
0x44: {  	_ =	shalt  }
0x45: {  	_ =	shalt  }
0x46: {  	_ =	shalt  }
0x47: {  	_ =	shalt  }
0x48: {  	_ =	shalt  }
0x49: {  	_ =	shalt  }
0x4a: {  	_ =	shalt  }
0x4b: {  	_ =	shalt  }
0x4c: {  	_ =	shalt  }
0x4d: {  	_ =	shalt  }
0x4e: {  	_ =	shalt  }
0x4f: {  	_ =	shalt  }
0x50: {  	_ =	shalt  }
0x51: {  	_ =	shalt  }
0x52: {  	_ =	shalt  }
0x53: {  	_ =	shalt  }
0x54: {  	_ =	shalt  }
0x55: {  	_ =	shalt  }
0x56: {  	_ =	shalt  }
0x57: {  	_ =	shalt  }
0x58: {  	_ =	shalt  }
0x59: {  	_ =	shalt  }
0x5a: {  	_ =	shalt  }
0x5b: {  	_ =	shalt  }
0x5c: {  	_ =	shalt  }
0x5d: {  	_ =	shalt  }
0x5e: {  	_ =	shalt  }
0x5f: {  	_ =	shalt  }
0x60: {  	_ =	shalt  }
0x61: {  	_ =	shalt  }
0x62: {  	_ =	shalt  }
0x63: {  	_ =	shalt  }
0x64: {  	_ =	shalt  }
0x65: {  	_ =	shalt  }
0x66: {  	_ =	shalt  }
0x67: {  	_ =	shalt  }
0x68: {  	_ =	shalt  }
0x69: {  	_ =	shalt  }
0x6a: {  	_ =	shalt  }
0x6b: {  	_ =	shalt  }
0x6c: {  	_ =	shalt  }
0x6d: {  	_ =	shalt  }
0x6e: {  	_ =	shalt  }
0x6f: {  	_ =	shalt  }
0x70: {  	_ =	shalt  }
0x71: {  	_ =	shalt  }
0x72: {  	_ =	shalt  }
0x73: {  	_ =	shalt  }
0x74: {  	_ =	shalt  }
0x75: {  	_ =	shalt  }
0x76: {  	_ =	shalt  }
0x77: {  	_ =	shalt  }
0x78: {  	_ =	shalt  }
0x79: {  	_ =	shalt  }
0x7a: {  	_ =	shalt  }
0x7b: {  	_ =	shalt  }
0x7c: {  	_ =	shalt  }
0x7d: {  	_ =	shalt  }
0x7e: {  	_ =	shalt  }
0x7f: {  	_ =	shalt  }
0x80: {  	_ =	shalt  }
0x81: {  	_ =	shalt  }
0x82: {  	_ =	shalt  }
0x83: {  	_ =	shalt  }
0x84: {  	_ =	shalt  }
0x85: {  	_ =	shalt  }
0x86: {  	_ =	shalt  }
0x87: {  	_ =	shalt  }
.Lfunc_end0:
.L_simem_size_0:
called_computation.5_lowered:
.L_overlay_start_0:
0x88: {  	s2 =	sld [smem:$0x3FD9]  }
0x89: {  	s3 =	sld [smem:$0x3FFE];
	_ =	sdelay $0x1  }
0x8a: {  	s1 =	srdreg.scid  }
0x8b: {  	s0 =	sand.u32 $0x1, s1  }
0x8c: {  	s13 =	sshll.u32 s0, $0xA;
	s2 =	sadd.s32 s3, s2  }
0x8d: {  	s2 =	sadd.s32 s2, s13  }
0x8e: {  	[smem:$0x3FBA] =	sst s2  }
0x8f: {  	_ = 	snop  }
0x90: {  	s2 =	sld [smem:$0x3FD0];
	_ =	sdelay $0x3  }
0x91: {  	s4 =	simm.s32 $0xB;
	s5 =	simm.s32 $0x10;
	s14 =	sadd.s32 $0x1, s2  }
0x92: {  	[smem:s5], [sflag:s4] =	dma.local [hbm:s14], $0x1  }
0x93: {  	_ =	swait.eq [sflag:s4], $0x1  }
0x94: {  	[sflag:s4] =	ssyncset.done $0x0  }
0x95: {  	[sflag:s4] =	ssyncadd.s32 $0xFFFFFFFF  }
0x96: {  	s15 =	sld [smem:$0x11]  }
0x97: {  	[smem:s5], [sflag:s4] =	dma.local [hbm:s2], $0x1  }
0x98: {  	_ =	swait.eq [sflag:s4], $0x1  }
0x99: {  	[sflag:s4] =	ssyncset.done $0x0  }
0x9a: {  	[sflag:s4] =	ssyncadd.s32 $0xFFFFFFFF  }
0x9b: {  	s16 =	sld [smem:$0x12];
	(tm) =	ssettm $0x1  }
0x9c: {  	s17 =	sld [smem:$0x3FFB];
	_ =	sdelay $0x3  }
0x9d: {  	_ =	strace s17  }
0x9e: {  	s4 =	sld [smem:$0x3FFC];
	_ =	sdelay $0x3  }
0x9f: {  	_ =	strace s4  }
0xa0: {  	s4 =	sld [smem:$0x3FFD];
	_ =	sdelay $0x3  }
0xa1: {  	_ =	strace s4  }
0xa2: {  	_ =	strace $0x8FFFFFFF  }
0xa3: {  	s18 =	sld [smem:$0x3FDB];
	_ =	sdelay $0x1  }
0xa4: {  	s19 =	simm.s32 $_scs_section_size  }
0xa5: {  	s6 =	simm.s32 $_size__tile_overlayer_lowered;
	s7 =	simm.s32 $_tile_overlayer_lowered  }
0xa6: {  	s22 =	simm.s32 $0x1BFF;
	s21 =	sshll.u32 s7, $0x1;
	s4 =	sadd.s32 s19, s18  }
0xa7: {  	s8 =	simm.s32 $0x0;
	s20 =	sshll.u32 s6, $0x1;
	s6 =	sadd.s32 s21, s4  }
0xa8: {  	[timem:s8], [sflag:s22] =	dma.local [hbm:s6], s20  }
0xa9: {  	_ =	swait.ge [sflag:s22], s20  }
0xaa: {  	s5 =	ssub.s32 $0x0, s20;
	[sflag:s22] =	ssyncset.done $0x0  }
0xab: {  	[sflag:s22] =	ssyncadd.s32 s5;
	_ =	sdelay $0x1  }
0xac: {  	s23 =	simm.s32 $0x1B8B  }
0xad: {  	_ =	swait.ge [sflag:s23], $0x1  }
0xae: {  	[sflag:s23] =	ssyncset.done $0x0  }
0xaf: {  	s25 =	simm.s32 $0x1B8E;
	s24 =	sld [smem:$0x3FFE];
	[sflag:s23] =	ssyncadd.s32 $0xFFFFFFFF  }
0xb0: {  	s26 =	simm.s32 $execute0_lowered;
	[smem:$0x3FD2] =	sst s25  }
0xb1: {  	s6 =	sshll.u32 s26, $0x1;
	_ =	strace $0x8000004C;
	[dreg:$0x1] =	wrdreg $0xFFFFFFFF  }
0xb2: {  	s28 =	simm.s32 $_size_execute0_lowered;
	s4 =	sadd.s32 s4, s6;
	[dreg:$0x0] =	wrdreg $0x0  }
0xb3: {  	s6 =	sshll.u32 s28, $0x1;
	[dreg:$0x2] =	wrdreg s4  }
0xb4: {  	[dreg:$0x3] =	wrdreg s6  }
0xb5: {  	[dreg:$0x4] =	wrdreg $0xC0  }
0xb6: {  	_ =	task [dreg:s8], $0x5FFFF  }
0xb7: {  	[dreg:$0x1] =	wrdreg $0xFFFFFFFF  }
0xb8: {  	[dreg:$0x0] =	wrdreg $0x60  }
0xb9: {  	[dreg:$0x2] =	wrdreg s15  }
0xba: {  	[dreg:$0x3] =	wrdreg s16  }
0xbb: {  	[dreg:$0x4] =	wrdreg s24  }
0xbc: {  	[dreg:$0x5] =	wrdreg $0xA  }
0xbd: {  	_ =	task.clear_ibuf [dreg:s8], $0x6FFFF;
	_ =	strace $0x9000004C  }
0xbe: {  	s29 =	simm.s32 $0xA;
	_ =	strace $0x8000004E  }
0xbf: {  	_ =	swait.ge [sflag:s29], $0x1  }
0xc0: {  	[sflag:s29] =	ssyncadd.s32 $0xFFFFFFFF  }
0xc1: {  	_ =	strace $0x9000004E  }
0xc2: {  	_ =	sfence  }
0xc3: {  	s30 =	sld [smem:$0x0];
	_ =	sdelay $0x2  }
0xc4: {  	s31 =	sshll.u32 s1, $0xD;
	s1 =	sshrl.u32 s1, $0x2  }
0xc5: {  	s3 =	sand.u32 $0x4000, s31;
	s1 =	sadd.s32 s1, s30  }
0xc6: {  	s0 =	sor.u32 s3, s0;
	s1 =	sshll.u32 s1, $0x11  }
0xc7: {  	s0 =	sor.u32 s1, s0  }
0xc8: {  	s0 =	sadd.s32 $0x8F2B, s0  }
0xc9: {  	[sflag:s0] =	ssyncadd.remote.s32 $0x1  }
0xca: {  	_ =	sfence.sel $0xFFFF  }
0xcb: {  	[dreg:$0x0] =	wrdreg $0xFFFFFFFF;
	(pc) =	sbr.abs _section_cstart, $3  }
0xcc: {  	[dreg:$0x1] =	wrdreg $0xFFFFFFFF  }
0xcd: {  	_ =	task.clear_ibuf [dreg:s8], $0x2FFFF;
	_ =	strace $0x9FFFFFFF  }
0xce: {  	(tm) =	ssettm $0x7FFFFFFF  }
0xcf: {  	_ =	shalt  }
tec
execute0_lowered:
.L_overlay_start_1:
0x0: {  	(tag) =	ssettag $0x1  }
0x1: {  	s2 =	rddreg [dreg:$0x0]  }
0x2: {  	s3 =	rddreg [dreg:$0x1]  }
0x3: {  	s7 =	rddreg [dreg:$0x2]  }
0x4: {  	s0 =	rddreg [dreg:$0x3];
	s1 =	srdreg.scid;
	_ =	strace $0x8000004D  }
0x5: {  	s4 =	simm.s32 $0x1;
	s9 =	simm.s32 $0x3;
	s5 =	sshll.u32 s1, $0x4  }
.Ltmp0:
0x6: {  	s1 =	stileid.u32;
	s5 =	sand.u32 $0x10, s5;
	(pc) =	sbr.rel .LBB2_1-.Ltmp0, $4  }
0x7: {  	s12 =	simm.s32 $0x0;
	s10 =	simm.s32 $0x0;
	s6 =	sor.u32 s1, s5  }
0x8: {  	[sflag:s4] =	ssyncpa.u1 $0x0;
	s5 =	simm.s32 $0x2;
	s6 =	sshll.u32 s6, $0x8  }
0x9: {  	s7 =	sadd.s32 $0x49400, s7;
	[sflag:s5] =	ssyncpa.u1 $0x0;
	s8 =	sadd.s32 $0x100, s6  }
0xa: {  	v0 =	vimm.s32 $0x0;
	vm0 =	vmmov $0xff;
	vm1 =	vcmask $0x3F20;
	[sflag:s9] =	ssyncpa.u1 $0x0;
	s9 =	simm.s32 $0x100;
	s11 =	smov.u32 s6  }
.LBB2_9:
0xb: {  	p0 =	seq.s32 s10, $0x2  }
.Ltmp1:
0xc: {  	_ = 	snop;
	(pc) =	sbr.rel @p0 .LBB2_11-.Ltmp1, $1  }
0xd: {  	_ =	sdelay $0x3  }
.LBB2_10:
0xe: {  	s12 =	sadd.s32 $0x100, s11  }
0xf: {  	s13 =	smov.u32 s6;
	p0 =	slt.s32 s12, s8  }
0x10: {  	s13 =	smov.u32 @p0 s12  }
0x11: {  	s10 =	sadd.s32 $0x1, s10;
	s12 =	smov.u32 s11;
	s11 =	smov.u32 s13  }
.LBB2_1:
0x12: {  	p0 =	sne.s32 s10, $0x0  }
.Ltmp2:
0x13: {  	_ = 	snop;
	(pc) =	sbr.rel @!p0 .LBB2_2-.Ltmp2, $1  }
0x14: {  	_ =	sdelay $0x3  }
0x15: {  	s13 =	sand.u32 $0x1, s10  }
0x16: {  	p0 =	seq.s32 s13, $0x0  }
.Ltmp3:
0x17: {  	_ = 	snop;
	(pc) =	sbr.rel @p0 .LBB2_9-.Ltmp3, $1  }
0x18: {  	_ =	sdelay $0x3  }
0x19: {  	_ =	swait.ge [sflag:s5], $0x100  }
0x1a: {  	[sflag:s5] =	ssyncset.done $0x0  }
0x1b: {  	s13 =	simm.s32 $0x0;
	[sflag:s5] =	ssyncadd.s32 $0xFFFFFF00  }
0x1c: {  	v1 =	vld.msk [tilespmem:s13+$0x100 ss:$0x1], $0xffff;
	_ =	sdelay $0x4  }
0x1d: {  	v2 =	vshll.u32 v1, $0x7  }
0x1e: {  	vm2 =	veq.s32 v1, $0x80000000;
	v1 =	vand.u32 $0x1FFF80, v2  }
0x1f: {  	v2 =	vsel vm2, $0xFFFFFFFF, v0;
	v1 =	vsel vm2, $0xFFFFFF80, v1  }
0x20: {  	v2 =	vshll.u32 v2, $0x15;
	v3 =	vand.u32 $0xFFFFFC00, v1  }
0x21: {  	v1 =	vand.u32 $0x380, v1;
	v2 =	vadd.s32 v2, v3  }
0x22: {  	v1 =	vor.u32 v1, v2  }
0x23: {  	v1 =	vshrl.u32 v1, $0x3;
	_ =	sdelay $0x3  }
0x24: {  	s13 =	simm.s32 $0x8200  }
0x25: {  	[tilespmem:s13], [sflag:$0x1] =	stream.indirect_vreg.gather [hbm:s2], $0x80, v1, vm0, $0x38;
	[tilespmem:$0x10200] =	vst v63  }
0x26: {  	s14 =	simm.s32 $0x8600;
	s31 =	simm.s32 $0x10  }
0x27: {  	[tilespmem:s14], [sflag:$0x1] =	stream.indirect_vreg.gather [hbm:s2], $0x80, v1, vm1, $0x38;
	[tilespmem:$0x10200] =	vst v63  }
0x28: {  	s14 =	simm.s32 $0x80;
	v1 =	vld.msk [tilespmem:s31+$0x100 ss:$0x1], $0xffff  }
.LBB2_5:
0x29: {  	p0 =	sne.s32 s14, $0x3C0;
	_ =	sdelay $0x4  }
0x2a: {  	v2 =	vshll.u32 v1, $0x7  }
0x2b: {  	vm2 =	veq.s32 v1, $0x80000000;
	v1 =	vand.u32 $0x1FFF80, v2  }
0x2c: {  	v2 =	vsel vm2, $0xFFFFFFFF, v0;
	v1 =	vsel vm2, $0xFFFFFF80, v1  }
0x2d: {  	v2 =	vshll.u32 v2, $0x15;
	v3 =	vand.u32 $0xFFFFFC00, v1  }
0x2e: {  	v1 =	vand.u32 $0x380, v1;
	v2 =	vadd.s32 v2, v3  }
0x2f: {  	v1 =	vor.u32 v1, v2  }
0x30: {  	v1 =	vshrl.u32 v1, $0x3;
	_ =	sdelay $0x3  }
.Ltmp4:
0x31: {  	s13 =	sadd.s32 $0x800, s13;
	(pc) =	sbr.rel @p0 .LBB2_5-.Ltmp4, $4  }
0x32: {  	[tilespmem:s13], [sflag:$0x1] =	stream.indirect_vreg.gather [hbm:s2], $0x80, v1, vm0, $0x38;
	[tilespmem:$0x10200] =	vst v63  }
0x33: {  	s15 =	sshra.s32 s14, $0x2;
	s16 =	sadd.s32 $0x400, s13  }
0x34: {  	[tilespmem:s16], [sflag:$0x1] =	stream.indirect_vreg.gather [hbm:s2], $0x80, v1, vm1, $0x38;
	[tilespmem:$0x10200] =	vst v63  }
0x35: {  	s14 =	sadd.s32 $0x40, s14;
	v1 =	vld.msk [tilespmem:s15+$0x100 ss:$0x1], $0xffff  }
0x36: {  	_ =	sdelay $0x3  }
0x37: {  	v2 =	vshll.u32 v1, $0x7  }
0x38: {  	vm2 =	veq.s32 v1, $0x80000000;
	v1 =	vand.u32 $0x1FFF80, v2  }
0x39: {  	v2 =	vsel vm2, $0xFFFFFFFF, v0;
	v1 =	vsel vm2, $0xFFFFFF80, v1  }
0x3a: {  	v2 =	vshll.u32 v2, $0x15;
	v3 =	vand.u32 $0xFFFFFC00, v1  }
0x3b: {  	v1 =	vand.u32 $0x380, v1;
	v2 =	vadd.s32 v2, v3  }
0x3c: {  	v1 =	vor.u32 v1, v2  }
0x3d: {  	v1 =	vshrl.u32 v1, $0x3;
	_ =	sdelay $0x3  }
0x3e: {  	s13 =	sadd.s32 $0x800, s13  }
0x3f: {  	[tilespmem:s13], [sflag:$0x1] =	stream.indirect_vreg.gather [hbm:s2], $0x80, v1, vm0, $0x38;
	[tilespmem:$0x10200] =	vst v63  }
0x40: {  	s13 =	sadd.s32 $0x400, s13  }
0x41: {  	[tilespmem:s13], [sflag:$0x1] =	stream.indirect_vreg.gather [hbm:s2], $0x80, v1, vm1, $0x38;
	[tilespmem:$0x10200] =	vst v63  }
0x42: {  	s12 =	sshll.u32 s12, $0x4;
	s14 =	simm.s32 $0x80;
	_ =	swait.ge [sflag:s4], $0x8000  }
0x43: {  	s15 =	simm.s32 $0x8600;
	s12 =	sadd.s32 s12, s7;
	[sflag:s4] =	ssyncset.done $0x0  }
0x44: {  	s16 =	sadd.s32 $0x0, s12;
	s13 =	simm.s32 $0x8200;
	[sflag:s4] =	ssyncadd.s32 $0xFFFF8000  }
.LBB2_7:
0x45: {  	[hbm:s16] =	stream.linear.scatter [tilespmem:s13], [sflag:$0x3], $0x400, $0x38;
	[tilespmem:$0x10200] =	vst v63  }
0x46: {  	s16 =	smov.u32 s14;
	s13 =	smov.u32 s15;
	p0 =	sne.s32 s14, $0xF80  }
.Ltmp5:
0x47: {  	s14 =	sadd.s32 $0x80, s14;
	(pc) =	sbr.rel @p0 .LBB2_7-.Ltmp5, $2  }
0x48: {  	_ =	sdelay $0x2  }
0x49: {  	s15 =	sadd.s32 $0x400, s15;
	s16 =	sadd.s32 s16, s12  }
.Ltmp6:
0x4a: {  	(pc) =	sbr.rel .LBB2_9-.Ltmp6, $2  }
0x4b: {  	_ =	sdelay $0x2  }
0x4c: {  	[hbm:s16] =	stream.linear.scatter [tilespmem:s13], [sflag:$0x3], $0x400, $0x38;
	[tilespmem:$0x10200] =	vst v63  }
.LBB2_2:
.Ltmp7:
0x4d: {  	(pc) =	sbr.rel .LBB2_10-.Ltmp7, $4  }
0x4e: {  	_ = 	snop  }
0x4f: {  	s12 =	sshrl.u32 s11, $0x3  }
0x50: {  	s13 =	sand.u32 $0x7, s11;
	s12 =	sadd.s32 s3, s12  }
0x51: {  	[tilespmem:s9], [sflag:$0x2] =	stream.linear.gather [hbm4b:s12+s13], $0x100, $0x38;
	[tilespmem:$0x10200] =	vst v63  }
.LBB2_11:
0x52: {  	s2 =	simm.s32 $0x3  }
0x53: {  	_ =	swait.ge [sflag:s2], $0x8000  }
0x54: {  	[sflag:s2] =	ssyncset.done $0x0  }
0x55: {  	[sflag:s2] =	ssyncadd.s32 $0xFFFF8000  }
0x56: {  	_ =	sfence.sel $0x180000  }
0x57: {  	s3 =	simm.s32 $0x2;
	[bflag:$0x0] =	sbarrier.arrive $0xFFFF  }
0x58: {  	[sflag:s3] =	ssyncpa.u1 $0x1  }
0x59: {  	s31 =	simm.s32 $0x1;
	[sflag:s2] =	ssyncpa.u1 $0x1  }
0x5a: {  	[sflag:s31] =	ssyncpa.u1 $0x1  }
0x5b: {  	p0 =	sne.s32 s1, $0x0;
	_ =	strace $0x9000004D  }
0x5c: {  	s0 =	sadd.s32 @!p0 $0x100000, s0;
	[bflag:$0x2] =	sbarrier.arrive $0xFFFF  }
0x5d: {  	[sflag:s0] =	ssyncadd.tile.s32 @!p0 $0x1;
	_ =	shalt  }
.Lfunc_end2:
_tile_overlayer_lowered:
.L_overlay_start_2:
0x5e: {  	(tag) =	ssettag $0x2  }
0x5f: {  	s0 =	rddreg [dreg:$0x0];
	s2 =	stileid.u32  }
0x60: {  	s1 =	rddreg [dreg:$0x1];
	p0 =	sne.s32 s2, $0x0  }
0x61: {  	s3 =	rddreg [dreg:$0x2];
	[bflag:$0x3] =	sbarrier.arrive $0xFFFF;
	s2 =	simm.s32 @!p0 $0x1C01  }
0x62: {  	[timem:s3], [sflag:s2] =	dma.local @!p0 [hbm:s0], s1  }
0x63: {  	s0 =	simm.s32 @!p0 $0x1  }
0x64: {  	_ =	swait.ge @!p0 [sflag:s0], s1  }
0x65: {  	s1 =	ssub.s32 @!p0 $0x0, s1;
	[sflag:s0] =	ssyncset.done @!p0 $0x0  }
0x66: {  	[sflag:s0] =	ssyncadd.s32 @!p0 s1  }
0x67: {  	[bflag:$0x3] =	sbarrier.arrive $0xFFFF  }
0x68: {  	_ =	shalt  }

// kernel: gather_offload_async_start
scs
__scs_entry_jumppad:
0x0: {  	(pc) =	sbr.rel $0x88, $3  }
0x1: {  	(tag) =	ssettag $0x0;
	lr =	simm.s32 $0x1  }
0x2: {  	[smem:$0x3F93] =	sst lr;
	_ =	strace $0xD0000000  }
0x3: {  	_ = 	snop  }
0x4: {  	_ = 	snop  }
0x5: {  	_ = 	snop  }
0x6: {  	_ = 	snop  }
0x7: {  	_ = 	snop  }
__scs_overlays_trampoline_lowered:
0x8: {  	[smem:$0x3FA2] =	sst s0  }
0x9: {  	[smem:$0x3FA3] =	sst s1  }
0xa: {  	[smem:$0x3FA4] =	sst s2  }
0xb: {  	[smem:$0x3FA5] =	sst s3  }
0xc: {  	[smem:$0x3FA6] =	sst s4  }
0xd: {  	[smem:$0x3FA7] =	sst s5  }
0xe: {  	[smem:$0x3FA8] =	sst s6  }
0xf: {  	[smem:$0x3FA9] =	sst s7  }
0x10: {  	[smem:$0x3FAA] =	sst s8  }
0x11: {  	[smem:$0x3FAB] =	sst s9;
	s0 =	simm.s32 @!p0 $0x0  }
0x12: {  	s1 =	sld [smem:$0x3F91];
	s0 =	simm.s32 @p0 $0x1  }
0x13: {  	[smem:$0x3FAC] =	sst s0;
	s0 =	simm.s32 @!p1 $0x0  }
0x14: {  	s2 =	sld [smem:$0x3F90];
	s0 =	simm.s32 @p1 $0x1  }
0x15: {  	[smem:$0x3FAD] =	sst s0;
	s0 =	simm.s32 @!p2 $0x0  }
0x16: {  	s3 =	sld [smem:$0x3FDB];
	s0 =	simm.s32 @p2 $0x1  }
0x17: {  	s4 =	simm.s32 $0x1BF5;
	[smem:$0x3FAF] =	sst s0  }
0x18: {  	s0 =	sld [smem:$0x3F92];
	_ =	swait.ge [sflag:s4], $0x0  }
0x19: {  	s7 =	sld [smem:$0x3F93]  }
0x1a: {  	s8 =	sadd.s32 $0xFFFFE003, lr  }
0x1b: {  	s9 =	sadd.s32 $0xFFFFFEF7, lr;
	s5 =	simm.s32 $0xFFFFFFFF;
	p2 =	slt.u32 s8, $0xFFFFF086  }
0x1c: {  	p1 =	slt.u32 s9, $0xF7A;
	s5 =	simm.s32 @!p2 $0x0  }
0x1d: {  	s5 =	simm.s32 @p1 $0x1;
	p0 =	seq.s32 s7, s2  }
0x1e: {  	s7 =	smul.u32 @!p0 $0xF7A, s2;
	p2 =	seq.s32 @!p0 s5, $0x0  }
0x1f: {  	s9 =	smul.u32 $0xF7A, s1;
	s8 =	simm.s32 @!p0 $0x1BF5;
	p2 =	por !p2, p0  }
0x20: {  	[sflag:s8] =	ssyncset.s32 @!p0 $0xFFFFF086;
	s6 =	sadd.s32 @!p0 s3, s7;
	s7 =	simm.s32 @!p0 $0x108  }
0x21: {  	s3 =	sadd.s32 s3, s9;
	s6 =	sadd.s32 @!p0 $0x88, s6;
	s7 =	simm.s32 @p2 $0x1082  }
0x22: {  	[simem:s7], [sflag:s8] =	dma.local @!p0 [hbm:s6], $0xF7A  }
0x23: {  	s9 =	sor.u32 $0xD0000000, s2;
	s6 =	simm.s32 $0x108;
	_ =	swait.ge @!p0 [sflag:s8], $0x0  }
0x24: {  	s3 =	sadd.s32 $0x88, s3;
	s6 =	simm.s32 @!p1 $0x1082;
	[sflag:s4] =	ssyncset.s32 $0xFFFFF086  }
0x25: {  	[simem:s6], [sflag:s4] =	dma.local [hbm:s3], $0xF7A  }
0x26: {  	[smem:$0x3F93] =	sst s1;
	(tag) =	ssettag s2;
	_ =	strace s9  }
0x27: {  	s1 =	sld [smem:$0x3FA3]  }
0x28: {  	s2 =	sld [smem:$0x3FA4]  }
0x29: {  	s4 =	sld [smem:$0x3FA6]  }
0x2a: {  	p0 =	seq.s32 s5, $0x0;
	s5 =	sld [smem:$0x3FA7]  }
0x2b: {  	s6 =	sld [smem:$0x3FA8]  }
0x2c: {  	s7 =	sld [smem:$0x3FA9]  }
0x2d: {  	s3 =	simm.s32 $0x108;
	s8 =	sld [smem:$0x3FAA]  }
0x2e: {  	s3 =	simm.s32 @!p0 $0x1082;
	s9 =	sld [smem:$0x3FAB]  }
0x2f: {  	lr =	sadd.s32 s0, s3;
	s0 =	sld [smem:$0x3FA2]  }
0x30: {  	s3 =	sld [smem:$0x3FA5]  }
0x31: {  	[smem:$0x3FAE] =	sst s10  }
0x32: {  	s10 =	sld [smem:$0x3FAC];
	_ =	sdelay $0x3  }
0x33: {  	p0 =	seq.s32 s10, $0x1;
	s10 =	sld [smem:$0x3FAE];
	_ =	sdelay $0x3  }
0x34: {  	[smem:$0x3FAE] =	sst s10  }
0x35: {  	s10 =	sld [smem:$0x3FAD];
	_ =	sdelay $0x3  }
0x36: {  	p1 =	seq.s32 s10, $0x1;
	s10 =	sld [smem:$0x3FAE];
	_ =	sdelay $0x3  }
0x37: {  	[smem:$0x3FAE] =	sst s10  }
0x38: {  	s10 =	sld [smem:$0x3FAF]  }
0x39: {  	_ = 	snop;
	(pc) =	sbr.ind lr, $3  }
0x3a: {  	_ = 	snop  }
0x3b: {  	_ = 	snop  }
0x3c: {  	p2 =	seq.s32 s10, $0x1;
	s10 =	sld [smem:$0x3FAE]  }
0x3d: {  	_ =	shalt  }
0x3e: {  	_ =	shalt  }
0x3f: {  	_ =	shalt  }
0x40: {  	_ =	shalt  }
0x41: {  	_ =	shalt  }
0x42: {  	_ =	shalt  }
0x43: {  	_ =	shalt  }
0x44: {  	_ =	shalt  }
0x45: {  	_ =	shalt  }
0x46: {  	_ =	shalt  }
0x47: {  	_ =	shalt  }
0x48: {  	_ =	shalt  }
0x49: {  	_ =	shalt  }
0x4a: {  	_ =	shalt  }
0x4b: {  	_ =	shalt  }
0x4c: {  	_ =	shalt  }
0x4d: {  	_ =	shalt  }
0x4e: {  	_ =	shalt  }
0x4f: {  	_ =	shalt  }
0x50: {  	_ =	shalt  }
0x51: {  	_ =	shalt  }
0x52: {  	_ =	shalt  }
0x53: {  	_ =	shalt  }
0x54: {  	_ =	shalt  }
0x55: {  	_ =	shalt  }
0x56: {  	_ =	shalt  }
0x57: {  	_ =	shalt  }
0x58: {  	_ =	shalt  }
0x59: {  	_ =	shalt  }
0x5a: {  	_ =	shalt  }
0x5b: {  	_ =	shalt  }
0x5c: {  	_ =	shalt  }
0x5d: {  	_ =	shalt  }
0x5e: {  	_ =	shalt  }
0x5f: {  	_ =	shalt  }
0x60: {  	_ =	shalt  }
0x61: {  	_ =	shalt  }
0x62: {  	_ =	shalt  }
0x63: {  	_ =	shalt  }
0x64: {  	_ =	shalt  }
0x65: {  	_ =	shalt  }
0x66: {  	_ =	shalt  }
0x67: {  	_ =	shalt  }
0x68: {  	_ =	shalt  }
0x69: {  	_ =	shalt  }
0x6a: {  	_ =	shalt  }
0x6b: {  	_ =	shalt  }
0x6c: {  	_ =	shalt  }
0x6d: {  	_ =	shalt  }
0x6e: {  	_ =	shalt  }
0x6f: {  	_ =	shalt  }
0x70: {  	_ =	shalt  }
0x71: {  	_ =	shalt  }
0x72: {  	_ =	shalt  }
0x73: {  	_ =	shalt  }
0x74: {  	_ =	shalt  }
0x75: {  	_ =	shalt  }
0x76: {  	_ =	shalt  }
0x77: {  	_ =	shalt  }
0x78: {  	_ =	shalt  }
0x79: {  	_ =	shalt  }
0x7a: {  	_ =	shalt  }
0x7b: {  	_ =	shalt  }
0x7c: {  	_ =	shalt  }
0x7d: {  	_ =	shalt  }
0x7e: {  	_ =	shalt  }
0x7f: {  	_ =	shalt  }
0x80: {  	_ =	shalt  }
0x81: {  	_ =	shalt  }
0x82: {  	_ =	shalt  }
0x83: {  	_ =	shalt  }
0x84: {  	_ =	shalt  }
0x85: {  	_ =	shalt  }
0x86: {  	_ =	shalt  }
0x87: {  	_ =	shalt  }
.Lfunc_end0:
.L_simem_size_0:
called_computation.3_lowered:
.L_overlay_start_0:
0x88: {  	s2 =	sld [smem:$0x3FD9]  }
0x89: {  	s3 =	sld [smem:$0x3FFE];
	_ =	sdelay $0x1  }
0x8a: {  	s1 =	srdreg.scid  }
0x8b: {  	s0 =	sand.u32 $0x1, s1  }
0x8c: {  	s14 =	sshll.u32 s0, $0xA;
	s2 =	sadd.s32 s3, s2  }
0x8d: {  	s2 =	sadd.s32 s2, s14  }
0x8e: {  	[smem:$0x3FBA] =	sst s2  }
0x8f: {  	_ = 	snop  }
0x90: {  	s2 =	sld [smem:$0x3FD0];
	_ =	sdelay $0x2  }
0x91: {  	s15 =	simm.s32 $0xB;
	s4 =	simm.s32 $0x10  }
0x92: {  	[smem:s4], [sflag:s15] =	dma.local [hbm:s2], $0x1  }
0x93: {  	_ =	swait.eq [sflag:s15], $0x1  }
0x94: {  	[sflag:s15] =	ssyncset.done $0x0  }
0x95: {  	[sflag:s15] =	ssyncadd.s32 $0xFFFFFFFF  }
0x96: {  	s16 =	sld [smem:$0x13];
	(tm) =	ssettm $0x1  }
0x97: {  	s17 =	sld [smem:$0x3FFB];
	_ =	sdelay $0x3  }
0x98: {  	_ =	strace s17  }
0x99: {  	s3 =	sld [smem:$0x3FFC];
	_ =	sdelay $0x3  }
0x9a: {  	_ =	strace s3  }
0x9b: {  	s3 =	sld [smem:$0x3FFD];
	_ =	sdelay $0x3  }
0x9c: {  	_ =	strace s3  }
0x9d: {  	_ =	strace $0x8FFFFFFF  }
0x9e: {  	s18 =	sld [smem:$0x3FDB];
	_ =	sdelay $0x1  }
0x9f: {  	s19 =	simm.s32 $_scs_section_size  }
0xa0: {  	s5 =	simm.s32 $_size__tile_overlayer_lowered;
	s6 =	simm.s32 $_tile_overlayer_lowered  }
0xa1: {  	s22 =	simm.s32 $0x1BFF;
	s21 =	sshll.u32 s6, $0x1;
	s3 =	sadd.s32 s19, s18  }
0xa2: {  	s7 =	simm.s32 $0x0;
	s20 =	sshll.u32 s5, $0x1;
	s5 =	sadd.s32 s21, s3  }
0xa3: {  	[timem:s7], [sflag:s22] =	dma.local [hbm:s5], s20  }
0xa4: {  	_ =	swait.ge [sflag:s22], s20  }
0xa5: {  	s4 =	ssub.s32 $0x0, s20;
	[sflag:s22] =	ssyncset.done $0x0  }
0xa6: {  	[sflag:s22] =	ssyncadd.s32 s4;
	_ =	sdelay $0x1  }
0xa7: {  	s23 =	simm.s32 $0x1B8B  }
0xa8: {  	_ =	swait.ge [sflag:s23], $0x1  }
0xa9: {  	[sflag:s23] =	ssyncset.done $0x0  }
0xaa: {  	s25 =	simm.s32 $0x1B8E;
	s24 =	sld [smem:$0x3FFE];
	[sflag:s23] =	ssyncadd.s32 $0xFFFFFFFF  }
0xab: {  	s26 =	simm.s32 $execute0_lowered;
	[smem:$0x3FD2] =	sst s25  }
0xac: {  	s5 =	sshll.u32 s26, $0x1;
	_ =	strace $0x80000046;
	[dreg:$0x1] =	wrdreg $0xFFFFFFFF  }
0xad: {  	s28 =	simm.s32 $_size_execute0_lowered;
	s3 =	sadd.s32 s3, s5;
	[dreg:$0x0] =	wrdreg $0x0  }
0xae: {  	s5 =	sshll.u32 s28, $0x1;
	[dreg:$0x2] =	wrdreg s3  }
0xaf: {  	[dreg:$0x3] =	wrdreg s5  }
0xb0: {  	[dreg:$0x4] =	wrdreg $0xC0  }
0xb1: {  	_ =	task [dreg:s7], $0x5FFFF  }
0xb2: {  	[dreg:$0x1] =	wrdreg $0xFFFFFFFF  }
0xb3: {  	[dreg:$0x0] =	wrdreg $0x60  }
0xb4: {  	[dreg:$0x2] =	wrdreg s24  }
0xb5: {  	[dreg:$0x3] =	wrdreg s16  }
0xb6: {  	[dreg:$0x4] =	wrdreg $0x9  }
0xb7: {  	_ =	task.clear_ibuf [dreg:s7], $0x5FFFF;
	_ =	strace $0x90000046  }
0xb8: {  	s29 =	simm.s32 $0x9;
	_ =	strace $0x80000048  }
0xb9: {  	_ =	swait.ge [sflag:s29], $0x1  }
0xba: {  	[sflag:s29] =	ssyncadd.s32 $0xFFFFFFFF  }
0xbb: {  	_ =	strace $0x90000048  }
0xbc: {  	_ =	sfence  }
0xbd: {  	s30 =	sld [smem:$0x0];
	_ =	sdelay $0x2  }
0xbe: {  	s31 =	sshll.u32 s1, $0xD;
	s1 =	sshrl.u32 s1, $0x2  }
0xbf: {  	s3 =	sand.u32 $0x4000, s31;
	s1 =	sadd.s32 s1, s30  }
0xc0: {  	s0 =	sor.u32 s3, s0;
	s1 =	sshll.u32 s1, $0x11  }
0xc1: {  	s0 =	sor.u32 s1, s0  }
0xc2: {  	s0 =	sadd.s32 $0x8F2B, s0  }
0xc3: {  	[sflag:s0] =	ssyncadd.remote.s32 $0x1  }
0xc4: {  	_ =	sfence.sel $0xFFFF  }
0xc5: {  	[dreg:$0x0] =	wrdreg $0xFFFFFFFF;
	(pc) =	sbr.abs _section_cstart, $3  }
0xc6: {  	[dreg:$0x1] =	wrdreg $0xFFFFFFFF  }
0xc7: {  	_ =	task.clear_ibuf [dreg:s7], $0x2FFFF;
	_ =	strace $0x9FFFFFFF  }
0xc8: {  	(tm) =	ssettm $0x7FFFFFFF  }
0xc9: {  	_ =	shalt  }
tec
execute0_lowered:
.L_overlay_start_1:
0x0: {  	(tag) =	ssettag $0x1  }
0x1: {  	s7 =	rddreg [dreg:$0x0]  }
0x2: {  	s2 =	rddreg [dreg:$0x1]  }
0x3: {  	s0 =	rddreg [dreg:$0x2]  }
0x4: {  	s1 =	srdreg.scid;
	_ =	strace $0x80000047;
	s4 =	simm.s32 $0x1  }
0x5: {  	s9 =	simm.s32 $0x3;
	s11 =	simm.s32 $0x0;
	s5 =	sshll.u32 s1, $0x4  }
.Ltmp0:
0x6: {  	s1 =	stileid.u32;
	s5 =	sand.u32 $0x10, s5;
	(pc) =	sbr.rel .LBB2_1-.Ltmp0, $4  }
0x7: {  	p0 =	por $0x0, $0x0;
	s3 =	sadd.s32 $0x310E00, s7;
	s6 =	sor.u32 s1, s5  }
0x8: {  	[sflag:s4] =	ssyncpa.u1 $0x0;
	s5 =	simm.s32 $0x2;
	s6 =	sshll.u32 s6, $0xA  }
0x9: {  	s7 =	sadd.s32 $0x8E00, s7;
	[sflag:s5] =	ssyncpa.u1 $0x0;
	s8 =	sadd.s32 $0x400, s6  }
0xa: {  	v0 =	vimm.s32 $0x0;
	vm0 =	vmmov $0xff;
	vm1 =	vcmask $0x3F20;
	[sflag:s9] =	ssyncpa.u1 $0x0;
	s10 =	smov.u32 s6;
	s9 =	simm.s32 $0x0  }
.LBB2_7:
0xb: {  	p1 =	slt.u32 s9, $0x2;
	s11 =	sadd.s32 $0x100, s10  }
0xc: {  	s13 =	smov.u32 s6;
	s9 =	sadd.s32 $0x1, s9;
	p2 =	slt.s32 s11, s8  }
0xd: {  	s13 =	smov.u32 @p2 s11;
	p2 =	sne.s32 s9, $0x6  }
.Ltmp1:
0xe: {  	_ = 	snop;
	(pc) =	sbr.rel @!p2 .LBB2_8-.Ltmp1, $4  }
0xf: {  	s12 =	simm.s32 @!p1 $0x3  }
0x10: {  	_ =	swait.ge @!p1 [sflag:s12], $0x8000  }
0x11: {  	p0 =	por !p0, !p0;
	[sflag:s12] =	ssyncset.done @!p1 $0x0  }
0x12: {  	s11 =	smov.u32 s10;
	s10 =	smov.u32 s13;
	[sflag:s12] =	ssyncadd.s32 @!p1 $0xFFFF8000  }
.LBB2_1:
0x13: {  	p1 =	sgt.u32 s9, $0x3  }
0x14: {  	s12 =	sxor.u32 @!p1 $0xFFFFFFFF, s9  }
0x15: {  	s13 =	sshrl.u32 @!p1 s10, $0x3;
	s12 =	sshll.u32 @!p1 s12, $0x8  }
0x16: {  	s14 =	sand.u32 @!p1 $0x7, s10;
	s13 =	sadd.s32 @!p1 s2, s13;
	s12 =	sand.u32 @!p1 $0x100, s12  }
0x17: {  	[tilespmem:s12], [sflag:$0x2] =	stream.linear.gather @!p1 [hbm4b:s13+s14], $0x100, $0x38;
	[tilespmem:$0x10200] =	vst v63  }
0x18: {  	p1 =	seq.s32 s9, $0x0  }
0x19: {  	p2 =	seq.s32 @!p1 s9, $0x5  }
0x1a: {  	p1 =	por p1, p2  }
.Ltmp2:
0x1b: {  	_ = 	snop;
	(pc) =	sbr.rel @p1 .LBB2_7-.Ltmp2, $1  }
0x1c: {  	_ =	sdelay $0x3  }
0x1d: {  	s12 =	simm.s32 $0x1  }
0x1e: {  	_ =	swait.ge [sflag:s5], $0x100;
	s12 =	simm.s32 @!p0 $0x0  }
0x1f: {  	[sflag:s5] =	ssyncset.done $0x0;
	s14 =	sshll.u32 s12, $0x8  }
0x20: {  	[sflag:s5] =	ssyncadd.s32 $0xFFFFFF00;
	s13 =	sadd.s32 $0x0, s14  }
0x21: {  	v1 =	vld.msk [tilespmem:s13+$0x0 ss:$0x1], $0xffff;
	_ =	sdelay $0x4  }
0x22: {  	vm2 =	veq.s32 v1, $0x80000000;
	v1 =	vshll.u32 v1, $0x7  }
0x23: {  	v2 =	vsel vm2, $0xFFFFFFFF, v0;
	v1 =	vand.u32 $0x7FFF80, v1  }
0x24: {  	v1 =	vsel vm2, $0xFFFFFF80, v1;
	v2 =	vshll.u32 v2, $0x7  }
0x25: {  	v1 =	vadd.s32 v2, v1  }
0x26: {  	v1 =	vshrl.u32 v1, $0x3;
	_ =	sdelay $0x2  }
0x27: {  	s12 =	sshll.u32 s12, $0xF  }
0x28: {  	s12 =	sor.u32 $0x200, s12  }
0x29: {  	[tilespmem:s12], [sflag:$0x1] =	stream.indirect_vreg.gather [hbm:s3], $0x80, v1, vm0, $0x38;
	[tilespmem:$0x10200] =	vst v63  }
0x2a: {  	s15 =	sadd.s32 $0x10, s14;
	s13 =	sadd.s32 $0x400, s12  }
0x2b: {  	[tilespmem:s13], [sflag:$0x1] =	stream.indirect_vreg.gather [hbm:s3], $0x80, v1, vm1, $0x38;
	[tilespmem:$0x10200] =	vst v63  }
0x2c: {  	s16 =	simm.s32 $0x80;
	v1 =	vld.msk [tilespmem:s15+$0x0 ss:$0x1], $0xffff;
	s15 =	smov.u32 s12  }
.LBB2_3:
0x2d: {  	p1 =	sne.s32 s16, $0x3C0;
	_ =	sdelay $0x4  }
0x2e: {  	vm2 =	veq.s32 v1, $0x80000000;
	v1 =	vshll.u32 v1, $0x7  }
0x2f: {  	v2 =	vsel vm2, $0xFFFFFFFF, v0;
	v1 =	vand.u32 $0x7FFF80, v1  }
0x30: {  	v1 =	vsel vm2, $0xFFFFFF80, v1;
	v2 =	vshll.u32 v2, $0x7  }
0x31: {  	v1 =	vadd.s32 v2, v1  }
0x32: {  	v1 =	vshrl.u32 v1, $0x3;
	_ =	sdelay $0x3  }
.Ltmp3:
0x33: {  	s17 =	sshra.s32 s16, $0x2;
	s15 =	sadd.s32 $0x800, s15;
	(pc) =	sbr.rel @p1 .LBB2_3-.Ltmp3, $4  }
0x34: {  	[tilespmem:s15], [sflag:$0x1] =	stream.indirect_vreg.gather [hbm:s3], $0x80, v1, vm0, $0x38;
	[tilespmem:$0x10200] =	vst v63  }
0x35: {  	s17 =	sadd.s32 s17, s14;
	s18 =	sadd.s32 $0x400, s15  }
0x36: {  	[tilespmem:s18], [sflag:$0x1] =	stream.indirect_vreg.gather [hbm:s3], $0x80, v1, vm1, $0x38;
	[tilespmem:$0x10200] =	vst v63  }
0x37: {  	s16 =	sadd.s32 $0x40, s16;
	v1 =	vld.msk [tilespmem:s17+$0x0 ss:$0x1], $0xffff  }
0x38: {  	_ =	sdelay $0x3  }
0x39: {  	vm2 =	veq.s32 v1, $0x80000000;
	v1 =	vshll.u32 v1, $0x7  }
0x3a: {  	v2 =	vsel vm2, $0xFFFFFFFF, v0;
	v1 =	vand.u32 $0x7FFF80, v1  }
0x3b: {  	v1 =	vsel vm2, $0xFFFFFF80, v1;
	v2 =	vshll.u32 v2, $0x7  }
0x3c: {  	v1 =	vadd.s32 v2, v1  }
0x3d: {  	v1 =	vshrl.u32 v1, $0x3;
	_ =	sdelay $0x3  }
0x3e: {  	s14 =	sadd.s32 $0x800, s15  }
0x3f: {  	[tilespmem:s14], [sflag:$0x1] =	stream.indirect_vreg.gather [hbm:s3], $0x80, v1, vm0, $0x38;
	[tilespmem:$0x10200] =	vst v63  }
0x40: {  	s14 =	sadd.s32 $0x400, s14  }
0x41: {  	[tilespmem:s14], [sflag:$0x1] =	stream.indirect_vreg.gather [hbm:s3], $0x80, v1, vm1, $0x38;
	[tilespmem:$0x10200] =	vst v63  }
0x42: {  	s11 =	sshll.u32 s11, $0x4;
	_ =	swait.ge [sflag:s4], $0x8000  }
0x43: {  	s11 =	sadd.s32 s11, s7;
	[sflag:s4] =	ssyncset.done $0x0  }
0x44: {  	s15 =	sadd.s32 $0x0, s11;
	s14 =	simm.s32 $0x80;
	[sflag:s4] =	ssyncadd.s32 $0xFFFF8000  }
.LBB2_5:
0x45: {  	[hbm:s15] =	stream.linear.scatter [tilespmem:s12], [sflag:$0x3], $0x400, $0x38;
	[tilespmem:$0x10200] =	vst v63  }
0x46: {  	s15 =	smov.u32 s14;
	s12 =	smov.u32 s13;
	p1 =	sne.s32 s14, $0xF80  }
.Ltmp4:
0x47: {  	s14 =	sadd.s32 $0x80, s14;
	(pc) =	sbr.rel @p1 .LBB2_5-.Ltmp4, $2  }
0x48: {  	_ =	sdelay $0x2  }
0x49: {  	s13 =	sadd.s32 $0x400, s13;
	s15 =	sadd.s32 s15, s11  }
.Ltmp5:
0x4a: {  	(pc) =	sbr.rel .LBB2_7-.Ltmp5, $2  }
0x4b: {  	_ =	sdelay $0x2  }
0x4c: {  	[hbm:s15] =	stream.linear.scatter [tilespmem:s12], [sflag:$0x3], $0x400, $0x38;
	[tilespmem:$0x10200] =	vst v63  }
.LBB2_8:
0x4d: {  	_ =	sfence.sel $0x180000  }
0x4e: {  	s2 =	simm.s32 $0x2;
	[bflag:$0x0] =	sbarrier.arrive $0xFFFF  }
0x4f: {  	s30 =	simm.s32 $0x3;
	[sflag:s2] =	ssyncpa.u1 $0x1  }
0x50: {  	s31 =	simm.s32 $0x1;
	[sflag:s30] =	ssyncpa.u1 $0x1  }
0x51: {  	[sflag:s31] =	ssyncpa.u1 $0x1  }
0x52: {  	p0 =	sne.s32 s1, $0x0;
	_ =	strace $0x90000047  }
0x53: {  	s0 =	sadd.s32 @!p0 $0x100000, s0;
	[bflag:$0x2] =	sbarrier.arrive $0xFFFF  }
0x54: {  	[sflag:s0] =	ssyncadd.tile.s32 @!p0 $0x1;
	_ =	shalt  }
.Lfunc_end2:
_tile_overlayer_lowered:
.L_overlay_start_2:
0x55: {  	(tag) =	ssettag $0x2  }
0x56: {  	s0 =	rddreg [dreg:$0x0];
	s2 =	stileid.u32  }
0x57: {  	s1 =	rddreg [dreg:$0x1];
	p0 =	sne.s32 s2, $0x0  }
0x58: {  	s3 =	rddreg [dreg:$0x2];
	[bflag:$0x3] =	sbarrier.arrive $0xFFFF;
	s2 =	simm.s32 @!p0 $0x1C01  }
0x59: {  	[timem:s3], [sflag:s2] =	dma.local @!p0 [hbm:s0], s1  }
0x5a: {  	s0 =	simm.s32 @!p0 $0x1  }
0x5b: {  	_ =	swait.ge @!p0 [sflag:s0], s1  }
0x5c: {  	s1 =	ssub.s32 @!p0 $0x0, s1;
	[sflag:s0] =	ssyncset.done @!p0 $0x0  }
0x5d: {  	[sflag:s0] =	ssyncadd.s32 @!p0 s1  }
0x5e: {  	[bflag:$0x3] =	sbarrier.arrive $0xFFFF  }
0x5f: {  	_ =	shalt  }

// kernel: sparse-core-data-format-call.1.cloned.1.call-start
scs
called_computation.1_lowered:
.L_overlay_start_0:
0x0: {  	s1 =	sld [smem:$0x3FD9]  }
0x1: {  	s2 =	sld [smem:$0x3FFE];
	_ =	sdelay $0x1  }
0x2: {  	s3 =	srdreg.scid  }
0x3: {  	s0 =	sand.u32 $0x1, s3  }
0x4: {  	s17 =	sshll.u32 s0, $0xA;
	s1 =	sadd.s32 s2, s1  }
0x5: {  	s1 =	sadd.s32 s1, s17  }
0x6: {  	[smem:$0x3FBA] =	sst s1  }
0x7: {  	_ = 	snop  }
0x8: {  	(tm) =	ssettm $0x1  }
0x9: {  	s18 =	sld [smem:$0x3FFB];
	_ =	sdelay $0x3  }
0xa: {  	_ =	strace s18  }
0xb: {  	s1 =	sld [smem:$0x3FFC];
	_ =	sdelay $0x3  }
0xc: {  	_ =	strace s1  }
0xd: {  	s1 =	sld [smem:$0x3FFD];
	_ =	sdelay $0x3  }
0xe: {  	_ =	strace s1  }
0xf: {  	_ =	strace $0x8FFFFFFF  }
0x10: {  	s19 =	sld [smem:$0x3FDB];
	_ =	sdelay $0x1  }
0x11: {  	s20 =	simm.s32 $_scs_section_size  }
0x12: {  	s4 =	simm.s32 $_size__tile_overlayer_lowered;
	s5 =	simm.s32 $_tile_overlayer_lowered  }
0x13: {  	s23 =	simm.s32 $0x1BFF;
	s22 =	sshll.u32 s5, $0x1;
	s1 =	sadd.s32 s20, s19  }
0x14: {  	s6 =	simm.s32 $0x0;
	s21 =	sshll.u32 s4, $0x1;
	s4 =	sadd.s32 s22, s1  }
0x15: {  	[timem:s6], [sflag:s23] =	dma.local [hbm:s4], s21  }
0x16: {  	_ =	swait.ge [sflag:s23], s21  }
0x17: {  	s2 =	ssub.s32 $0x0, s21;
	[sflag:s23] =	ssyncset.done $0x0  }
0x18: {  	[sflag:s23] =	ssyncadd.s32 s2;
	_ =	sdelay $0x1  }
0x19: {  	s24 =	simm.s32 $0x1B8B  }
0x1a: {  	_ =	swait.ge [sflag:s24], $0x1  }
0x1b: {  	[sflag:s24] =	ssyncset.done $0x0  }
0x1c: {  	s26 =	simm.s32 $0x1B8E;
	s25 =	sld [smem:$0x3FFE];
	[sflag:s24] =	ssyncadd.s32 $0xFFFFFFFF  }
0x1d: {  	s27 =	simm.s32 $execute0_lowered;
	[smem:$0x3FD2] =	sst s26  }
0x1e: {  	s4 =	sshll.u32 s27, $0x1;
	_ =	strace $0x80000052;
	[dreg:$0x1] =	wrdreg $0xFFFFFFFF  }
0x1f: {  	s28 =	simm.s32 $_size_execute0_lowered;
	s1 =	sadd.s32 s1, s4;
	[dreg:$0x0] =	wrdreg $0x0  }
0x20: {  	s4 =	sshll.u32 s28, $0x1;
	[dreg:$0x2] =	wrdreg s1  }
0x21: {  	[dreg:$0x3] =	wrdreg s4  }
0x22: {  	[dreg:$0x4] =	wrdreg $0xC0  }
0x23: {  	_ =	task [dreg:s6], $0x5FFFF  }
0x24: {  	[dreg:$0x1] =	wrdreg $0xFFFFFFFF  }
0x25: {  	[dreg:$0x0] =	wrdreg $0x60  }
0x26: {  	[dreg:$0x2] =	wrdreg s25  }
0x27: {  	[dreg:$0x3] =	wrdreg $0x9  }
0x28: {  	_ =	task.clear_ibuf [dreg:s6], $0x4FFFF;
	_ =	strace $0x90000052  }
0x29: {  	s29 =	simm.s32 $0x9;
	_ =	strace $0x80000054  }
0x2a: {  	_ =	swait.ge [sflag:s29], $0x1  }
0x2b: {  	[sflag:s29] =	ssyncadd.s32 $0xFFFFFFFF  }
0x2c: {  	_ =	strace $0x90000054  }
0x2d: {  	_ =	sfence  }
0x2e: {  	s30 =	sld [smem:$0x0];
	_ =	sdelay $0x2  }
0x2f: {  	s31 =	sshll.u32 s3, $0xD;
	s3 =	sshrl.u32 s3, $0x2  }
0x30: {  	s2 =	sand.u32 $0x4000, s31;
	s1 =	sadd.s32 s3, s30  }
0x31: {  	s0 =	sor.u32 s2, s0;
	s1 =	sshll.u32 s1, $0x11  }
0x32: {  	s0 =	sor.u32 s1, s0  }
0x33: {  	s0 =	sadd.s32 $0x8F2B, s0  }
0x34: {  	[sflag:s0] =	ssyncadd.remote.s32 $0x1  }
0x35: {  	_ =	sfence.sel $0xFFFF  }
0x36: {  	[dreg:$0x0] =	wrdreg $0xFFFFFFFF;
	(pc) =	sbr.abs _section_cstart, $3  }
0x37: {  	[dreg:$0x1] =	wrdreg $0xFFFFFFFF  }
0x38: {  	_ =	task.clear_ibuf [dreg:s6], $0x2FFFF;
	_ =	strace $0x9FFFFFFF  }
0x39: {  	(tm) =	ssettm $0x7FFFFFFF  }
tec
execute0_lowered:
.L_overlay_start_1:
0x0: {  	(tag) =	ssettag $0x1  }
0x1: {  	s0 =	srdreg.scid  }
0x2: {  	s1 =	sshll.u32 s0, $0x4  }
0x3: {  	s6 =	rddreg [dreg:$0x0];
	s0 =	stileid.u32;
	s1 =	sand.u32 $0x10, s1  }
0x4: {  	s5 =	simm.s32 $0x1;
	s31 =	simm.s32 $0x2;
	s1 =	sor.u32 s0, s1  }
0x5: {  	s13 =	simm.s32 $0x0;
	s8 =	simm.s32 $0x10000;
	s2 =	sshll.u32 s1, $0x7  }
0x6: {  	s12 =	simm.s32 $0x0;
	s9 =	simm.s32 $0x0;
	s3 =	ssub.s32 $0x4000, s2  }
0x7: {  	s11 =	simm.s32 $0x0;
	s1 =	rddreg [dreg:$0x1];
	s4 =	sand.u32 $0xF80, s3  }
.Ltmp0:
0x8: {  	_ =	strace $0x80000053;
	p0 =	sne.s32 s4, $0x0;
	(pc) =	sbr.rel .LBB1_1-.Ltmp0, $4  }
0x9: {  	s10 =	smov.u32 s2;
	s7 =	sshrl.u32 s3, $0xC;
	s5 =	simm.s32 @!p0 $0x0  }
0xa: {  	s3 =	sadd.s32 $0x310E00, s6;
	s4 =	simm.s32 $0x1;
	s5 =	sadd.s32 s5, s7  }
0xb: {  	s6 =	sadd.s32 $0xB10E00, s6;
	[sflag:s4] =	ssyncpa.u1 $0x0;
	s5 =	sshll.u32 s5, $0x5  }
0xc: {  	p0 =	por $0x0, $0x0;
	[sflag:s31] =	ssyncpa.u1 $0x0;
	s7 =	sor.u32 $0x1, s5  }
.LBB1_4:
0xd: {  	v11 =	vld [tilespmem:s17+$0xFFFFFFE0];
	v12 =	vcombine.low v6, v7  }
0xe: {  	v3 =	vperm.xlane.i2c.b16 v3;
	[tilespmem:s19+$0x3870 ss:$0x81] =	vst.msk $0xffff, v9;
	v45 =	vld [tilespmem:s17+$0xFFFFFFF0];
	v4 =	vperm.xlane.i2c.b16 v4  }
0xf: {  	v46 =	vcombine.high v6, v7;
	[tilespmem:s16+$0x2040 ss:$0x81] =	vst.msk $0xffff, v10;
	v47 =	vld [tilespmem:s17+$0x0];
	v5 =	vperm.xlane.i2c.b16 v5  }
0x10: {  	v49 =	vld [tilespmem:s17+$0x10];
	v1 =	vperm.xlane.i2c.b16 v1;
	[tilespmem:s19+$0x810 ss:$0x81] =	vst.msk $0xffff, v12;
	v48 =	vcombine.low v8, v3  }
0x11: {  	v51 =	vld [tilespmem:s17+$0xFFFFFFC0];
	v58 =	vperm.xlane.i2c.b16 v2;
	v50 =	vcombine.low v4, v0;
	[tilespmem:s19+$0x2850 ss:$0x81] =	vst.msk $0xffff, v46  }
0x12: {  	s27 =	sshra.s32 s18, $0x2;
	v3 =	vcombine.high v8, v3;
	v52 =	vcombine.low v1, v5;
	[tilespmem:s19+$0x1020 ss:$0x81] =	vst.msk $0xffff, v48  }
0x13: {  	s14 =	sadd.s32 s27, s14;
	v1 =	vcombine.high v1, v5;
	v55 =	vcombine.high v4, v0;
	[tilespmem:s19+$0x0 ss:$0x81] =	vst.msk $0xffff, v50  }
0x14: {  	[tilespmem:s14+$0x1830 ss:$0x81] =	vst.msk $0xffff, v52;
	v11 =	vperm.xlane.i2c.b16 v11;
	v53 =	vperm.xlane.i2c.b16 v45  }
0x15: {  	[tilespmem:s19+$0x3060 ss:$0x81] =	vst.msk $0xffff, v3;
	v54 =	vperm.xlane.i2c.b16 v47;
	v57 =	vperm.xlane.i2c.b16 v49  }
0x16: {  	[tilespmem:s14+$0x3870 ss:$0x81] =	vst.msk $0xffff, v1;
	v60 =	vperm.xlane.i2c.b16 v51;
	v56 =	vcombine.low v11, v53  }
0x17: {  	[tilespmem:s19+$0x2040 ss:$0x81] =	vst.msk $0xffff, v55;
	v61 =	vcombine.low v54, v57  }
0x18: {  	s28 =	sshll.u32 s12, $0x3;
	v63 =	vcombine.low v60, v58;
	[tilespmem:s14+$0x810 ss:$0x81] =	vst.msk $0xffff, v56  }
0x19: {  	s29 =	sshll.u32 s12, $0x1;
	s13 =	sshll.u32 s13, $0x11;
	s30 =	sshrl.u32 s12, $0x1;
	v59 =	vcombine.high v11, v53;
	[tilespmem:s14+$0x1020 ss:$0x81] =	vst.msk $0xffff, v61  }
0x1a: {  	s31 =	sand.u32 $0x7, s12;
	s17 =	sand.u32 $0xF0, s29;
	s16 =	sand.u32 $0x3C00, s28;
	v62 =	vcombine.high v54, v57;
	[tilespmem:s14+$0x0 ss:$0x81] =	vst.msk $0xffff, v63  }
0x1b: {  	s13 =	sadd.s32 s6, s13;
	s16 =	sor.u32 s17, s16;
	s17 =	sand.u32 $0x1FC00, s30;
	v0 =	vcombine.high v60, v58;
	[tilespmem:s14+$0x2850 ss:$0x81] =	vst.msk $0xffff, v59  }
0x1c: {  	s12 =	sshll.u32 s31, $0x12;
	s16 =	sshrl.u32 s16, $0x4;
	s13 =	sadd.s32 s17, s13;
	[tilespmem:s14+$0x3060 ss:$0x81] =	vst.msk $0xffff, v62  }
0x1d: {  	s12 =	sor.u32 $0x200, s12;
	s13 =	sadd.s32 s16, s13;
	[tilespmem:s14+$0x2040 ss:$0x81] =	vst.msk $0xffff, v0  }
0x1e: {  	[hbm4b:s13+s12] =	stream.strided.scatter [tilespmem:s15], [sflag:$0x2], $0x4000, s8, s12, $0x20;
	[tilespmem:$0x10100] =	vst v63  }
.LBB1_5:
0x1f: {  	s14 =	sadd.s32 $0x2, s9  }
0x20: {  	s12 =	sadd.s32 $0x1000, s10;
	s16 =	smov.u32 s10;
	p2 =	sgt.s32 s14, $0x3F  }
0x21: {  	s16 =	smov.u32 @p2 s12  }
0x22: {  	s14 =	simm.s32 @p2 $0x0;
	p2 =	sgt.s32 s16, $0x3FFF  }
0x23: {  	s16 =	smov.u32 @p2 s2;
	p2 =	sne.s32 s11, s7  }
.Ltmp1:
0x24: {  	p1 =	slt.u32 s11, $0x2;
	(pc) =	sbr.rel @!p2 .LBB1_6-.Ltmp1, $4  }
0x25: {  	s15 =	simm.s32 @!p1 $0x2  }
0x26: {  	s13 =	smov.u32 s9;
	p0 =	por !p0, !p0;
	_ =	swait.ge @!p1 [sflag:s15], $0x4000  }
0x27: {  	s12 =	smov.u32 s10;
	[sflag:s15] =	ssyncset.done @!p1 $0x0;
	s9 =	smov.u32 s14  }
0x28: {  	s11 =	sadd.s32 $0x1, s11;
	[sflag:s15] =	ssyncadd.s32 @!p1 $0xFFFFC000;
	s10 =	smov.u32 s16  }
.LBB1_1:
0x29: {  	p1 =	sge.u32 s11, s5  }
0x2a: {  	s14 =	sshll.u32 @!p1 s10, $0x9;
	s15 =	sshll.u32 @!p1 s9, $0x3  }
0x2b: {  	s16 =	sxor.u32 @!p1 $0xFFFFFFFF, s11;
	s15 =	sand.u32 @!p1 $0x1F0, s15;
	s14 =	sadd.s32 @!p1 s3, s14  }
0x2c: {  	s31 =	sadd.s32 $0xFFFFFFFF, s11;
	s14 =	sadd.s32 @!p1 s15, s14;
	s15 =	sshll.u32 @!p1 s16, $0xE  }
0x2d: {  	s17 =	simm.s32 @!p1 $0x1000;
	s16 =	simm.s32 @!p1 $0x80;
	s15 =	sand.u32 @!p1 $0x4000, s15  }
0x2e: {  	[tilespmem:s15], [sflag:$0x1] =	stream.strided.gather @!p1 [hbm4b:s14+s16], $0x4000, s17, s16, $0x38;
	[tilespmem:$0x10100] =	vst v63  }
0x2f: {  	p1 =	sge.u32 s31, s5  }
.Ltmp2:
0x30: {  	_ = 	snop;
	(pc) =	sbr.rel @p1 .LBB1_5-.Ltmp2, $1  }
0x31: {  	_ =	sdelay $0x3  }
0x32: {  	s14 =	simm.s32 $0x1  }
0x33: {  	_ =	swait.ge [sflag:s4], $0x4000;
	s14 =	simm.s32 @!p0 $0x0  }
0x34: {  	[sflag:s4] =	ssyncset.done $0x0;
	s15 =	sshll.u32 s14, $0xE  }
0x35: {  	[sflag:s4] =	ssyncadd.s32 $0xFFFFC000;
	s15 =	sor.u32 $0x40, s15  }
0x36: {  	v0 =	vld [tilespmem:s15+$0x20]  }
0x37: {  	v1 =	vld [tilespmem:s15+$0x30]  }
0x38: {  	v2 =	vld [tilespmem:s15+$0xFFFFFFD0]  }
0x39: {  	v3 =	vld [tilespmem:s15+$0xFFFFFFE0]  }
0x3a: {  	v4 =	vld [tilespmem:s15+$0xFFFFFFF0]  }
0x3b: {  	v5 =	vld [tilespmem:s15+$0x0]  }
0x3c: {  	v6 =	vld [tilespmem:s15+$0x10]  }
0x3d: {  	v7 =	vld [tilespmem:s15+$0xFFFFFFC0]  }
0x3e: {  	s14 =	smul.u32 $0x10200, s14;
	v1 =	vperm.xlane.i2c.b16 v1;
	v0 =	vperm.xlane.i2c.b16 v0  }
0x3f: {  	s15 =	sadd.s32 $0x80, s15;
	v10 =	vperm.xlane.i2c.b16 v2;
	v3 =	vperm.xlane.i2c.b16 v3  }
0x40: {  	s14 =	sshrl.u32 s14, $0x2;
	v9 =	vld [tilespmem:s15+$0x30];
	v4 =	vperm.xlane.i2c.b16 v4;
	v5 =	vperm.xlane.i2c.b16 v5  }
0x41: {  	s14 =	sor.u32 $0x8000, s14;
	v2 =	vld [tilespmem:s15+$0x20];
	v6 =	vperm.xlane.i2c.b16 v6;
	v8 =	vcombine.low v0, v1  }
0x42: {  	v12 =	vld [tilespmem:s15+$0xFFFFFFF0];
	s16 =	sadd.s32 $0x0, s14;
	v13 =	vperm.xlane.i2c.b16 v7;
	v11 =	vcombine.low v3, v4  }
0x43: {  	v0 =	vcombine.high v0, v1;
	v1 =	vld [tilespmem:s15+$0xFFFFFFD0];
	v7 =	vcombine.low v5, v6;
	[tilespmem:s16+$0x1830 ss:$0x81] =	vst.msk $0xffff, v8  }
0x44: {  	v8 =	vld [tilespmem:s15+$0xFFFFFFE0];
	[tilespmem:s16+$0x810 ss:$0x81] =	vst.msk $0xffff, v11  }
0x45: {  	v14 =	vld [tilespmem:s15+$0x0];
	v9 =	vperm.xlane.i2c.b16 v9;
	v5 =	vcombine.high v5, v6;
	[tilespmem:s16+$0x1020 ss:$0x81] =	vst.msk $0xffff, v7  }
0x46: {  	s17 =	sand.u32 $0x1, s11;
	[tilespmem:s16+$0x3870 ss:$0x81] =	vst.msk $0xffff, v0;
	v0 =	vcombine.high v3, v4;
	v3 =	vld [tilespmem:s15+$0x10];
	v2 =	vperm.xlane.i2c.b16 v2  }
0x47: {  	s18 =	smul.u32 $0x10200, s17;
	s17 =	sadd.s32 $0x80, s15;
	v11 =	vcombine.low v13, v10;
	v7 =	vperm.xlane.i2c.b16 v12;
	v4 =	vld [tilespmem:s15+$0xFFFFFFC0];
	[tilespmem:s16+$0x3060 ss:$0x81] =	vst.msk $0xffff, v5  }
0x48: {  	v5 =	vld [tilespmem:s17+$0x30];
	[tilespmem:s16+$0x2850 ss:$0x81] =	vst.msk $0xffff, v0;
	v0 =	vperm.xlane.i2c.b16 v1;
	v15 =	vcombine.low v2, v9  }
0x49: {  	s31 =	sshrl.u32 s18, $0x2;
	s19 =	sadd.s32 $0x1, s14;
	[tilespmem:s16+$0x0 ss:$0x81] =	vst.msk $0xffff, v11;
	v1 =	vld [tilespmem:s17+$0x20];
	v9 =	vcombine.high v2, v9;
	v6 =	vperm.xlane.i2c.b16 v8  }
0x4a: {  	s20 =	simm.s32 $0xC;
	s18 =	simm.s32 $0x8;
	v10 =	vcombine.high v13, v10;
	s15 =	sor.u32 $0x8000, s31;
	v2 =	vld [tilespmem:s17+$0xFFFFFFD0];
	v8 =	vperm.xlane.i2c.b16 v14;
	[tilespmem:s19+$0x1830 ss:$0x81] =	vst.msk $0xffff, v15  }
.LBB1_3:
0x4b: {  	p1 =	sne.s32 s20, $0x1FC;
	v11 =	vld [tilespmem:s17+$0xFFFFFFE0];
	v12 =	vcombine.low v6, v7;
	v3 =	vperm.xlane.i2c.b16 v3;
	[tilespmem:s19+$0x3870 ss:$0x81] =	vst.msk $0xffff, v9  }
0x4c: {  	v13 =	vperm.xlane.i2c.b16 v4;
	v4 =	vcombine.high v6, v7;
	v9 =	vld [tilespmem:s17+$0xFFFFFFF0];
	[tilespmem:s16+$0x2040 ss:$0x81] =	vst.msk $0xffff, v10;
	s16 =	smov.u32 s19  }
0x4d: {  	v10 =	vld [tilespmem:s17+$0x0];
	[tilespmem:s16+$0x810 ss:$0x81] =	vst.msk $0xffff, v12;
	v6 =	vcombine.low v8, v3;
	v7 =	vcombine.high v8, v3  }
.Ltmp3:
0x4e: {  	v8 =	vperm.xlane.i2c.b16 v5;
	v12 =	vperm.xlane.i2c.b16 v1;
	v3 =	vld [tilespmem:s17+$0x10];
	[tilespmem:s16+$0x2850 ss:$0x81] =	vst.msk $0xffff, v4;
	(pc) =	sbr.rel @p1 .LBB1_3-.Ltmp3, $4  }
0x4f: {  	v14 =	vperm.xlane.i2c.b16 v2;
	v2 =	vcombine.low v13, v0;
	v4 =	vld [tilespmem:s17+$0xFFFFFFC0];
	s17 =	sadd.s32 $0x80, s17;
	[tilespmem:s16+$0x1020 ss:$0x81] =	vst.msk $0xffff, v6  }
0x50: {  	s19 =	sshra.s32 s18, $0x2;
	s18 =	smov.u32 s20;
	v1 =	vld [tilespmem:s17+$0x20];
	v6 =	vperm.xlane.i2c.b16 v11;
	v11 =	vcombine.low v12, v8;
	[tilespmem:s16+$0x3060 ss:$0x81] =	vst.msk $0xffff, v7  }
0x51: {  	s19 =	sadd.s32 s19, s14;
	v5 =	vld [tilespmem:s17+$0x30];
	v7 =	vperm.xlane.i2c.b16 v9;
	v9 =	vcombine.high v12, v8;
	[tilespmem:s16+$0x0 ss:$0x81] =	vst.msk $0xffff, v2  }
0x52: {  	s20 =	sadd.s32 $0x4, s20;
	v2 =	vld [tilespmem:s17+$0xFFFFFFD0];
	v8 =	vperm.xlane.i2c.b16 v10;
	[tilespmem:s19+$0x1830 ss:$0x81] =	vst.msk $0xffff, v11;
	v10 =	vcombine.high v13, v0;
	v0 =	vmov v14  }
.Ltmp4:
0x53: {  	_ = 	snop;
	(pc) =	sbr.rel .LBB1_4-.Ltmp4, $1  }
0x54: {  	_ =	sdelay $0x3  }
.LBB1_6:
0x55: {  	_ =	sfence.sel $0x180000  }
0x56: {  	s2 =	simm.s32 $0x1;
	[bflag:$0x0] =	sbarrier.arrive $0xFFFF  }
0x57: {  	s31 =	simm.s32 $0x2;
	[sflag:s2] =	ssyncpa.u1 $0x1  }
0x58: {  	[sflag:s31] =	ssyncpa.u1 $0x1  }
0x59: {  	p0 =	sne.s32 s0, $0x0;
	_ =	strace $0x90000053  }
0x5a: {  	s0 =	sadd.s32 @!p0 $0x100000, s1;
	[bflag:$0x2] =	sbarrier.arrive $0xFFFF  }
0x5b: {  	[sflag:s0] =	ssyncadd.tile.s32 @!p0 $0x1;
	_ =	shalt  }
.Lfunc_end1:
_tile_overlayer_lowered:
.L_overlay_start_2:
0x5c: {  	(tag) =	ssettag $0x2  }
0x5d: {  	s0 =	rddreg [dreg:$0x0];
	s2 =	stileid.u32  }
0x5e: {  	s1 =	rddreg [dreg:$0x1];
	p0 =	sne.s32 s2, $0x0  }
0x5f: {  	s3 =	rddreg [dreg:$0x2];
	[bflag:$0x3] =	sbarrier.arrive $0xFFFF;
	s2 =	simm.s32 @!p0 $0x1C01  }
0x60: {  	[timem:s3], [sflag:s2] =	dma.local @!p0 [hbm:s0], s1  }
0x61: {  	s0 =	simm.s32 @!p0 $0x1  }
0x62: {  	_ =	swait.ge @!p0 [sflag:s0], s1  }
0x63: {  	s1 =	ssub.s32 @!p0 $0x0, s1;
	[sflag:s0] =	ssyncset.done @!p0 $0x0  }
0x64: {  	[sflag:s0] =	ssyncadd.s32 @!p0 s1  }
0x65: {  	[bflag:$0x3] =	sbarrier.arrive $0xFFFF  }
0x66: {  	_ =	shalt  }

// kernel: sparse-core-data-format-call.2.cloned.1.call-start
scs
called_computation.2_lowered:
.L_overlay_start_0:
0x0: {  	s2 =	sld [smem:$0x3FD9]  }
0x1: {  	s3 =	sld [smem:$0x3FFE];
	_ =	sdelay $0x1  }
0x2: {  	s1 =	srdreg.scid  }
0x3: {  	s0 =	sand.u32 $0x1, s1  }
0x4: {  	s18 =	sshll.u32 s0, $0xA;
	s2 =	sadd.s32 s3, s2  }
0x5: {  	s2 =	sadd.s32 s2, s18  }
0x6: {  	[smem:$0x3FBA] =	sst s2  }
0x7: {  	_ = 	snop  }
0x8: {  	(tm) =	ssettm $0x1  }
0x9: {  	s19 =	sld [smem:$0x3FFB];
	_ =	sdelay $0x3  }
0xa: {  	_ =	strace s19  }
0xb: {  	s2 =	sld [smem:$0x3FFC];
	_ =	sdelay $0x3  }
0xc: {  	_ =	strace s2  }
0xd: {  	s2 =	sld [smem:$0x3FFD];
	_ =	sdelay $0x3  }
0xe: {  	_ =	strace s2  }
0xf: {  	_ =	strace $0x8FFFFFFF  }
0x10: {  	s20 =	sld [smem:$0x3FDB];
	_ =	sdelay $0x1  }
0x11: {  	s21 =	simm.s32 $_scs_section_size  }
0x12: {  	s4 =	simm.s32 $_size__tile_overlayer_lowered;
	s5 =	simm.s32 $_tile_overlayer_lowered  }
0x13: {  	s6 =	simm.s32 $0x1BFF;
	s22 =	sshll.u32 s5, $0x1;
	s3 =	sadd.s32 s21, s20  }
0x14: {  	s23 =	simm.s32 $0x0;
	s4 =	sshll.u32 s4, $0x1;
	s5 =	sadd.s32 s22, s3  }
0x15: {  	[timem:s23], [sflag:s6] =	dma.local [hbm:s5], s4  }
0x16: {  	_ =	swait.ge [sflag:s6], s4  }
0x17: {  	s4 =	ssub.s32 $0x0, s4;
	[sflag:s6] =	ssyncset.done $0x0  }
0x18: {  	[sflag:s6] =	ssyncadd.s32 s4;
	_ =	sdelay $0x1  }
0x19: {  	s24 =	simm.s32 $0x1B8B  }
0x1a: {  	_ =	swait.ge [sflag:s24], $0x1  }
0x1b: {  	[sflag:s24] =	ssyncset.done $0x0  }
0x1c: {  	[sflag:s24] =	ssyncadd.s32 $0xFFFFFFFF  }
0x1d: {  	s4 =	sld [smem:$0x0]  }
0x1e: {  	s5 =	sand.u32 $0xFFFFFFFE, s1  }
0x1f: {  	p0 =	sne.s32 s1, s5  }
0x20: {  	s5 =	sshll.u32 @p0 s5, $0xE  }
0x21: {  	s5 =	sadd.s32 @p0 $0x11B8D, s5;
	s6 =	sshll.u32 @p0 s4, $0x11  }
0x22: {  	s5 =	sor.u32 @p0 s6, s5  }
0x23: {  	[sflag:s5] =	ssyncadd.remote.s32 @p0 $0x1;
	_ =	sdelay $0x1  }
0x24: {  	s5 =	simm.s32 @p0 $0x1B8D  }
0x25: {  	_ =	swait.eq @p0 [sflag:s5], $0x1  }
0x26: {  	[sflag:s5] =	ssyncadd.s32 @p0 $0xFFFFFFFF  }
0x27: {  	s6 =	sshll.u32 @!p0 s1, $0xE  }
0x28: {  	s6 =	sor.u32 @!p0 $0x4000, s6;
	s5 =	simm.s32 @!p0 $0x1B8D  }
0x29: {  	s4 =	sshll.u32 @!p0 s4, $0x11;
	s6 =	sadd.s32 @!p0 $0x11B8D, s6;
	_ =	swait.eq @!p0 [sflag:s5], $0x1  }
0x2a: {  	s4 =	sor.u32 @!p0 s4, s6;
	[sflag:s5] =	ssyncadd.s32 @!p0 $0xFFFFFFFF  }
0x2b: {  	s26 =	simm.s32 $0x1B8E;
	s25 =	sld [smem:$0x3FFE];
	[sflag:s4] =	ssyncadd.remote.s32 @!p0 $0x1  }
0x2c: {  	s27 =	simm.s32 $execute0_lowered;
	[smem:$0x3FD2] =	sst s26  }
0x2d: {  	s5 =	sshll.u32 s27, $0x1;
	_ =	strace $0x8000004F;
	[dreg:$0x1] =	wrdreg $0xFFFFFFFF  }
0x2e: {  	s28 =	simm.s32 $_size_execute0_lowered;
	s3 =	sadd.s32 s3, s5;
	[dreg:$0x0] =	wrdreg $0x0  }
0x2f: {  	s5 =	sshll.u32 s28, $0x1;
	[dreg:$0x2] =	wrdreg s3  }
0x30: {  	[dreg:$0x3] =	wrdreg s5  }
0x31: {  	[dreg:$0x4] =	wrdreg $0xC0  }
0x32: {  	_ =	task [dreg:s23], $0x5FFFF  }
0x33: {  	[dreg:$0x1] =	wrdreg $0xFFFFFFFF  }
0x34: {  	[dreg:$0x0] =	wrdreg $0x60  }
0x35: {  	[dreg:$0x2] =	wrdreg s25  }
0x36: {  	[dreg:$0x3] =	wrdreg $0x9  }
0x37: {  	_ =	task.clear_ibuf [dreg:s23], $0x4FFFF;
	_ =	strace $0x9000004F  }
0x38: {  	s29 =	simm.s32 $0x9;
	_ =	strace $0x80000051  }
0x39: {  	_ =	swait.ge [sflag:s29], $0x1  }
0x3a: {  	[sflag:s29] =	ssyncadd.s32 $0xFFFFFFFF  }
0x3b: {  	_ =	strace $0x90000051  }
0x3c: {  	_ =	sfence  }
0x3d: {  	s30 =	sld [smem:$0x0];
	_ =	sdelay $0x2  }
0x3e: {  	s31 =	sshll.u32 s1, $0xD;
	s1 =	sshrl.u32 s1, $0x2  }
0x3f: {  	s4 =	sand.u32 $0x4000, s31;
	s1 =	sadd.s32 s1, s30  }
0x40: {  	s0 =	sor.u32 s4, s0;
	s1 =	sshll.u32 s1, $0x11  }
0x41: {  	s0 =	sor.u32 s1, s0  }
0x42: {  	s0 =	sadd.s32 $0x8F2B, s0  }
0x43: {  	[sflag:s0] =	ssyncadd.remote.s32 $0x1  }
0x44: {  	_ =	sfence.sel $0xFFFF  }
0x45: {  	[dreg:$0x0] =	wrdreg $0xFFFFFFFF;
	(pc) =	sbr.abs _section_cstart, $3  }
0x46: {  	[dreg:$0x1] =	wrdreg $0xFFFFFFFF  }
0x47: {  	_ =	task.clear_ibuf [dreg:s23], $0x2FFFF;
	_ =	strace $0x9FFFFFFF  }
0x48: {  	(tm) =	ssettm $0x7FFFFFFF  }
0x49: {  	_ =	shalt  }
tec
execute0_lowered:
.L_overlay_start_1:
0x0: {  	(tag) =	ssettag $0x1  }
0x1: {  	s0 =	srdreg.scid  }
0x2: {  	s1 =	sshll.u32 s0, $0x4  }
0x3: {  	s6 =	rddreg [dreg:$0x0];
	s0 =	stileid.u32;
	s1 =	sand.u32 $0x10, s1  }
0x4: {  	s5 =	simm.s32 $0x1;
	s31 =	simm.s32 $0x2;
	s1 =	sor.u32 s0, s1  }
0x5: {  	s13 =	simm.s32 $0x0;
	s8 =	simm.s32 $0x20000;
	s2 =	sshll.u32 s1, $0x7  }
0x6: {  	s12 =	simm.s32 $0x0;
	s9 =	simm.s32 $0x0;
	s3 =	ssub.s32 $0x8000, s2  }
0x7: {  	s11 =	simm.s32 $0x0;
	s1 =	rddreg [dreg:$0x1];
	s4 =	sand.u32 $0xF80, s3  }
.Ltmp0:
0x8: {  	_ =	strace $0x80000050;
	p0 =	sne.s32 s4, $0x0;
	(pc) =	sbr.rel .LBB1_1-.Ltmp0, $4  }
0x9: {  	s10 =	smov.u32 s2;
	s7 =	sshrl.u32 s3, $0xC;
	s5 =	simm.s32 @!p0 $0x0  }
0xa: {  	s3 =	sadd.s32 $0x1410E00, s6;
	s4 =	simm.s32 $0x1;
	s5 =	sadd.s32 s5, s7  }
0xb: {  	s6 =	sadd.s32 $0x318E00, s6;
	[sflag:s4] =	ssyncpa.u1 $0x0;
	s5 =	sshll.u32 s5, $0x4  }
0xc: {  	p0 =	por $0x0, $0x0;
	[sflag:s31] =	ssyncpa.u1 $0x0;
	s7 =	sor.u32 $0x1, s5  }
.LBB1_4:
0xd: {  	v1 =	vperm.xlane.i2c.b16 v1;
	v0 =	vperm.xlane.i2c.b16 v0  }
0xe: {  	v2 =	vperm.xlane.i2c.b16 v2;
	v3 =	vperm.xlane.i2c.b16 v3  }
0xf: {  	[tilespmem:s16+$0x0 ss:$0x81] =	vst.msk $0xffff, v5;
	s17 =	sshra.s32 s17, $0x2;
	s18 =	sshll.u32 s12, $0x3;
	s19 =	sshll.u32 s12, $0x1;
	v62 =	vcombine.low v0, v1  }
0x10: {  	s13 =	sshll.u32 s13, $0x11;
	s30 =	sshrl.u32 s12, $0x1;
	[tilespmem:s16+$0x1020 ss:$0x81] =	vst.msk $0xffff, v4;
	s15 =	sadd.s32 s17, s15;
	v63 =	vcombine.low v3, v2  }
0x11: {  	s31 =	sand.u32 $0x7, s12;
	s28 =	sand.u32 $0xF0, s19;
	s29 =	sand.u32 $0x7C00, s18;
	v0 =	vcombine.high v0, v1;
	[tilespmem:s15+$0x810 ss:$0x81] =	vst.msk $0xffff, v62  }
0x12: {  	s17 =	sand.u32 $0x1F800, s30;
	s13 =	sadd.s32 s6, s13;
	s16 =	sor.u32 s28, s29;
	v2 =	vcombine.high v3, v2;
	[tilespmem:s15+$0x0 ss:$0x81] =	vst.msk $0xffff, v63  }
0x13: {  	s12 =	sshll.u32 s31, $0x12;
	s13 =	sadd.s32 s17, s13;
	s16 =	sshrl.u32 s16, $0x4;
	[tilespmem:s15+$0x1830 ss:$0x81] =	vst.msk $0xffff, v0  }
0x14: {  	s12 =	sor.u32 $0x200, s12;
	s13 =	sadd.s32 s16, s13;
	[tilespmem:s15+$0x1020 ss:$0x81] =	vst.msk $0xffff, v2  }
0x15: {  	[hbm4b:s13+s12] =	stream.strided.scatter [tilespmem:s14], [sflag:$0x2], $0x2000, s8, s12, $0x20;
	[tilespmem:$0x8080] =	vst v63  }
.LBB1_5:
0x16: {  	s14 =	sadd.s32 $0x2, s9  }
0x17: {  	s12 =	sadd.s32 $0x1000, s10;
	s16 =	smov.u32 s10;
	p2 =	sgt.s32 s14, $0x1F  }
0x18: {  	s16 =	smov.u32 @p2 s12  }
0x19: {  	s14 =	simm.s32 @p2 $0x0;
	p2 =	sgt.s32 s16, $0x7FFF  }
0x1a: {  	s16 =	smov.u32 @p2 s2;
	p2 =	sne.s32 s11, s7  }
.Ltmp1:
0x1b: {  	p1 =	slt.u32 s11, $0x2;
	(pc) =	sbr.rel @!p2 .LBB1_6-.Ltmp1, $4  }
0x1c: {  	s15 =	simm.s32 @!p1 $0x2  }
0x1d: {  	s13 =	smov.u32 s9;
	p0 =	por !p0, !p0;
	_ =	swait.ge @!p1 [sflag:s15], $0x2000  }
0x1e: {  	s12 =	smov.u32 s10;
	[sflag:s15] =	ssyncset.done @!p1 $0x0;
	s9 =	smov.u32 s14  }
0x1f: {  	s11 =	sadd.s32 $0x1, s11;
	[sflag:s15] =	ssyncadd.s32 @!p1 $0xFFFFE000;
	s10 =	smov.u32 s16  }
.LBB1_1:
0x20: {  	p1 =	sge.u32 s11, s5  }
0x21: {  	s14 =	sshll.u32 @!p1 s10, $0x8;
	s15 =	sshll.u32 @!p1 s9, $0x3  }
0x22: {  	s16 =	sxor.u32 @!p1 $0xFFFFFFFF, s11;
	s15 =	sand.u32 @!p1 $0xF0, s15;
	s14 =	sadd.s32 @!p1 s3, s14  }
0x23: {  	s31 =	sadd.s32 $0xFFFFFFFF, s11;
	s14 =	sadd.s32 @!p1 s15, s14;
	s15 =	sshll.u32 @!p1 s16, $0xD  }
0x24: {  	s17 =	simm.s32 @!p1 $0x800;
	s16 =	simm.s32 @!p1 $0x40;
	s15 =	sand.u32 @!p1 $0x2000, s15  }
0x25: {  	[tilespmem:s15], [sflag:$0x1] =	stream.strided.gather @!p1 [hbm4b:s14+s16], $0x2000, s17, s16, $0x38;
	[tilespmem:$0x8080] =	vst v63  }
0x26: {  	p1 =	sge.u32 s31, s5  }
.Ltmp2:
0x27: {  	_ = 	snop;
	(pc) =	sbr.rel @p1 .LBB1_5-.Ltmp2, $1  }
0x28: {  	_ =	sdelay $0x3  }
0x29: {  	s14 =	simm.s32 $0x1  }
0x2a: {  	_ =	swait.ge [sflag:s4], $0x2000;
	s14 =	simm.s32 @!p0 $0x0  }
0x2b: {  	[sflag:s4] =	ssyncset.done $0x0;
	s15 =	sshll.u32 s14, $0xD  }
0x2c: {  	[sflag:s4] =	ssyncadd.s32 $0xFFFFE000;
	s15 =	sor.u32 $0x20, s15  }
0x2d: {  	v0 =	vld [tilespmem:s15+$0x0]  }
0x2e: {  	v1 =	vld [tilespmem:s15+$0x10]  }
0x2f: {  	v2 =	vld [tilespmem:s15+$0xFFFFFFF0]  }
0x30: {  	v3 =	vld [tilespmem:s15+$0xFFFFFFE0];
	_ =	sdelay $0x1  }
0x31: {  	s14 =	smul.u32 $0x8100, s14;
	s19 =	sadd.s32 $0x40, s15  }
0x32: {  	s16 =	sand.u32 $0x1, s11;
	v4 =	vperm.xlane.i2c.b16 v1;
	v5 =	vperm.xlane.i2c.b16 v0;
	v0 =	vld [tilespmem:s19+$0x0]  }
0x33: {  	s16 =	smul.u32 $0x8100, s16;
	s14 =	sshrl.u32 s14, $0x2;
	v6 =	vperm.xlane.i2c.b16 v2;
	v1 =	vld [tilespmem:s19+$0x10]  }
0x34: {  	s15 =	sor.u32 $0x4000, s14;
	v8 =	vperm.xlane.i2c.b16 v3;
	v2 =	vld [tilespmem:s19+$0xFFFFFFF0];
	v7 =	vcombine.low v5, v4  }
0x35: {  	s31 =	sshrl.u32 s16, $0x2;
	s16 =	sadd.s32 $0x0, s15;
	v3 =	vld [tilespmem:s19+$0xFFFFFFE0];
	v9 =	vcombine.high v5, v4  }
0x36: {  	s17 =	simm.s32 $0x4;
	v5 =	vcombine.low v8, v6;
	[tilespmem:s16+$0x810 ss:$0x81] =	vst.msk $0xffff, v7  }
0x37: {  	s18 =	simm.s32 $0x8;
	s14 =	sor.u32 $0x4000, s31;
	s19 =	sadd.s32 $0x40, s19;
	v4 =	vcombine.high v8, v6;
	[tilespmem:s16+$0x1830 ss:$0x81] =	vst.msk $0xffff, v9  }
.LBB1_3:
0x38: {  	v6 =	vperm.xlane.i2c.b16 v1;
	v7 =	vperm.xlane.i2c.b16 v0;
	v0 =	vld [tilespmem:s19+$0x0];
	[tilespmem:s16+$0x0 ss:$0x81] =	vst.msk $0xffff, v5;
	s20 =	smov.u32 s18;
	p1 =	sne.s32 s18, $0x1FC  }
.Ltmp3:
0x39: {  	v8 =	vperm.xlane.i2c.b16 v2;
	v1 =	vld [tilespmem:s19+$0x10];
	[tilespmem:s16+$0x1020 ss:$0x81] =	vst.msk $0xffff, v4;
	(pc) =	sbr.rel @p1 .LBB1_3-.Ltmp3, $4  }
0x3a: {  	s18 =	sadd.s32 $0x4, s18;
	v4 =	vperm.xlane.i2c.b16 v3;
	s16 =	sshra.s32 s17, $0x2;
	v2 =	vld [tilespmem:s19+$0xFFFFFFF0];
	v9 =	vcombine.low v7, v6  }
0x3b: {  	s17 =	smov.u32 s20;
	s16 =	sadd.s32 s16, s15;
	v6 =	vcombine.high v7, v6;
	v3 =	vld [tilespmem:s19+$0xFFFFFFE0]  }
0x3c: {  	v5 =	vcombine.low v4, v8;
	v4 =	vcombine.high v4, v8;
	[tilespmem:s16+$0x810 ss:$0x81] =	vst.msk $0xffff, v9  }
0x3d: {  	s19 =	sadd.s32 $0x40, s19;
	[tilespmem:s16+$0x1830 ss:$0x81] =	vst.msk $0xffff, v6  }
.Ltmp4:
0x3e: {  	_ = 	snop;
	(pc) =	sbr.rel .LBB1_4-.Ltmp4, $1  }
0x3f: {  	_ =	sdelay $0x3  }
.LBB1_6:
0x40: {  	_ =	sfence.sel $0x180000  }
0x41: {  	s2 =	simm.s32 $0x1;
	[bflag:$0x0] =	sbarrier.arrive $0xFFFF  }
0x42: {  	s31 =	simm.s32 $0x2;
	[sflag:s2] =	ssyncpa.u1 $0x1  }
0x43: {  	[sflag:s31] =	ssyncpa.u1 $0x1  }
0x44: {  	p0 =	sne.s32 s0, $0x0;
	_ =	strace $0x90000050  }
0x45: {  	s0 =	sadd.s32 @!p0 $0x100000, s1;
	[bflag:$0x2] =	sbarrier.arrive $0xFFFF  }
0x46: {  	[sflag:s0] =	ssyncadd.tile.s32 @!p0 $0x1;
	_ =	shalt  }
.Lfunc_end1:
_tile_overlayer_lowered:
.L_overlay_start_2:
0x47: {  	(tag) =	ssettag $0x2  }
0x48: {  	s0 =	rddreg [dreg:$0x0];
	s2 =	stileid.u32  }
0x49: {  	s1 =	rddreg [dreg:$0x1];
	p0 =	sne.s32 s2, $0x0  }
0x4a: {  	s3 =	rddreg [dreg:$0x2];
	[bflag:$0x3] =	sbarrier.arrive $0xFFFF;
	s2 =	simm.s32 @!p0 $0x1C01  }
0x4b: {  	[timem:s3], [sflag:s2] =	dma.local @!p0 [hbm:s0], s1  }
0x4c: {  	s0 =	simm.s32 @!p0 $0x1  }
0x4d: {  	_ =	swait.ge @!p0 [sflag:s0], s1  }
0x4e: {  	s1 =	ssub.s32 @!p0 $0x0, s1;
	[sflag:s0] =	ssyncset.done @!p0 $0x0  }
0x4f: {  	[sflag:s0] =	ssyncadd.s32 @!p0 s1  }
0x50: {  	[bflag:$0x3] =	sbarrier.arrive $0xFFFF  }
0x51: {  	_ =	shalt  }

// kernel: sparse-core-data-format-call.cloned.1.call-start
scs
called_computation_lowered:
.L_overlay_start_0:
0x0: {  	s1 =	sld [smem:$0x3FD9]  }
0x1: {  	s2 =	sld [smem:$0x3FFE];
	_ =	sdelay $0x1  }
0x2: {  	s3 =	srdreg.scid  }
0x3: {  	s0 =	sand.u32 $0x1, s3  }
0x4: {  	s17 =	sshll.u32 s0, $0xA;
	s1 =	sadd.s32 s2, s1  }
0x5: {  	s1 =	sadd.s32 s1, s17  }
0x6: {  	[smem:$0x3FBA] =	sst s1  }
0x7: {  	_ = 	snop  }
0x8: {  	(tm) =	ssettm $0x1  }
0x9: {  	s18 =	sld [smem:$0x3FFB];
	_ =	sdelay $0x3  }
0xa: {  	_ =	strace s18  }
0xb: {  	s1 =	sld [smem:$0x3FFC];
	_ =	sdelay $0x3  }
0xc: {  	_ =	strace s1  }
0xd: {  	s1 =	sld [smem:$0x3FFD];
	_ =	sdelay $0x3  }
0xe: {  	_ =	strace s1  }
0xf: {  	_ =	strace $0x8FFFFFFF  }
0x10: {  	s19 =	sld [smem:$0x3FDB];
	_ =	sdelay $0x1  }
0x11: {  	s20 =	simm.s32 $_scs_section_size  }
0x12: {  	s4 =	simm.s32 $_size__tile_overlayer_lowered;
	s5 =	simm.s32 $_tile_overlayer_lowered  }
0x13: {  	s23 =	simm.s32 $0x1BFF;
	s22 =	sshll.u32 s5, $0x1;
	s1 =	sadd.s32 s20, s19  }
0x14: {  	s6 =	simm.s32 $0x0;
	s21 =	sshll.u32 s4, $0x1;
	s4 =	sadd.s32 s22, s1  }
0x15: {  	[timem:s6], [sflag:s23] =	dma.local [hbm:s4], s21  }
0x16: {  	_ =	swait.ge [sflag:s23], s21  }
0x17: {  	s2 =	ssub.s32 $0x0, s21;
	[sflag:s23] =	ssyncset.done $0x0  }
0x18: {  	[sflag:s23] =	ssyncadd.s32 s2;
	_ =	sdelay $0x1  }
0x19: {  	s24 =	simm.s32 $0x1B8B  }
0x1a: {  	_ =	swait.ge [sflag:s24], $0x1  }
0x1b: {  	[sflag:s24] =	ssyncset.done $0x0  }
0x1c: {  	s26 =	simm.s32 $0x1B8E;
	s25 =	sld [smem:$0x3FFE];
	[sflag:s24] =	ssyncadd.s32 $0xFFFFFFFF  }
0x1d: {  	s27 =	simm.s32 $execute0_lowered;
	[smem:$0x3FD2] =	sst s26  }
0x1e: {  	s4 =	sshll.u32 s27, $0x1;
	_ =	strace $0x80000055;
	[dreg:$0x1] =	wrdreg $0xFFFFFFFF  }
0x1f: {  	s28 =	simm.s32 $_size_execute0_lowered;
	s1 =	sadd.s32 s1, s4;
	[dreg:$0x0] =	wrdreg $0x0  }
0x20: {  	s4 =	sshll.u32 s28, $0x1;
	[dreg:$0x2] =	wrdreg s1  }
0x21: {  	[dreg:$0x3] =	wrdreg s4  }
0x22: {  	[dreg:$0x4] =	wrdreg $0xC0  }
0x23: {  	_ =	task [dreg:s6], $0x5FFFF  }
0x24: {  	[dreg:$0x1] =	wrdreg $0xFFFFFFFF  }
0x25: {  	[dreg:$0x0] =	wrdreg $0x60  }
0x26: {  	[dreg:$0x2] =	wrdreg s25  }
0x27: {  	[dreg:$0x3] =	wrdreg $0x9  }
0x28: {  	_ =	task.clear_ibuf [dreg:s6], $0x4FFFF;
	_ =	strace $0x90000055  }
0x29: {  	s29 =	simm.s32 $0x9;
	_ =	strace $0x80000057  }
0x2a: {  	_ =	swait.ge [sflag:s29], $0x1  }
0x2b: {  	[sflag:s29] =	ssyncadd.s32 $0xFFFFFFFF  }
0x2c: {  	_ =	strace $0x90000057  }
0x2d: {  	_ =	sfence  }
0x2e: {  	s30 =	sld [smem:$0x0];
	_ =	sdelay $0x2  }
0x2f: {  	s31 =	sshll.u32 s3, $0xD;
	s3 =	sshrl.u32 s3, $0x2  }
0x30: {  	s2 =	sand.u32 $0x4000, s31;
	s1 =	sadd.s32 s3, s30  }
0x31: {  	s0 =	sor.u32 s2, s0;
	s1 =	sshll.u32 s1, $0x11  }
0x32: {  	s0 =	sor.u32 s1, s0  }
0x33: {  	s0 =	sadd.s32 $0x8F2B, s0  }
0x34: {  	[sflag:s0] =	ssyncadd.remote.s32 $0x1  }
0x35: {  	_ =	sfence.sel $0xFFFF  }
0x36: {  	[dreg:$0x0] =	wrdreg $0xFFFFFFFF;
	(pc) =	sbr.abs _section_cstart, $3  }
0x37: {  	[dreg:$0x1] =	wrdreg $0xFFFFFFFF  }
0x38: {  	_ =	task.clear_ibuf [dreg:s6], $0x2FFFF;
	_ =	strace $0x9FFFFFFF  }
0x39: {  	(tm) =	ssettm $0x7FFFFFFF  }
tec
execute0_lowered:
.L_overlay_start_1:
0x0: {  	(tag) =	ssettag $0x1  }
0x1: {  	s0 =	srdreg.scid;
	s7 =	rddreg [dreg:$0x0]  }
0x2: {  	s8 =	simm.s32 $0x1;
	s9 =	simm.s32 $0x2;
	s1 =	sshll.u32 s0, $0x4  }
0x3: {  	s16 =	simm.s32 $0x0;
	s0 =	stileid.u32;
	s1 =	sand.u32 $0x10, s1  }
0x4: {  	s15 =	simm.s32 $0x0;
	s14 =	simm.s32 $0x0;
	s2 =	sor.u32 s0, s1  }
0x5: {  	s10 =	simm.s32 $0x0;
	s3 =	sadd.s32 $0x310E00, s7;
	s2 =	sshll.u32 s2, $0x7  }
0x6: {  	s11 =	simm.s32 $0x0;
	s4 =	sadd.s32 $0xB10E00, s7;
	s6 =	ssub.s32 $0x2000, s2  }
0x7: {  	s13 =	simm.s32 $0x0;
	s7 =	sadd.s32 $0xB30E00, s7;
	s5 =	sand.u32 $0xF80, s6  }
.Ltmp0:
0x8: {  	s1 =	rddreg [dreg:$0x1];
	p0 =	sne.s32 s5, $0x0;
	(pc) =	sbr.rel .LBB1_1-.Ltmp0, $4  }
0x9: {  	_ =	strace $0x80000056;
	s6 =	sshrl.u32 s6, $0xC;
	s8 =	simm.s32 @!p0 $0x0  }
0xa: {  	s12 =	smov.u32 s2;
	s5 =	simm.s32 $0x1;
	s6 =	sadd.s32 s8, s6  }
0xb: {  	[sflag:s5] =	ssyncpa.u1 $0x0;
	p0 =	por $0x0, $0x0;
	s6 =	sshll.u32 s6, $0x6  }
0xc: {  	[sflag:s9] =	ssyncpa.u1 $0x0;
	s9 =	simm.s32 $0x8000;
	s8 =	sor.u32 $0x1, s6  }
.LBB1_4:
0xd: {  	v11 =	vld [tilespmem:s21+$0xFFFFFFE0];
	v12 =	vcombine.low v6, v7  }
0xe: {  	v3 =	vperm.xlane.i2c.b16 v3;
	[tilespmem:s22+$0x3870 ss:$0x81] =	vst.msk $0xffff, v9;
	v45 =	vld [tilespmem:s21+$0xFFFFFFF0];
	v4 =	vperm.xlane.i2c.b16 v4  }
0xf: {  	v46 =	vcombine.high v6, v7;
	[tilespmem:s20+$0x2040 ss:$0x81] =	vst.msk $0xffff, v10;
	v47 =	vld [tilespmem:s21+$0x0];
	v5 =	vperm.xlane.i2c.b16 v5  }
0x10: {  	v49 =	vld [tilespmem:s21+$0x10];
	v1 =	vperm.xlane.i2c.b16 v1;
	[tilespmem:s22+$0x810 ss:$0x81] =	vst.msk $0xffff, v12;
	v48 =	vcombine.low v8, v3  }
0x11: {  	v51 =	vld [tilespmem:s21+$0xFFFFFFC0];
	v58 =	vperm.xlane.i2c.b16 v2;
	v50 =	vcombine.low v4, v0;
	[tilespmem:s22+$0x2850 ss:$0x81] =	vst.msk $0xffff, v46  }
0x12: {  	s21 =	sshra.s32 s23, $0x2;
	v3 =	vcombine.high v8, v3;
	v52 =	vcombine.low v1, v5;
	[tilespmem:s22+$0x1020 ss:$0x81] =	vst.msk $0xffff, v48  }
0x13: {  	s19 =	sadd.s32 s21, s19;
	v1 =	vcombine.high v1, v5;
	v55 =	vcombine.high v4, v0;
	[tilespmem:s22+$0x0 ss:$0x81] =	vst.msk $0xffff, v50  }
0x14: {  	[tilespmem:s19+$0x1830 ss:$0x81] =	vst.msk $0xffff, v52;
	v11 =	vperm.xlane.i2c.b16 v11;
	v53 =	vperm.xlane.i2c.b16 v45  }
0x15: {  	[tilespmem:s22+$0x3060 ss:$0x81] =	vst.msk $0xffff, v3;
	v54 =	vperm.xlane.i2c.b16 v47;
	v57 =	vperm.xlane.i2c.b16 v49  }
0x16: {  	s23 =	sshll.u32 s16, $0xD;
	s24 =	sshll.u32 s14, $0x3;
	s26 =	sshll.u32 s14, $0x1;
	[tilespmem:s19+$0x3870 ss:$0x81] =	vst.msk $0xffff, v1;
	v60 =	vperm.xlane.i2c.b16 v51;
	v56 =	vcombine.low v11, v53  }
0x17: {  	s27 =	sshll.u32 s16, $0x7;
	s15 =	sshll.u32 s15, $0x11;
	s20 =	sand.u32 $0x1F0000, s23;
	[tilespmem:s22+$0x2040 ss:$0x81] =	vst.msk $0xffff, v55;
	v61 =	vcombine.low v54, v57  }
0x18: {  	s25 =	sand.u32 $0x1FFC00, s24;
	s23 =	sand.u32 $0xF0, s26;
	s21 =	sand.u32 $0x1C00, s24;
	v63 =	vcombine.low v60, v58;
	[tilespmem:s19+$0x810 ss:$0x81] =	vst.msk $0xffff, v56  }
0x19: {  	s16 =	sand.u32 $0x300, s27;
	s20 =	sadd.s32 s25, s20;
	s21 =	sor.u32 s21, s23;
	v59 =	vcombine.high v11, v53;
	[tilespmem:s19+$0x1020 ss:$0x81] =	vst.msk $0xffff, v61  }
0x1a: {  	s28 =	sand.u32 $0x7, s14;
	s16 =	sor.u32 s16, s21;
	s20 =	sshrl.u32 s20, $0x4;
	v62 =	vcombine.high v54, v57;
	[tilespmem:s19+$0x0 ss:$0x81] =	vst.msk $0xffff, v63  }
0x1b: {  	s14 =	sshll.u32 s28, $0x12;
	s20 =	sand.u32 $0x1FE00, s20;
	s16 =	sshrl.u32 s16, $0x4;
	v0 =	vcombine.high v60, v58;
	[tilespmem:s19+$0x2850 ss:$0x81] =	vst.msk $0xffff, v59  }
0x1c: {  	s29 =	sor.u32 s20, s15;
	s30 =	sadd.s32 s4, s16;
	s15 =	sadd.s32 s15, s7;
	[tilespmem:s19+$0x3060 ss:$0x81] =	vst.msk $0xffff, v62  }
0x1d: {  	s14 =	sor.u32 $0x200, s14;
	s31 =	sadd.s32 s29, s30;
	s15 =	sadd.s32 s20, s15;
	[tilespmem:s19+$0x2040 ss:$0x81] =	vst.msk $0xffff, v0  }
0x1e: {  	[hbm4b:s31+s14] =	stream.strided.scatter [tilespmem:s18], [sflag:$0x2], $0x2000, s9, s14, $0x20;
	[tilespmem:$0x10100] =	vst v63  }
0x1f: {  	s17 =	sadd.s32 $0xA040, s17;
	s15 =	sadd.s32 s16, s15  }
0x20: {  	[hbm4b:s15+s14] =	stream.strided.scatter [tilespmem:s17], [sflag:$0x2], $0x2000, s9, s14, $0x20;
	[tilespmem:$0x10100] =	vst v63  }
.LBB1_5:
0x21: {  	s17 =	sadd.s32 $0x80, s10  }
0x22: {  	s14 =	sadd.s32 $0x2, s11;
	s18 =	smov.u32 s11;
	p2 =	sgt.s32 s17, $0xFF  }
0x23: {  	s18 =	smov.u32 @p2 s14  }
0x24: {  	s20 =	smov.u32 s12;
	s14 =	sadd.s32 $0x1000, s12;
	p3 =	sgt.s32 s18, $0x3F  }
0x25: {  	s20 =	smov.u32 @p3 s14  }
0x26: {  	s17 =	simm.s32 @p2 $0x0;
	p2 =	sgt.s32 s20, $0x1FFF  }
0x27: {  	p1 =	slt.u32 s13, $0x2;
	s20 =	smov.u32 @p2 s2;
	p2 =	sne.s32 s13, s8  }
.Ltmp1:
0x28: {  	s19 =	simm.s32 @!p1 $0x2;
	(pc) =	sbr.rel @!p2 .LBB1_6-.Ltmp1, $4  }
0x29: {  	s16 =	smov.u32 s10;
	s15 =	smov.u32 s11;
	_ =	swait.ge @!p1 [sflag:s19], $0x4000  }
0x2a: {  	p0 =	por !p0, !p0;
	[sflag:s19] =	ssyncset.done @!p1 $0x0;
	s10 =	smov.u32 s17  }
0x2b: {  	s18 =	simm.s32 @p3 $0x0;
	s14 =	smov.u32 s12;
	[sflag:s19] =	ssyncadd.s32 @!p1 $0xFFFFC000  }
0x2c: {  	s11 =	smov.u32 s18;
	s13 =	sadd.s32 $0x1, s13;
	s12 =	smov.u32 s20  }
.LBB1_1:
0x2d: {  	p1 =	sge.u32 s13, s6  }
0x2e: {  	s31 =	sadd.s32 $0xFFFFFFFF, s13;
	s17 =	sshll.u32 @!p1 s11, $0x8;
	s18 =	sshll.u32 @!p1 s10, $0x3  }
0x2f: {  	s19 =	sshll.u32 @!p1 s11, $0x7;
	s17 =	sand.u32 @!p1 $0x3800, s17;
	s18 =	sand.u32 @!p1 $0x3C00, s18  }
0x30: {  	s20 =	sxor.u32 @!p1 $0xFFFFFFFF, s13;
	s17 =	sadd.s32 @!p1 s17, s18;
	s18 =	sand.u32 @!p1 $0x300, s19  }
0x31: {  	s19 =	sshrl.u32 @!p1 s10, $0x3;
	s17 =	sor.u32 @!p1 s18, s17;
	s18 =	sshll.u32 @!p1 s12, $0xA  }
0x32: {  	s19 =	sand.u32 @!p1 $0xF, s19;
	s17 =	sshrl.u32 @!p1 s17, $0x4;
	s18 =	sadd.s32 @!p1 s3, s18  }
0x33: {  	s17 =	sand.u32 @!p1 $0x3F0, s17;
	s18 =	sadd.s32 @!p1 s19, s18;
	s19 =	sand.u32 @!p1 $0x7, s10  }
0x34: {  	s17 =	sadd.s32 @!p1 s17, s18;
	s18 =	sshll.u32 @!p1 s20, $0xE;
	s19 =	sshll.u32 @!p1 s19, $0x12  }
0x35: {  	s20 =	simm.s32 @!p1 $0x2000;
	s18 =	sand.u32 @!p1 $0x4000, s18;
	s19 =	sor.u32 @!p1 $0x80, s19  }
0x36: {  	[tilespmem:s18], [sflag:$0x1] =	stream.strided.gather @!p1 [hbm4b:s17+s19], $0x4000, s20, s19, $0x38;
	[tilespmem:$0x10100] =	vst v63  }
0x37: {  	p1 =	sge.u32 s31, s6  }
.Ltmp2:
0x38: {  	_ = 	snop;
	(pc) =	sbr.rel @p1 .LBB1_5-.Ltmp2, $1  }
0x39: {  	_ =	sdelay $0x3  }
0x3a: {  	s17 =	simm.s32 $0x1  }
0x3b: {  	_ =	swait.ge [sflag:s5], $0x4000;
	s17 =	simm.s32 @!p0 $0x0  }
0x3c: {  	[sflag:s5] =	ssyncset.done $0x0;
	s18 =	sshll.u32 s17, $0xE  }
0x3d: {  	[sflag:s5] =	ssyncadd.s32 $0xFFFFC000;
	s18 =	sor.u32 $0x40, s18  }
0x3e: {  	v0 =	vld [tilespmem:s18+$0x20]  }
0x3f: {  	v1 =	vld [tilespmem:s18+$0x30]  }
0x40: {  	v2 =	vld [tilespmem:s18+$0xFFFFFFD0]  }
0x41: {  	v3 =	vld [tilespmem:s18+$0xFFFFFFE0]  }
0x42: {  	v4 =	vld [tilespmem:s18+$0xFFFFFFF0]  }
0x43: {  	v5 =	vld [tilespmem:s18+$0x0]  }
0x44: {  	v6 =	vld [tilespmem:s18+$0x10]  }
0x45: {  	v7 =	vld [tilespmem:s18+$0xFFFFFFC0]  }
0x46: {  	s17 =	smul.u32 $0x10200, s17;
	v1 =	vperm.xlane.i2c.b16 v1;
	v0 =	vperm.xlane.i2c.b16 v0  }
0x47: {  	s18 =	sadd.s32 $0x80, s18;
	v10 =	vperm.xlane.i2c.b16 v2;
	v3 =	vperm.xlane.i2c.b16 v3  }
0x48: {  	s17 =	sshrl.u32 s17, $0x2;
	v9 =	vld [tilespmem:s18+$0x30];
	v4 =	vperm.xlane.i2c.b16 v4;
	v5 =	vperm.xlane.i2c.b16 v5  }
0x49: {  	s19 =	sor.u32 $0x8000, s17;
	v2 =	vld [tilespmem:s18+$0x20];
	v6 =	vperm.xlane.i2c.b16 v6;
	v8 =	vcombine.low v0, v1  }
0x4a: {  	v12 =	vld [tilespmem:s18+$0xFFFFFFF0];
	s20 =	sadd.s32 $0x0, s19;
	v13 =	vperm.xlane.i2c.b16 v7;
	v11 =	vcombine.low v3, v4  }
0x4b: {  	v0 =	vcombine.high v0, v1;
	v1 =	vld [tilespmem:s18+$0xFFFFFFD0];
	v7 =	vcombine.low v5, v6;
	[tilespmem:s20+$0x1830 ss:$0x81] =	vst.msk $0xffff, v8  }
0x4c: {  	v8 =	vld [tilespmem:s18+$0xFFFFFFE0];
	[tilespmem:s20+$0x810 ss:$0x81] =	vst.msk $0xffff, v11  }
0x4d: {  	v14 =	vld [tilespmem:s18+$0x0];
	v9 =	vperm.xlane.i2c.b16 v9;
	v5 =	vcombine.high v5, v6;
	[tilespmem:s20+$0x1020 ss:$0x81] =	vst.msk $0xffff, v7  }
0x4e: {  	s31 =	sand.u32 $0x1, s13;
	[tilespmem:s20+$0x3870 ss:$0x81] =	vst.msk $0xffff, v0;
	v0 =	vcombine.high v3, v4;
	v3 =	vld [tilespmem:s18+$0x10];
	v2 =	vperm.xlane.i2c.b16 v2  }
0x4f: {  	s17 =	smul.u32 $0x10200, s31;
	s21 =	sadd.s32 $0x80, s18;
	v11 =	vcombine.low v13, v10;
	v7 =	vperm.xlane.i2c.b16 v12;
	v4 =	vld [tilespmem:s18+$0xFFFFFFC0];
	[tilespmem:s20+$0x3060 ss:$0x81] =	vst.msk $0xffff, v5  }
0x50: {  	v5 =	vld [tilespmem:s21+$0x30];
	[tilespmem:s20+$0x2850 ss:$0x81] =	vst.msk $0xffff, v0;
	v0 =	vperm.xlane.i2c.b16 v1;
	v15 =	vcombine.low v2, v9  }
0x51: {  	s22 =	sadd.s32 $0x1, s19;
	s17 =	sshrl.u32 s17, $0x2;
	[tilespmem:s20+$0x0 ss:$0x81] =	vst.msk $0xffff, v11;
	v1 =	vld [tilespmem:s21+$0x20];
	v9 =	vcombine.high v2, v9;
	v6 =	vperm.xlane.i2c.b16 v8  }
0x52: {  	s23 =	simm.s32 $0x8;
	s24 =	simm.s32 $0xC;
	v10 =	vcombine.high v13, v10;
	s18 =	sor.u32 $0x8000, s17;
	v2 =	vld [tilespmem:s21+$0xFFFFFFD0];
	v8 =	vperm.xlane.i2c.b16 v14;
	[tilespmem:s22+$0x1830 ss:$0x81] =	vst.msk $0xffff, v15  }
.LBB1_3:
0x53: {  	p1 =	sne.s32 s24, $0x1FC;
	v11 =	vld [tilespmem:s21+$0xFFFFFFE0];
	v12 =	vcombine.low v6, v7;
	v3 =	vperm.xlane.i2c.b16 v3;
	[tilespmem:s22+$0x3870 ss:$0x81] =	vst.msk $0xffff, v9  }
0x54: {  	v13 =	vperm.xlane.i2c.b16 v4;
	v4 =	vcombine.high v6, v7;
	v9 =	vld [tilespmem:s21+$0xFFFFFFF0];
	[tilespmem:s20+$0x2040 ss:$0x81] =	vst.msk $0xffff, v10;
	s20 =	smov.u32 s22  }
0x55: {  	v10 =	vld [tilespmem:s21+$0x0];
	[tilespmem:s20+$0x810 ss:$0x81] =	vst.msk $0xffff, v12;
	v6 =	vcombine.low v8, v3;
	v7 =	vcombine.high v8, v3  }
.Ltmp3:
0x56: {  	v8 =	vperm.xlane.i2c.b16 v5;
	v12 =	vperm.xlane.i2c.b16 v1;
	v3 =	vld [tilespmem:s21+$0x10];
	[tilespmem:s20+$0x2850 ss:$0x81] =	vst.msk $0xffff, v4;
	(pc) =	sbr.rel @p1 .LBB1_3-.Ltmp3, $4  }
0x57: {  	v14 =	vperm.xlane.i2c.b16 v2;
	v2 =	vcombine.low v13, v0;
	v4 =	vld [tilespmem:s21+$0xFFFFFFC0];
	s21 =	sadd.s32 $0x80, s21;
	[tilespmem:s20+$0x1020 ss:$0x81] =	vst.msk $0xffff, v6  }
0x58: {  	s22 =	sshra.s32 s23, $0x2;
	s23 =	smov.u32 s24;
	v1 =	vld [tilespmem:s21+$0x20];
	v6 =	vperm.xlane.i2c.b16 v11;
	v11 =	vcombine.low v12, v8;
	[tilespmem:s20+$0x3060 ss:$0x81] =	vst.msk $0xffff, v7  }
0x59: {  	s22 =	sadd.s32 s22, s19;
	v5 =	vld [tilespmem:s21+$0x30];
	v7 =	vperm.xlane.i2c.b16 v9;
	v9 =	vcombine.high v12, v8;
	[tilespmem:s20+$0x0 ss:$0x81] =	vst.msk $0xffff, v2  }
0x5a: {  	s24 =	sadd.s32 $0x4, s24;
	v2 =	vld [tilespmem:s21+$0xFFFFFFD0];
	v8 =	vperm.xlane.i2c.b16 v10;
	[tilespmem:s22+$0x1830 ss:$0x81] =	vst.msk $0xffff, v11;
	v10 =	vcombine.high v13, v0;
	v0 =	vmov v14  }
.Ltmp4:
0x5b: {  	_ = 	snop;
	(pc) =	sbr.rel .LBB1_4-.Ltmp4, $1  }
0x5c: {  	_ =	sdelay $0x3  }
.LBB1_6:
0x5d: {  	_ =	sfence.sel $0x180000  }
0x5e: {  	s2 =	simm.s32 $0x1;
	[bflag:$0x0] =	sbarrier.arrive $0xFFFF  }
0x5f: {  	s31 =	simm.s32 $0x2;
	[sflag:s2] =	ssyncpa.u1 $0x1  }
0x60: {  	[sflag:s31] =	ssyncpa.u1 $0x1  }
0x61: {  	p0 =	sne.s32 s0, $0x0;
	_ =	strace $0x90000056  }
0x62: {  	s0 =	sadd.s32 @!p0 $0x100000, s1;
	[bflag:$0x2] =	sbarrier.arrive $0xFFFF  }
0x63: {  	[sflag:s0] =	ssyncadd.tile.s32 @!p0 $0x1;
	_ =	shalt  }
.Lfunc_end1:
_tile_overlayer_lowered:
.L_overlay_start_2:
0x64: {  	(tag) =	ssettag $0x2  }
0x65: {  	s0 =	rddreg [dreg:$0x0];
	s2 =	stileid.u32  }
0x66: {  	s1 =	rddreg [dreg:$0x1];
	p0 =	sne.s32 s2, $0x0  }
0x67: {  	s3 =	rddreg [dreg:$0x2];
	[bflag:$0x3] =	sbarrier.arrive $0xFFFF;
	s2 =	simm.s32 @!p0 $0x1C01  }
0x68: {  	[timem:s3], [sflag:s2] =	dma.local @!p0 [hbm:s0], s1  }
0x69: {  	s0 =	simm.s32 @!p0 $0x1  }
0x6a: {  	_ =	swait.ge @!p0 [sflag:s0], s1  }
0x6b: {  	s1 =	ssub.s32 @!p0 $0x0, s1;
	[sflag:s0] =	ssyncset.done @!p0 $0x0  }
0x6c: {  	[sflag:s0] =	ssyncadd.s32 @!p0 s1  }
0x6d: {  	[bflag:$0x3] =	sbarrier.arrive $0xFFFF  }
0x6e: {  	_ =	shalt  }

</sc_bundles>
